<compile_context>
chip_gen: v7x
topology: tpu7x:2x2x1
jax: 0.10.2.dev20260603
libtpu: 0.0.44.dev20260713+nightly
codegen_flags: <defaults>
</compile_context>

<pallas_src>
import jax
import jax.numpy as jnp
from jax import lax
from jax.experimental import pallas as pl
from jax.experimental.pallas import tpu as pltpu
from jax.experimental.pallas import tpu_sc as plsc

N_NODES = 10000
N_EDGES = 320000
D = 128
DH = D // 2

NC = 2
NS = 16
CHUNK = 125
CPT = 160
NBUF = 4
NR = CPT // NBUF
WB = 200
CP_TILES = 10
ROWS_PER_CP = N_NODES // CP_TILES
ZROWS = N_NODES // NS
WROWS = N_NODES // NS


def _make_sc_agg(with_counts: bool):
  mesh = plsc.VectorSubcoreMesh(core_axis_name="c", subcore_axis_name="s")
  out_type = [jax.ShapeDtypeStruct((N_NODES, D), jnp.float32)]
  scratch = [
      pltpu.VMEM((CPT, CHUNK), jnp.int32),
      pltpu.VMEM((CPT, CHUNK), jnp.int32),
      [pltpu.VMEM((CHUNK, DH), jnp.float32) for _ in range(NBUF)],
      pltpu.VMEM((WB, DH), jnp.float32),
      pltpu.VMEM_SHARED((N_NODES, DH), jnp.float32),
      [pltpu.SemaphoreType.DMA for _ in range(NBUF)],
      [pltpu.SemaphoreType.DMA for _ in range(NBUF)],
  ]
  if with_counts:
    out_type.append(jax.ShapeDtypeStruct((NC, N_NODES), jnp.float32))
    scratch += [
        pltpu.VMEM((128,), jnp.float32),
        pltpu.VMEM((1008,), jnp.float32),
        pltpu.VMEM_SHARED((N_NODES,), jnp.float32),
        pltpu.SemaphoreType.DMA,
    ]

  def body(*refs):
    if with_counts:
      (xr_hbm, idx_hbm, out_hbm, cnt_hbm,
       srcv, dstv, msgs, wb, acc, gsem, ssem, ones, zc, cacc, csem) = refs
    else:
      (xr_hbm, idx_hbm, out_hbm,
       srcv, dstv, msgs, wb, acc, gsem, ssem) = refs

    c = lax.axis_index("c")
    s = lax.axis_index("s")

    pltpu.async_copy(idx_hbm.at[c, s], srcv, gsem[0])
    pltpu.async_copy(idx_hbm.at[2, s], dstv, gsem[1])

    z16 = jnp.zeros((16,), jnp.float32)

    def zrow(r, carry):
      for k in range(DH // 16):
        wb[r, pl.ds(k * 16, 16)] = z16
      return carry

    lax.fori_loop(0, WB, zrow, 0)

    off = 0
    while off < ZROWS:
      n = min(WB, ZROWS - off)
      pltpu.sync_copy(wb.at[pl.ds(0, n)],
                      acc.at[pl.ds(s * ZROWS + off, n)])
      off += n

    if with_counts:
      for k in range(8):
        ones[pl.ds(k * 16, 16)] = jnp.ones((16,), jnp.float32)
      for k in range(63):
        zc[pl.ds(k * 16, 16)] = z16

      @pl.when(s < CP_TILES)
      def _():
        pltpu.sync_copy(zc.at[pl.ds(0, ROWS_PER_CP)],
                        cacc.at[pl.ds(s * ROWS_PER_CP, ROWS_PER_CP)])

    pltpu.make_async_copy(idx_hbm.at[c, s], srcv, gsem[0]).wait()
    pltpu.make_async_copy(idx_hbm.at[2, s], dstv, gsem[1]).wait()
    plsc.subcore_barrier()

    do_counts = with_counts

    def step(i, carry):
      for b in range(NBUF):
        j = i * NBUF + b

        @pl.when(i > 0)
        def _():
          pltpu.make_async_copy(
              msgs[b], acc.at[dstv.at[j - NBUF]], ssem[b]).wait()

        pltpu.async_copy(xr_hbm.at[srcv.at[j]], msgs[b], gsem[b])

      for b in range(NBUF):
        j = i * NBUF + b
        pltpu.make_async_copy(xr_hbm.at[srcv.at[j]], msgs[b], gsem[b]).wait()
        pltpu.async_copy(msgs[b], acc.at[dstv.at[j]], ssem[b], add=True)
        if do_counts:
          @pl.when((j < CPT // 2) == (c == 0))
          def _():
            pltpu.async_copy(ones.at[pl.ds(0, CHUNK)], cacc.at[dstv.at[j]],
                             csem, add=True)
      return carry

    lax.fori_loop(0, NR, step, 0)

    for b in range(NBUF):
      pltpu.make_async_copy(
          msgs[b], acc.at[dstv.at[CPT - NBUF + b]], ssem[b]).wait()
    if do_counts:
      def cdrain(j, carry):
        pltpu.make_async_copy(ones.at[pl.ds(0, CHUNK)],
                              cacc.at[dstv.at[j]], csem).wait()
        return carry
      lax.fori_loop(c * (CPT // 2), (c + 1) * (CPT // 2), cdrain, 0)

    plsc.subcore_barrier()

    off = 0
    while off < WROWS:
      n = min(WB, WROWS - off)
      r0 = s * WROWS + off
      pltpu.sync_copy(acc.at[pl.ds(r0, n)], wb.at[pl.ds(0, n)])
      pltpu.sync_copy(wb.at[pl.ds(0, n)],
                      out_hbm.at[pl.ds(r0, n), pl.ds(c * DH, DH)])
      off += n

    if with_counts:
      @pl.when(s < CP_TILES)
      def _():
        pltpu.sync_copy(cacc.at[pl.ds(s * ROWS_PER_CP, ROWS_PER_CP)],
                        zc.at[pl.ds(0, ROWS_PER_CP)])
        pltpu.sync_copy(zc.at[pl.ds(0, ROWS_PER_CP)],
                        cnt_hbm.at[c, pl.ds(s * ROWS_PER_CP, ROWS_PER_CP)])

  return pl.kernel(
      body, out_type=out_type, mesh=mesh, scratch_types=scratch,
      compiler_params=pltpu.CompilerParams(use_tc_tiling_on_sc=False))


_sc_agg_counts = _make_sc_agg(True)
_sc_agg = _make_sc_agg(False)

def _dense_body(p_ref, cnt_ref, x_ref, wl_ref, b_ref, wr_ref, o_ref):
  dn0 = (((0,), (0,)), ((), ()))
  cnt_col = lax.dot_general(cnt_ref[...], jnp.ones((2, 1), jnp.float32),
                            dn0, preferred_element_type=jnp.float32,
                            precision=lax.Precision.HIGHEST)
  agg = p_ref[...] / jnp.maximum(cnt_col, 1.0)
  dn = (((1,), (1,)), ((), ()))
  h = lax.dot_general(agg, wl_ref[...], dn, preferred_element_type=jnp.float32)
  h = h + lax.dot_general(x_ref[...], wr_ref[...], dn,
                          preferred_element_type=jnp.float32)
  o_ref[...] = jnp.maximum(h + b_ref[...], 0.0)


_dense = pl.pallas_call(
    _dense_body,
    in_specs=[
        pl.BlockSpec((N_NODES, D), lambda: (0, 0)),
        pl.BlockSpec((NC, N_NODES), lambda: (0, 0)),
        pl.BlockSpec((N_NODES, D), lambda: (0, 0)),
        pl.BlockSpec((D, D), lambda: (0, 0)),
        pl.BlockSpec((1, D), lambda: (0, 0)),
        pl.BlockSpec((D, D), lambda: (0, 0)),
    ],
    out_specs=pl.BlockSpec((N_NODES, D), lambda: (0, 0)),
    out_shape=jax.ShapeDtypeStruct((N_NODES, D), jnp.float32),
)


@jax.jit
def kernel(x, edge_index, W1_l, b1_l, W1_r, W2_l, b2_l, W2_r):
  ei = edge_index.astype(jnp.int32)
  s2 = ei[0:1] * 2
  idx = jnp.concatenate([s2, s2 + 1, ei[1:2]], axis=0).reshape(
      3, NS, CPT, CHUNK)
  xr = x.reshape(2 * N_NODES, DH)

  p1, cnt = _sc_agg_counts(xr, idx)
  h = _dense(p1, cnt, x, W1_l, b1_l.reshape(1, D), W1_r)
  (p2,) = _sc_agg(h.reshape(2 * N_NODES, DH), idx)
  return _dense(p2, cnt, h, W2_l, b2_l.reshape(1, D), W2_r)

# --- scband reference (transcript-rebuilt; emitter-appended) ---
"""Pipeline reference for scband-sageencoder-83803401879709 (READ-ONLY COPY).

The authoritative reference and input builder live on the scoring server;
editing this copy changes nothing except your own understanding.
"""

import jax, jax.numpy as jnp
import numpy as np

N_NODES = 10000
N_EDGES = 320000
D_IN = 128
D_HID = 128


def setup_inputs(seed: int = 0) -> dict:
    key = jax.random.key(seed)
    ks = jax.random.split(key, 8)
    x = jax.random.normal(ks[0], (N_NODES, D_IN), dtype=jnp.float32)
    edge_index = jax.random.randint(ks[1], (2, N_EDGES), 0, N_NODES, dtype=jnp.int64)
    s1 = 1.0 / np.sqrt(D_IN)
    s2 = 1.0 / np.sqrt(D_HID)
    W1_l = jax.random.uniform(ks[2], (D_HID, D_IN), dtype=jnp.float32, minval=-s1, maxval=s1)
    b1_l = jax.random.uniform(ks[3], (D_HID,), dtype=jnp.float32, minval=-s1, maxval=s1)
    W1_r = jax.random.uniform(ks[4], (D_HID, D_IN), dtype=jnp.float32, minval=-s1, maxval=s1)
    W2_l = jax.random.uniform(ks[5], (D_HID, D_HID), dtype=jnp.float32, minval=-s2, maxval=s2)
    b2_l = jax.random.uniform(ks[6], (D_HID,), dtype=jnp.float32, minval=-s2, maxval=s2)
    W2_r = jax.random.uniform(ks[7], (D_HID, D_HID), dtype=jnp.float32, minval=-s2, maxval=s2)
    return {"x": x, "edge_index": edge_index, "W1_l": W1_l, "b1_l": b1_l, "W1_r": W1_r,
            "W2_l": W2_l, "b2_l": b2_l, "W2_r": W2_r}


def _sage_conv(x, edge_index, W_l, b_l, W_r):
    # PyG SAGEConv: out = lin_l(mean_{j in N(i)} x_j) + lin_r(x_i)
    src = edge_index[0]
    dst = edge_index[1]
    msgs = jnp.take(x, src, axis=0)  # gather source features [E, d]
    summed = jax.ops.segment_sum(msgs, dst, num_segments=x.shape[0])
    ones = jnp.ones((src.shape[0], 1), dtype=x.dtype)
    counts = jax.ops.segment_sum(ones, dst, num_segments=x.shape[0])
    mean = summed / jnp.maximum(counts, 1.0)
    return mean @ W_l.T + b_l + x @ W_r.T


def reference(x, edge_index, W1_l, b1_l, W1_r, W2_l, b2_l, W2_r):
    h = _sage_conv(x, edge_index, W1_l, b1_l, W1_r)
    h = jax.nn.relu(h)
    # dropout is identity in eval mode
    h = _sage_conv(h, edge_index, W2_l, b2_l, W2_r)
    h = jax.nn.relu(h)
    return h

if __name__ == "__main__":
    import jax
    _d = setup_inputs()
    print(jax.jit(kernel)(*tuple(_d.values())))

</pallas_src>

<mosaic_0001>
#map = affine_map<(d0, d1) -> (0, 0)>
#map1 = affine_map<(d0, d1) -> (0, 0, 0, 0)>
module attributes {stable_mosaic.version = 14 : i64} {
  func.func @body(%arg0: i32, %arg1: i32, %arg2: memref<20000x64xf32, #tpu.memory_space<hbm>>, %arg3: memref<3x16x160x125xi32, #tpu.memory_space<hbm>>, %arg4: memref<10000x128xf32, #tpu.memory_space<hbm>>, %arg5: memref<2x10000xf32, #tpu.memory_space<hbm>>, %arg6: memref<160x125xi32, #tpu.memory_space<vmem>>, %arg7: memref<160x125xi32, #tpu.memory_space<vmem>>, %arg8: memref<125x64xf32, #tpu.memory_space<vmem>>, %arg9: memref<125x64xf32, #tpu.memory_space<vmem>>, %arg10: memref<125x64xf32, #tpu.memory_space<vmem>>, %arg11: memref<125x64xf32, #tpu.memory_space<vmem>>, %arg12: memref<200x64xf32, #tpu.memory_space<vmem>>, %arg13: memref<10000x64xf32, #tpu.memory_space<vmem_shared>>, %arg14: memref<!tpu.dma_semaphore, #tpu.memory_space<semaphore_mem>>, %arg15: memref<!tpu.dma_semaphore, #tpu.memory_space<semaphore_mem>>, %arg16: memref<!tpu.dma_semaphore, #tpu.memory_space<semaphore_mem>>, %arg17: memref<!tpu.dma_semaphore, #tpu.memory_space<semaphore_mem>>, %arg18: memref<!tpu.dma_semaphore, #tpu.memory_space<semaphore_mem>>, %arg19: memref<!tpu.dma_semaphore, #tpu.memory_space<semaphore_mem>>, %arg20: memref<!tpu.dma_semaphore, #tpu.memory_space<semaphore_mem>>, %arg21: memref<!tpu.dma_semaphore, #tpu.memory_space<semaphore_mem>>, %arg22: memref<128xf32, #tpu.memory_space<vmem>>, %arg23: memref<1008xf32, #tpu.memory_space<vmem>>, %arg24: memref<10000xf32, #tpu.memory_space<vmem_shared>>, %arg25: memref<!tpu.dma_semaphore, #tpu.memory_space<semaphore_mem>>) attributes {dimension_semantics = [#tpu.dimension_semantics<core_parallel>, #tpu.dimension_semantics<subcore_parallel>], iteration_bounds = array<i64: 2, 16>, scalar_prefetch = 0 : i64, scratch_operands = 20 : i64, tpu.core_type = #tpu.core_type<sc_vector_subcore>, window_params = [{transform_indices = #map}, {transform_indices = #map1}, {transform_indices = #map}, {transform_indices = #map}]} {
    %dma_start3A = arith.constant 0 : i32
    %dma_start3A_0 = arith.constant 0 : i32
    %dma_start3A_1 = tpu.memref_slice %arg3[%arg0, %arg1, %dma_start3A, %dma_start3A_0] : memref<3x16x160x125xi32, #tpu.memory_space<hbm>> -> memref<1x1x160x125xi32, #tpu.memory_space<hbm>>
    %dma_start3A_2 = tpu.memref_squeeze %dma_start3A_1 : memref<1x1x160x125xi32, #tpu.memory_space<hbm>> -> memref<160x125xi32, #tpu.memory_space<hbm>>
    %dma_start3A_3 = arith.constant 0 : i32
    %dma_start3A_4 = arith.constant 0 : i32
    %dma_start3A_5 = tpu.memref_slice %arg3[%arg0, %arg1, %dma_start3A_3, %dma_start3A_4] : memref<3x16x160x125xi32, #tpu.memory_space<hbm>> -> memref<1x1x160x125xi32, #tpu.memory_space<hbm>>
    %dma_start3A_6 = tpu.memref_squeeze %dma_start3A_5 : memref<1x1x160x125xi32, #tpu.memory_space<hbm>> -> memref<160x125xi32, #tpu.memory_space<hbm>>
    tpu.enqueue_dma source(%dma_start3A_6 : memref<160x125xi32, #tpu.memory_space<hbm>>) target(%arg6 : memref<160x125xi32, #tpu.memory_space<vmem>>) target_semaphore(%arg14 : memref<!tpu.dma_semaphore, #tpu.memory_space<semaphore_mem>>)
    %dma_start3A_7 = arith.constant 2 : i32
    %dma_start3A_8 = arith.constant 0 : i32
    %dma_start3A_9 = arith.constant 0 : i32
    %dma_start3A_10 = tpu.memref_slice %arg3[%dma_start3A_7, %arg1, %dma_start3A_8, %dma_start3A_9] : memref<3x16x160x125xi32, #tpu.memory_space<hbm>> -> memref<1x1x160x125xi32, #tpu.memory_space<hbm>>
    %dma_start3A_11 = tpu.memref_squeeze %dma_start3A_10 : memref<1x1x160x125xi32, #tpu.memory_space<hbm>> -> memref<160x125xi32, #tpu.memory_space<hbm>>
    %dma_start3A_12 = arith.constant 0 : i32
    %dma_start3A_13 = arith.constant 0 : i32
    %dma_start3A_14 = tpu.memref_slice %arg3[%dma_start3A_7, %arg1, %dma_start3A_12, %dma_start3A_13] : memref<3x16x160x125xi32, #tpu.memory_space<hbm>> -> memref<1x1x160x125xi32, #tpu.memory_space<hbm>>
    %dma_start3A_15 = tpu.memref_squeeze %dma_start3A_14 : memref<1x1x160x125xi32, #tpu.memory_space<hbm>> -> memref<160x125xi32, #tpu.memory_space<hbm>>
    tpu.enqueue_dma source(%dma_start3A_15 : memref<160x125xi32, #tpu.memory_space<hbm>>) target(%arg7 : memref<160x125xi32, #tpu.memory_space<vmem>>) target_semaphore(%arg15 : memref<!tpu.dma_semaphore, #tpu.memory_space<semaphore_mem>>)
    %broadcast_in_dim3A = arith.constant 0.000000e+00 : f32
    %broadcast_in_dim3A_16 = vector.broadcast %broadcast_in_dim3A : f32 to vector<16xf32>
    %scan3A = arith.constant 0 : i32
    %scan3A_17 = arith.constant 0 : i32
    %scan3A_18 = arith.constant 200 : i32
    %scan3A_19 = arith.addi %scan3A_17, %scan3A_18 : i32
    %scan3A_20 = arith.constant 1 : i32
    scf.for %scan3A_431 = %scan3A_17 to %scan3A_19 step %scan3A_20  : i32 {
      %swap3A_432 = arith.index_cast %scan3A_431 : i32 to index
      %swap3A_433 = arith.constant 0 : index
      %swap3A_434 = tpu.vector_load %arg12[%swap3A_432, %swap3A_433] {strides = array<i32>} : memref<200x64xf32, #tpu.memory_space<vmem>>, vector<1x16xf32>,
      %swap3A_435 = vector.shape_cast %swap3A_434 : vector<1x16xf32> to vector<16xf32>
      %swap3A_436 = vector.shape_cast %broadcast_in_dim3A_16 : vector<16xf32> to vector<1x16xf32>
      tpu.vector_store %arg12[%swap3A_432, %swap3A_433], %swap3A_436 {strides = array<i32>} : memref<200x64xf32, #tpu.memory_space<vmem>>, vector<1x16xf32>,
      %swap3A_437 = arith.index_cast %scan3A_431 : i32 to index
      %swap3A_438 = arith.constant 16 : index
      %swap3A_439 = tpu.vector_load %arg12[%swap3A_437, %swap3A_438] {strides = array<i32>} : memref<200x64xf32, #tpu.memory_space<vmem>>, vector<1x16xf32>,
      %swap3A_440 = vector.shape_cast %swap3A_439 : vector<1x16xf32> to vector<16xf32>
      %swap3A_441 = vector.shape_cast %broadcast_in_dim3A_16 : vector<16xf32> to vector<1x16xf32>
      tpu.vector_store %arg12[%swap3A_437, %swap3A_438], %swap3A_441 {strides = array<i32>} : memref<200x64xf32, #tpu.memory_space<vmem>>, vector<1x16xf32>,
      %swap3A_442 = arith.index_cast %scan3A_431 : i32 to index
      %swap3A_443 = arith.constant 32 : index
      %swap3A_444 = tpu.vector_load %arg12[%swap3A_442, %swap3A_443] {strides = array<i32>} : memref<200x64xf32, #tpu.memory_space<vmem>>, vector<1x16xf32>,
      %swap3A_445 = vector.shape_cast %swap3A_444 : vector<1x16xf32> to vector<16xf32>
      %swap3A_446 = vector.shape_cast %broadcast_in_dim3A_16 : vector<16xf32> to vector<1x16xf32>
      tpu.vector_store %arg12[%swap3A_442, %swap3A_443], %swap3A_446 {strides = array<i32>} : memref<200x64xf32, #tpu.memory_space<vmem>>, vector<1x16xf32>,
      %swap3A_447 = arith.index_cast %scan3A_431 : i32 to index
      %swap3A_448 = arith.constant 48 : index
      %swap3A_449 = tpu.vector_load %arg12[%swap3A_447, %swap3A_448] {strides = array<i32>} : memref<200x64xf32, #tpu.memory_space<vmem>>, vector<1x16xf32>,
      %swap3A_450 = vector.shape_cast %swap3A_449 : vector<1x16xf32> to vector<16xf32>
      %swap3A_451 = vector.shape_cast %broadcast_in_dim3A_16 : vector<16xf32> to vector<1x16xf32>
      tpu.vector_store %arg12[%swap3A_447, %swap3A_448], %swap3A_451 {strides = array<i32>} : memref<200x64xf32, #tpu.memory_space<vmem>>, vector<1x16xf32>,
    }
    %scan3A_21 = arith.constant 200 : i32
    %mul3A = arith.constant 625 : i32
    %mul3A_22 = arith.muli %arg1, %mul3A : i32
    %add3A = arith.constant 0 : i32
    %add3A_23 = arith.addi %mul3A_22, %add3A : i32
    "tpu.region"() ({
      %run_scoped3A = tpu.sem_alloc : memref<!tpu.dma_semaphore, #tpu.memory_space<semaphore_mem>>
      %dma_start3A_431 = arith.constant 0 : i32
      %dma_start3A_432 = arith.constant 0 : i32
      %dma_start3A_433 = tpu.memref_slice %arg12[%dma_start3A_431, %dma_start3A_432] : memref<200x64xf32, #tpu.memory_space<vmem>> -> memref<200x64xf32, #tpu.memory_space<vmem>>
      %dma_start3A_434 = arith.constant 0 : i32
      %dma_start3A_435 = tpu.memref_slice %arg13[%add3A_23, %dma_start3A_434] : memref<10000x64xf32, #tpu.memory_space<vmem_shared>> -> memref<200x64xf32, #tpu.memory_space<vmem_shared>>
      %dma_start3A_436 = arith.constant 0 : i32
      %dma_start3A_437 = tpu.memref_slice %arg13[%add3A_23, %dma_start3A_436] : memref<10000x64xf32, #tpu.memory_space<vmem_shared>> -> memref<200x64xf32, #tpu.memory_space<vmem_shared>>
      %dma_start3A_438 = arith.constant 0 : i32
      %dma_start3A_439 = arith.constant 0 : i32
      %dma_start3A_440 = tpu.memref_slice %arg12[%dma_start3A_438, %dma_start3A_439] : memref<200x64xf32, #tpu.memory_space<vmem>> -> memref<200x64xf32, #tpu.memory_space<vmem>>
      tpu.enqueue_dma source(%dma_start3A_440 : memref<200x64xf32, #tpu.memory_space<vmem>>) target(%dma_start3A_437 : memref<200x64xf32, #tpu.memory_space<vmem_shared>>) target_semaphore(%run_scoped3A : memref<!tpu.dma_semaphore, #tpu.memory_space<semaphore_mem>>)
      %dma_wait3A_441 = arith.constant 0 : i32
      %dma_wait3A_442 = arith.constant 0 : i32
      %dma_wait3A_443 = tpu.memref_slice %arg12[%dma_wait3A_441, %dma_wait3A_442] : memref<200x64xf32, #tpu.memory_space<vmem>> -> memref<200x64xf32, #tpu.memory_space<vmem>>
      %dma_wait3A_444 = arith.constant 0 : i32
      %dma_wait3A_445 = tpu.memref_slice %arg13[%add3A_23, %dma_wait3A_444] : memref<10000x64xf32, #tpu.memory_space<vmem_shared>> -> memref<200x64xf32, #tpu.memory_space<vmem_shared>>
      %dma_wait3A_446 = arith.constant 0 : i32
      %dma_wait3A_447 = tpu.memref_slice %arg13[%add3A_23, %dma_wait3A_446] : memref<10000x64xf32, #tpu.memory_space<vmem_shared>> -> memref<200x64xf32, #tpu.memory_space<vmem_shared>>
      %dma_wait3A_448 = arith.constant 0 : i32
      %dma_wait3A_449 = arith.constant 0 : i32
      %dma_wait3A_450 = tpu.memref_slice %arg12[%dma_wait3A_448, %dma_wait3A_449] : memref<200x64xf32, #tpu.memory_space<vmem>> -> memref<200x64xf32, #tpu.memory_space<vmem>>
      tpu.wait_dma2 semaphore(%run_scoped3A : memref<!tpu.dma_semaphore, #tpu.memory_space<semaphore_mem>>) src(%dma_wait3A_450 : memref<200x64xf32, #tpu.memory_space<vmem>>) dst(%dma_wait3A_447 : memref<200x64xf32, #tpu.memory_space<vmem_shared>>)
      tpu.yield
    }) : () -> ()
    %mul3A_24 = arith.constant 625 : i32
    %mul3A_25 = arith.muli %arg1, %mul3A_24 : i32
    %add3A_26 = arith.constant 200 : i32
    %add3A_27 = arith.addi %mul3A_25, %add3A_26 : i32
    "tpu.region"() ({
      %run_scoped3A = tpu.sem_alloc : memref<!tpu.dma_semaphore, #tpu.memory_space<semaphore_mem>>
      %dma_start3A_431 = arith.constant 0 : i32
      %dma_start3A_432 = arith.constant 0 : i32
      %dma_start3A_433 = tpu.memref_slice %arg12[%dma_start3A_431, %dma_start3A_432] : memref<200x64xf32, #tpu.memory_space<vmem>> -> memref<200x64xf32, #tpu.memory_space<vmem>>
      %dma_start3A_434 = arith.constant 0 : i32
      %dma_start3A_435 = tpu.memref_slice %arg13[%add3A_27, %dma_start3A_434] : memref<10000x64xf32, #tpu.memory_space<vmem_shared>> -> memref<200x64xf32, #tpu.memory_space<vmem_shared>>
      %dma_start3A_436 = arith.constant 0 : i32
      %dma_start3A_437 = tpu.memref_slice %arg13[%add3A_27, %dma_start3A_436] : memref<10000x64xf32, #tpu.memory_space<vmem_shared>> -> memref<200x64xf32, #tpu.memory_space<vmem_shared>>
      %dma_start3A_438 = arith.constant 0 : i32
      %dma_start3A_439 = arith.constant 0 : i32
      %dma_start3A_440 = tpu.memref_slice %arg12[%dma_start3A_438, %dma_start3A_439] : memref<200x64xf32, #tpu.memory_space<vmem>> -> memref<200x64xf32, #tpu.memory_space<vmem>>
      tpu.enqueue_dma source(%dma_start3A_440 : memref<200x64xf32, #tpu.memory_space<vmem>>) target(%dma_start3A_437 : memref<200x64xf32, #tpu.memory_space<vmem_shared>>) target_semaphore(%run_scoped3A : memref<!tpu.dma_semaphore, #tpu.memory_space<semaphore_mem>>)
      %dma_wait3A_441 = arith.constant 0 : i32
      %dma_wait3A_442 = arith.constant 0 : i32
      %dma_wait3A_443 = tpu.memref_slice %arg12[%dma_wait3A_441, %dma_wait3A_442] : memref<200x64xf32, #tpu.memory_space<vmem>> -> memref<200x64xf32, #tpu.memory_space<vmem>>
      %dma_wait3A_444 = arith.constant 0 : i32
      %dma_wait3A_445 = tpu.memref_slice %arg13[%add3A_27, %dma_wait3A_444] : memref<10000x64xf32, #tpu.memory_space<vmem_shared>> -> memref<200x64xf32, #tpu.memory_space<vmem_shared>>
      %dma_wait3A_446 = arith.constant 0 : i32
      %dma_wait3A_447 = tpu.memref_slice %arg13[%add3A_27, %dma_wait3A_446] : memref<10000x64xf32, #tpu.memory_space<vmem_shared>> -> memref<200x64xf32, #tpu.memory_space<vmem_shared>>
      %dma_wait3A_448 = arith.constant 0 : i32
      %dma_wait3A_449 = arith.constant 0 : i32
      %dma_wait3A_450 = tpu.memref_slice %arg12[%dma_wait3A_448, %dma_wait3A_449] : memref<200x64xf32, #tpu.memory_space<vmem>> -> memref<200x64xf32, #tpu.memory_space<vmem>>
      tpu.wait_dma2 semaphore(%run_scoped3A : memref<!tpu.dma_semaphore, #tpu.memory_space<semaphore_mem>>) src(%dma_wait3A_450 : memref<200x64xf32, #tpu.memory_space<vmem>>) dst(%dma_wait3A_447 : memref<200x64xf32, #tpu.memory_space<vmem_shared>>)
      tpu.yield
    }) : () -> ()
    %mul3A_28 = arith.constant 625 : i32
    %mul3A_29 = arith.muli %arg1, %mul3A_28 : i32
    %add3A_30 = arith.constant 400 : i32
    %add3A_31 = arith.addi %mul3A_29, %add3A_30 : i32
    "tpu.region"() ({
      %run_scoped3A = tpu.sem_alloc : memref<!tpu.dma_semaphore, #tpu.memory_space<semaphore_mem>>
      %dma_start3A_431 = arith.constant 0 : i32
      %dma_start3A_432 = arith.constant 0 : i32
      %dma_start3A_433 = tpu.memref_slice %arg12[%dma_start3A_431, %dma_start3A_432] : memref<200x64xf32, #tpu.memory_space<vmem>> -> memref<200x64xf32, #tpu.memory_space<vmem>>
      %dma_start3A_434 = arith.constant 0 : i32
      %dma_start3A_435 = tpu.memref_slice %arg13[%add3A_31, %dma_start3A_434] : memref<10000x64xf32, #tpu.memory_space<vmem_shared>> -> memref<200x64xf32, #tpu.memory_space<vmem_shared>>
      %dma_start3A_436 = arith.constant 0 : i32
      %dma_start3A_437 = tpu.memref_slice %arg13[%add3A_31, %dma_start3A_436] : memref<10000x64xf32, #tpu.memory_space<vmem_shared>> -> memref<200x64xf32, #tpu.memory_space<vmem_shared>>
      %dma_start3A_438 = arith.constant 0 : i32
      %dma_start3A_439 = arith.constant 0 : i32
      %dma_start3A_440 = tpu.memref_slice %arg12[%dma_start3A_438, %dma_start3A_439] : memref<200x64xf32, #tpu.memory_space<vmem>> -> memref<200x64xf32, #tpu.memory_space<vmem>>
      tpu.enqueue_dma source(%dma_start3A_440 : memref<200x64xf32, #tpu.memory_space<vmem>>) target(%dma_start3A_437 : memref<200x64xf32, #tpu.memory_space<vmem_shared>>) target_semaphore(%run_scoped3A : memref<!tpu.dma_semaphore, #tpu.memory_space<semaphore_mem>>)
      %dma_wait3A_441 = arith.constant 0 : i32
      %dma_wait3A_442 = arith.constant 0 : i32
      %dma_wait3A_443 = tpu.memref_slice %arg12[%dma_wait3A_441, %dma_wait3A_442] : memref<200x64xf32, #tpu.memory_space<vmem>> -> memref<200x64xf32, #tpu.memory_space<vmem>>
      %dma_wait3A_444 = arith.constant 0 : i32
      %dma_wait3A_445 = tpu.memref_slice %arg13[%add3A_31, %dma_wait3A_444] : memref<10000x64xf32, #tpu.memory_space<vmem_shared>> -> memref<200x64xf32, #tpu.memory_space<vmem_shared>>
      %dma_wait3A_446 = arith.constant 0 : i32
      %dma_wait3A_447 = tpu.memref_slice %arg13[%add3A_31, %dma_wait3A_446] : memref<10000x64xf32, #tpu.memory_space<vmem_shared>> -> memref<200x64xf32, #tpu.memory_space<vmem_shared>>
      %dma_wait3A_448 = arith.constant 0 : i32
      %dma_wait3A_449 = arith.constant 0 : i32
      %dma_wait3A_450 = tpu.memref_slice %arg12[%dma_wait3A_448, %dma_wait3A_449] : memref<200x64xf32, #tpu.memory_space<vmem>> -> memref<200x64xf32, #tpu.memory_space<vmem>>
      tpu.wait_dma2 semaphore(%run_scoped3A : memref<!tpu.dma_semaphore, #tpu.memory_space<semaphore_mem>>) src(%dma_wait3A_450 : memref<200x64xf32, #tpu.memory_space<vmem>>) dst(%dma_wait3A_447 : memref<200x64xf32, #tpu.memory_space<vmem_shared>>)
      tpu.yield
    }) : () -> ()
    %mul3A_32 = arith.constant 625 : i32
    %mul3A_33 = arith.muli %arg1, %mul3A_32 : i32
    %add3A_34 = arith.constant 600 : i32
    %add3A_35 = arith.addi %mul3A_33, %add3A_34 : i32
    "tpu.region"() ({
      %run_scoped3A = tpu.sem_alloc : memref<!tpu.dma_semaphore, #tpu.memory_space<semaphore_mem>>
      %dma_start3A_431 = arith.constant 0 : i32
      %dma_start3A_432 = arith.constant 0 : i32
      %dma_start3A_433 = tpu.memref_slice %arg12[%dma_start3A_431, %dma_start3A_432] : memref<200x64xf32, #tpu.memory_space<vmem>> -> memref<25x64xf32, #tpu.memory_space<vmem>>
      %dma_start3A_434 = arith.constant 0 : i32
      %dma_start3A_435 = tpu.memref_slice %arg13[%add3A_35, %dma_start3A_434] : memref<10000x64xf32, #tpu.memory_space<vmem_shared>> -> memref<25x64xf32, #tpu.memory_space<vmem_shared>>
      %dma_start3A_436 = arith.constant 0 : i32
      %dma_start3A_437 = tpu.memref_slice %arg13[%add3A_35, %dma_start3A_436] : memref<10000x64xf32, #tpu.memory_space<vmem_shared>> -> memref<25x64xf32, #tpu.memory_space<vmem_shared>>
      %dma_start3A_438 = arith.constant 0 : i32
      %dma_start3A_439 = arith.constant 0 : i32
      %dma_start3A_440 = tpu.memref_slice %arg12[%dma_start3A_438, %dma_start3A_439] : memref<200x64xf32, #tpu.memory_space<vmem>> -> memref<25x64xf32, #tpu.memory_space<vmem>>
      tpu.enqueue_dma source(%dma_start3A_440 : memref<25x64xf32, #tpu.memory_space<vmem>>) target(%dma_start3A_437 : memref<25x64xf32, #tpu.memory_space<vmem_shared>>) target_semaphore(%run_scoped3A : memref<!tpu.dma_semaphore, #tpu.memory_space<semaphore_mem>>)
      %dma_wait3A_441 = arith.constant 0 : i32
      %dma_wait3A_442 = arith.constant 0 : i32
      %dma_wait3A_443 = tpu.memref_slice %arg12[%dma_wait3A_441, %dma_wait3A_442] : memref<200x64xf32, #tpu.memory_space<vmem>> -> memref<25x64xf32, #tpu.memory_space<vmem>>
      %dma_wait3A_444 = arith.constant 0 : i32
      %dma_wait3A_445 = tpu.memref_slice %arg13[%add3A_35, %dma_wait3A_444] : memref<10000x64xf32, #tpu.memory_space<vmem_shared>> -> memref<25x64xf32, #tpu.memory_space<vmem_shared>>
      %dma_wait3A_446 = arith.constant 0 : i32
      %dma_wait3A_447 = tpu.memref_slice %arg13[%add3A_35, %dma_wait3A_446] : memref<10000x64xf32, #tpu.memory_space<vmem_shared>> -> memref<25x64xf32, #tpu.memory_space<vmem_shared>>
      %dma_wait3A_448 = arith.constant 0 : i32
      %dma_wait3A_449 = arith.constant 0 : i32
      %dma_wait3A_450 = tpu.memref_slice %arg12[%dma_wait3A_448, %dma_wait3A_449] : memref<200x64xf32, #tpu.memory_space<vmem>> -> memref<25x64xf32, #tpu.memory_space<vmem>>
      tpu.wait_dma2 semaphore(%run_scoped3A : memref<!tpu.dma_semaphore, #tpu.memory_space<semaphore_mem>>) src(%dma_wait3A_450 : memref<25x64xf32, #tpu.memory_space<vmem>>) dst(%dma_wait3A_447 : memref<25x64xf32, #tpu.memory_space<vmem_shared>>)
      tpu.yield
    }) : () -> ()
    %broadcast_in_dim3A_36 = arith.constant 1.000000e+00 : f32
    %broadcast_in_dim3A_37 = vector.broadcast %broadcast_in_dim3A_36 : f32 to vector<16xf32>
    %swap3A = arith.constant 0 : index
    %swap3A_38 = tpu.vector_load %arg22[%swap3A] {strides = array<i32>} : memref<128xf32, #tpu.memory_space<vmem>>, vector<16xf32>,
    %swap3A_39 = vector.shape_cast %swap3A_38 : vector<16xf32> to vector<16xf32>
    %swap3A_40 = vector.shape_cast %broadcast_in_dim3A_37 : vector<16xf32> to vector<16xf32>
    tpu.vector_store %arg22[%swap3A], %swap3A_40 {strides = array<i32>} : memref<128xf32, #tpu.memory_space<vmem>>, vector<16xf32>,
    %broadcast_in_dim3A_41 = arith.constant 1.000000e+00 : f32
    %broadcast_in_dim3A_42 = vector.broadcast %broadcast_in_dim3A_41 : f32 to vector<16xf32>
    %swap3A_43 = arith.constant 16 : index
    %swap3A_44 = tpu.vector_load %arg22[%swap3A_43] {strides = array<i32>} : memref<128xf32, #tpu.memory_space<vmem>>, vector<16xf32>,
    %swap3A_45 = vector.shape_cast %swap3A_44 : vector<16xf32> to vector<16xf32>
    %swap3A_46 = vector.shape_cast %broadcast_in_dim3A_42 : vector<16xf32> to vector<16xf32>
    tpu.vector_store %arg22[%swap3A_43], %swap3A_46 {strides = array<i32>} : memref<128xf32, #tpu.memory_space<vmem>>, vector<16xf32>,
    %broadcast_in_dim3A_47 = arith.constant 1.000000e+00 : f32
    %broadcast_in_dim3A_48 = vector.broadcast %broadcast_in_dim3A_47 : f32 to vector<16xf32>
    %swap3A_49 = arith.constant 32 : index
    %swap3A_50 = tpu.vector_load %arg22[%swap3A_49] {strides = array<i32>} : memref<128xf32, #tpu.memory_space<vmem>>, vector<16xf32>,
    %swap3A_51 = vector.shape_cast %swap3A_50 : vector<16xf32> to vector<16xf32>
    %swap3A_52 = vector.shape_cast %broadcast_in_dim3A_48 : vector<16xf32> to vector<16xf32>
    tpu.vector_store %arg22[%swap3A_49], %swap3A_52 {strides = array<i32>} : memref<128xf32, #tpu.memory_space<vmem>>, vector<16xf32>,
    %broadcast_in_dim3A_53 = arith.constant 1.000000e+00 : f32
    %broadcast_in_dim3A_54 = vector.broadcast %broadcast_in_dim3A_53 : f32 to vector<16xf32>
    %swap3A_55 = arith.constant 48 : index
    %swap3A_56 = tpu.vector_load %arg22[%swap3A_55] {strides = array<i32>} : memref<128xf32, #tpu.memory_space<vmem>>, vector<16xf32>,
    %swap3A_57 = vector.shape_cast %swap3A_56 : vector<16xf32> to vector<16xf32>
    %swap3A_58 = vector.shape_cast %broadcast_in_dim3A_54 : vector<16xf32> to vector<16xf32>
    tpu.vector_store %arg22[%swap3A_55], %swap3A_58 {strides = array<i32>} : memref<128xf32, #tpu.memory_space<vmem>>, vector<16xf32>,
    %broadcast_in_dim3A_59 = arith.constant 1.000000e+00 : f32
    %broadcast_in_dim3A_60 = vector.broadcast %broadcast_in_dim3A_59 : f32 to vector<16xf32>
    %swap3A_61 = arith.constant 64 : index
    %swap3A_62 = tpu.vector_load %arg22[%swap3A_61] {strides = array<i32>} : memref<128xf32, #tpu.memory_space<vmem>>, vector<16xf32>,
    %swap3A_63 = vector.shape_cast %swap3A_62 : vector<16xf32> to vector<16xf32>
    %swap3A_64 = vector.shape_cast %broadcast_in_dim3A_60 : vector<16xf32> to vector<16xf32>
    tpu.vector_store %arg22[%swap3A_61], %swap3A_64 {strides = array<i32>} : memref<128xf32, #tpu.memory_space<vmem>>, vector<16xf32>,
    %broadcast_in_dim3A_65 = arith.constant 1.000000e+00 : f32
    %broadcast_in_dim3A_66 = vector.broadcast %broadcast_in_dim3A_65 : f32 to vector<16xf32>
    %swap3A_67 = arith.constant 80 : index
    %swap3A_68 = tpu.vector_load %arg22[%swap3A_67] {strides = array<i32>} : memref<128xf32, #tpu.memory_space<vmem>>, vector<16xf32>,
    %swap3A_69 = vector.shape_cast %swap3A_68 : vector<16xf32> to vector<16xf32>
    %swap3A_70 = vector.shape_cast %broadcast_in_dim3A_66 : vector<16xf32> to vector<16xf32>
    tpu.vector_store %arg22[%swap3A_67], %swap3A_70 {strides = array<i32>} : memref<128xf32, #tpu.memory_space<vmem>>, vector<16xf32>,
    %broadcast_in_dim3A_71 = arith.constant 1.000000e+00 : f32
    %broadcast_in_dim3A_72 = vector.broadcast %broadcast_in_dim3A_71 : f32 to vector<16xf32>
    %swap3A_73 = arith.constant 96 : index
    %swap3A_74 = tpu.vector_load %arg22[%swap3A_73] {strides = array<i32>} : memref<128xf32, #tpu.memory_space<vmem>>, vector<16xf32>,
    %swap3A_75 = vector.shape_cast %swap3A_74 : vector<16xf32> to vector<16xf32>
    %swap3A_76 = vector.shape_cast %broadcast_in_dim3A_72 : vector<16xf32> to vector<16xf32>
    tpu.vector_store %arg22[%swap3A_73], %swap3A_76 {strides = array<i32>} : memref<128xf32, #tpu.memory_space<vmem>>, vector<16xf32>,
    %broadcast_in_dim3A_77 = arith.constant 1.000000e+00 : f32
    %broadcast_in_dim3A_78 = vector.broadcast %broadcast_in_dim3A_77 : f32 to vector<16xf32>
    %swap3A_79 = arith.constant 112 : index
    %swap3A_80 = tpu.vector_load %arg22[%swap3A_79] {strides = array<i32>} : memref<128xf32, #tpu.memory_space<vmem>>, vector<16xf32>,
    %swap3A_81 = vector.shape_cast %swap3A_80 : vector<16xf32> to vector<16xf32>
    %swap3A_82 = vector.shape_cast %broadcast_in_dim3A_78 : vector<16xf32> to vector<16xf32>
    tpu.vector_store %arg22[%swap3A_79], %swap3A_82 {strides = array<i32>} : memref<128xf32, #tpu.memory_space<vmem>>, vector<16xf32>,
    %swap3A_83 = arith.constant 0 : index
    %swap3A_84 = tpu.vector_load %arg23[%swap3A_83] {strides = array<i32>} : memref<1008xf32, #tpu.memory_space<vmem>>, vector<16xf32>,
    %swap3A_85 = vector.shape_cast %swap3A_84 : vector<16xf32> to vector<16xf32>
    %swap3A_86 = vector.shape_cast %broadcast_in_dim3A_16 : vector<16xf32> to vector<16xf32>
    tpu.vector_store %arg23[%swap3A_83], %swap3A_86 {strides = array<i32>} : memref<1008xf32, #tpu.memory_space<vmem>>, vector<16xf32>,
    %swap3A_87 = arith.constant 16 : index
    %swap3A_88 = tpu.vector_load %arg23[%swap3A_87] {strides = array<i32>} : memref<1008xf32, #tpu.memory_space<vmem>>, vector<16xf32>,
    %swap3A_89 = vector.shape_cast %swap3A_88 : vector<16xf32> to vector<16xf32>
    %swap3A_90 = vector.shape_cast %broadcast_in_dim3A_16 : vector<16xf32> to vector<16xf32>
    tpu.vector_store %arg23[%swap3A_87], %swap3A_90 {strides = array<i32>} : memref<1008xf32, #tpu.memory_space<vmem>>, vector<16xf32>,
    %swap3A_91 = arith.constant 32 : index
    %swap3A_92 = tpu.vector_load %arg23[%swap3A_91] {strides = array<i32>} : memref<1008xf32, #tpu.memory_space<vmem>>, vector<16xf32>,
    %swap3A_93 = vector.shape_cast %swap3A_92 : vector<16xf32> to vector<16xf32>
    %swap3A_94 = vector.shape_cast %broadcast_in_dim3A_16 : vector<16xf32> to vector<16xf32>
    tpu.vector_store %arg23[%swap3A_91], %swap3A_94 {strides = array<i32>} : memref<1008xf32, #tpu.memory_space<vmem>>, vector<16xf32>,
    %swap3A_95 = arith.constant 48 : index
    %swap3A_96 = tpu.vector_load %arg23[%swap3A_95] {strides = array<i32>} : memref<1008xf32, #tpu.memory_space<vmem>>, vector<16xf32>,
    %swap3A_97 = vector.shape_cast %swap3A_96 : vector<16xf32> to vector<16xf32>
    %swap3A_98 = vector.shape_cast %broadcast_in_dim3A_16 : vector<16xf32> to vector<16xf32>
    tpu.vector_store %arg23[%swap3A_95], %swap3A_98 {strides = array<i32>} : memref<1008xf32, #tpu.memory_space<vmem>>, vector<16xf32>,
    %swap3A_99 = arith.constant 64 : index
    %swap3A_100 = tpu.vector_load %arg23[%swap3A_99] {strides = array<i32>} : memref<1008xf32, #tpu.memory_space<vmem>>, vector<16xf32>,
    %swap3A_101 = vector.shape_cast %swap3A_100 : vector<16xf32> to vector<16xf32>
    %swap3A_102 = vector.shape_cast %broadcast_in_dim3A_16 : vector<16xf32> to vector<16xf32>
    tpu.vector_store %arg23[%swap3A_99], %swap3A_102 {strides = array<i32>} : memref<1008xf32, #tpu.memory_space<vmem>>, vector<16xf32>,
    %swap3A_103 = arith.constant 80 : index
    %swap3A_104 = tpu.vector_load %arg23[%swap3A_103] {strides = array<i32>} : memref<1008xf32, #tpu.memory_space<vmem>>, vector<16xf32>,
    %swap3A_105 = vector.shape_cast %swap3A_104 : vector<16xf32> to vector<16xf32>
    %swap3A_106 = vector.shape_cast %broadcast_in_dim3A_16 : vector<16xf32> to vector<16xf32>
    tpu.vector_store %arg23[%swap3A_103], %swap3A_106 {strides = array<i32>} : memref<1008xf32, #tpu.memory_space<vmem>>, vector<16xf32>,
    %swap3A_107 = arith.constant 96 : index
    %swap3A_108 = tpu.vector_load %arg23[%swap3A_107] {strides = array<i32>} : memref<1008xf32, #tpu.memory_space<vmem>>, vector<16xf32>,
    %swap3A_109 = vector.shape_cast %swap3A_108 : vector<16xf32> to vector<16xf32>
    %swap3A_110 = vector.shape_cast %broadcast_in_dim3A_16 : vector<16xf32> to vector<16xf32>
    tpu.vector_store %arg23[%swap3A_107], %swap3A_110 {strides = array<i32>} : memref<1008xf32, #tpu.memory_space<vmem>>, vector<16xf32>,
    %swap3A_111 = arith.constant 112 : index
    %swap3A_112 = tpu.vector_load %arg23[%swap3A_111] {strides = array<i32>} : memref<1008xf32, #tpu.memory_space<vmem>>, vector<16xf32>,
    %swap3A_113 = vector.shape_cast %swap3A_112 : vector<16xf32> to vector<16xf32>
    %swap3A_114 = vector.shape_cast %broadcast_in_dim3A_16 : vector<16xf32> to vector<16xf32>
    tpu.vector_store %arg23[%swap3A_111], %swap3A_114 {strides = array<i32>} : memref<1008xf32, #tpu.memory_space<vmem>>, vector<16xf32>,
    %swap3A_115 = arith.constant 128 : index
    %swap3A_116 = tpu.vector_load %arg23[%swap3A_115] {strides = array<i32>} : memref<1008xf32, #tpu.memory_space<vmem>>, vector<16xf32>,
    %swap3A_117 = vector.shape_cast %swap3A_116 : vector<16xf32> to vector<16xf32>
    %swap3A_118 = vector.shape_cast %broadcast_in_dim3A_16 : vector<16xf32> to vector<16xf32>
    tpu.vector_store %arg23[%swap3A_115], %swap3A_118 {strides = array<i32>} : memref<1008xf32, #tpu.memory_space<vmem>>, vector<16xf32>,
    %swap3A_119 = arith.constant 144 : index
    %swap3A_120 = tpu.vector_load %arg23[%swap3A_119] {strides = array<i32>} : memref<1008xf32, #tpu.memory_space<vmem>>, vector<16xf32>,
    %swap3A_121 = vector.shape_cast %swap3A_120 : vector<16xf32> to vector<16xf32>
    %swap3A_122 = vector.shape_cast %broadcast_in_dim3A_16 : vector<16xf32> to vector<16xf32>
    tpu.vector_store %arg23[%swap3A_119], %swap3A_122 {strides = array<i32>} : memref<1008xf32, #tpu.memory_space<vmem>>, vector<16xf32>,
    %swap3A_123 = arith.constant 160 : index
    %swap3A_124 = tpu.vector_load %arg23[%swap3A_123] {strides = array<i32>} : memref<1008xf32, #tpu.memory_space<vmem>>, vector<16xf32>,
    %swap3A_125 = vector.shape_cast %swap3A_124 : vector<16xf32> to vector<16xf32>
    %swap3A_126 = vector.shape_cast %broadcast_in_dim3A_16 : vector<16xf32> to vector<16xf32>
    tpu.vector_store %arg23[%swap3A_123], %swap3A_126 {strides = array<i32>} : memref<1008xf32, #tpu.memory_space<vmem>>, vector<16xf32>,
    %swap3A_127 = arith.constant 176 : index
    %swap3A_128 = tpu.vector_load %arg23[%swap3A_127] {strides = array<i32>} : memref<1008xf32, #tpu.memory_space<vmem>>, vector<16xf32>,
    %swap3A_129 = vector.shape_cast %swap3A_128 : vector<16xf32> to vector<16xf32>
    %swap3A_130 = vector.shape_cast %broadcast_in_dim3A_16 : vector<16xf32> to vector<16xf32>
    tpu.vector_store %arg23[%swap3A_127], %swap3A_130 {strides = array<i32>} : memref<1008xf32, #tpu.memory_space<vmem>>, vector<16xf32>,
    %swap3A_131 = arith.constant 192 : index
    %swap3A_132 = tpu.vector_load %arg23[%swap3A_131] {strides = array<i32>} : memref<1008xf32, #tpu.memory_space<vmem>>, vector<16xf32>,
    %swap3A_133 = vector.shape_cast %swap3A_132 : vector<16xf32> to vector<16xf32>
    %swap3A_134 = vector.shape_cast %broadcast_in_dim3A_16 : vector<16xf32> to vector<16xf32>
    tpu.vector_store %arg23[%swap3A_131], %swap3A_134 {strides = array<i32>} : memref<1008xf32, #tpu.memory_space<vmem>>, vector<16xf32>,
    %swap3A_135 = arith.constant 208 : index
    %swap3A_136 = tpu.vector_load %arg23[%swap3A_135] {strides = array<i32>} : memref<1008xf32, #tpu.memory_space<vmem>>, vector<16xf32>,
    %swap3A_137 = vector.shape_cast %swap3A_136 : vector<16xf32> to vector<16xf32>
    %swap3A_138 = vector.shape_cast %broadcast_in_dim3A_16 : vector<16xf32> to vector<16xf32>
    tpu.vector_store %arg23[%swap3A_135], %swap3A_138 {strides = array<i32>} : memref<1008xf32, #tpu.memory_space<vmem>>, vector<16xf32>,
    %swap3A_139 = arith.constant 224 : index
    %swap3A_140 = tpu.vector_load %arg23[%swap3A_139] {strides = array<i32>} : memref<1008xf32, #tpu.memory_space<vmem>>, vector<16xf32>,
    %swap3A_141 = vector.shape_cast %swap3A_140 : vector<16xf32> to vector<16xf32>
    %swap3A_142 = vector.shape_cast %broadcast_in_dim3A_16 : vector<16xf32> to vector<16xf32>
    tpu.vector_store %arg23[%swap3A_139], %swap3A_142 {strides = array<i32>} : memref<1008xf32, #tpu.memory_space<vmem>>, vector<16xf32>,
    %swap3A_143 = arith.constant 240 : index
    %swap3A_144 = tpu.vector_load %arg23[%swap3A_143] {strides = array<i32>} : memref<1008xf32, #tpu.memory_space<vmem>>, vector<16xf32>,
    %swap3A_145 = vector.shape_cast %swap3A_144 : vector<16xf32> to vector<16xf32>
    %swap3A_146 = vector.shape_cast %broadcast_in_dim3A_16 : vector<16xf32> to vector<16xf32>
    tpu.vector_store %arg23[%swap3A_143], %swap3A_146 {strides = array<i32>} : memref<1008xf32, #tpu.memory_space<vmem>>, vector<16xf32>,
    %swap3A_147 = arith.constant 256 : index
    %swap3A_148 = tpu.vector_load %arg23[%swap3A_147] {strides = array<i32>} : memref<1008xf32, #tpu.memory_space<vmem>>, vector<16xf32>,
    %swap3A_149 = vector.shape_cast %swap3A_148 : vector<16xf32> to vector<16xf32>
    %swap3A_150 = vector.shape_cast %broadcast_in_dim3A_16 : vector<16xf32> to vector<16xf32>
    tpu.vector_store %arg23[%swap3A_147], %swap3A_150 {strides = array<i32>} : memref<1008xf32, #tpu.memory_space<vmem>>, vector<16xf32>,
    %swap3A_151 = arith.constant 272 : index
    %swap3A_152 = tpu.vector_load %arg23[%swap3A_151] {strides = array<i32>} : memref<1008xf32, #tpu.memory_space<vmem>>, vector<16xf32>,
    %swap3A_153 = vector.shape_cast %swap3A_152 : vector<16xf32> to vector<16xf32>
    %swap3A_154 = vector.shape_cast %broadcast_in_dim3A_16 : vector<16xf32> to vector<16xf32>
    tpu.vector_store %arg23[%swap3A_151], %swap3A_154 {strides = array<i32>} : memref<1008xf32, #tpu.memory_space<vmem>>, vector<16xf32>,
    %swap3A_155 = arith.constant 288 : index
    %swap3A_156 = tpu.vector_load %arg23[%swap3A_155] {strides = array<i32>} : memref<1008xf32, #tpu.memory_space<vmem>>, vector<16xf32>,
    %swap3A_157 = vector.shape_cast %swap3A_156 : vector<16xf32> to vector<16xf32>
    %swap3A_158 = vector.shape_cast %broadcast_in_dim3A_16 : vector<16xf32> to vector<16xf32>
    tpu.vector_store %arg23[%swap3A_155], %swap3A_158 {strides = array<i32>} : memref<1008xf32, #tpu.memory_space<vmem>>, vector<16xf32>,
    %swap3A_159 = arith.constant 304 : index
    %swap3A_160 = tpu.vector_load %arg23[%swap3A_159] {strides = array<i32>} : memref<1008xf32, #tpu.memory_space<vmem>>, vector<16xf32>,
    %swap3A_161 = vector.shape_cast %swap3A_160 : vector<16xf32> to vector<16xf32>
    %swap3A_162 = vector.shape_cast %broadcast_in_dim3A_16 : vector<16xf32> to vector<16xf32>
    tpu.vector_store %arg23[%swap3A_159], %swap3A_162 {strides = array<i32>} : memref<1008xf32, #tpu.memory_space<vmem>>, vector<16xf32>,
    %swap3A_163 = arith.constant 320 : index
    %swap3A_164 = tpu.vector_load %arg23[%swap3A_163] {strides = array<i32>} : memref<1008xf32, #tpu.memory_space<vmem>>, vector<16xf32>,
    %swap3A_165 = vector.shape_cast %swap3A_164 : vector<16xf32> to vector<16xf32>
    %swap3A_166 = vector.shape_cast %broadcast_in_dim3A_16 : vector<16xf32> to vector<16xf32>
    tpu.vector_store %arg23[%swap3A_163], %swap3A_166 {strides = array<i32>} : memref<1008xf32, #tpu.memory_space<vmem>>, vector<16xf32>,
    %swap3A_167 = arith.constant 336 : index
    %swap3A_168 = tpu.vector_load %arg23[%swap3A_167] {strides = array<i32>} : memref<1008xf32, #tpu.memory_space<vmem>>, vector<16xf32>,
    %swap3A_169 = vector.shape_cast %swap3A_168 : vector<16xf32> to vector<16xf32>
    %swap3A_170 = vector.shape_cast %broadcast_in_dim3A_16 : vector<16xf32> to vector<16xf32>
    tpu.vector_store %arg23[%swap3A_167], %swap3A_170 {strides = array<i32>} : memref<1008xf32, #tpu.memory_space<vmem>>, vector<16xf32>,
    %swap3A_171 = arith.constant 352 : index
    %swap3A_172 = tpu.vector_load %arg23[%swap3A_171] {strides = array<i32>} : memref<1008xf32, #tpu.memory_space<vmem>>, vector<16xf32>,
    %swap3A_173 = vector.shape_cast %swap3A_172 : vector<16xf32> to vector<16xf32>
    %swap3A_174 = vector.shape_cast %broadcast_in_dim3A_16 : vector<16xf32> to vector<16xf32>
    tpu.vector_store %arg23[%swap3A_171], %swap3A_174 {strides = array<i32>} : memref<1008xf32, #tpu.memory_space<vmem>>, vector<16xf32>,
    %swap3A_175 = arith.constant 368 : index
    %swap3A_176 = tpu.vector_load %arg23[%swap3A_175] {strides = array<i32>} : memref<1008xf32, #tpu.memory_space<vmem>>, vector<16xf32>,
    %swap3A_177 = vector.shape_cast %swap3A_176 : vector<16xf32> to vector<16xf32>
    %swap3A_178 = vector.shape_cast %broadcast_in_dim3A_16 : vector<16xf32> to vector<16xf32>
    tpu.vector_store %arg23[%swap3A_175], %swap3A_178 {strides = array<i32>} : memref<1008xf32, #tpu.memory_space<vmem>>, vector<16xf32>,
    %swap3A_179 = arith.constant 384 : index
    %swap3A_180 = tpu.vector_load %arg23[%swap3A_179] {strides = array<i32>} : memref<1008xf32, #tpu.memory_space<vmem>>, vector<16xf32>,
    %swap3A_181 = vector.shape_cast %swap3A_180 : vector<16xf32> to vector<16xf32>
    %swap3A_182 = vector.shape_cast %broadcast_in_dim3A_16 : vector<16xf32> to vector<16xf32>
    tpu.vector_store %arg23[%swap3A_179], %swap3A_182 {strides = array<i32>} : memref<1008xf32, #tpu.memory_space<vmem>>, vector<16xf32>,
    %swap3A_183 = arith.constant 400 : index
    %swap3A_184 = tpu.vector_load %arg23[%swap3A_183] {strides = array<i32>} : memref<1008xf32, #tpu.memory_space<vmem>>, vector<16xf32>,
    %swap3A_185 = vector.shape_cast %swap3A_184 : vector<16xf32> to vector<16xf32>
    %swap3A_186 = vector.shape_cast %broadcast_in_dim3A_16 : vector<16xf32> to vector<16xf32>
    tpu.vector_store %arg23[%swap3A_183], %swap3A_186 {strides = array<i32>} : memref<1008xf32, #tpu.memory_space<vmem>>, vector<16xf32>,
    %swap3A_187 = arith.constant 416 : index
    %swap3A_188 = tpu.vector_load %arg23[%swap3A_187] {strides = array<i32>} : memref<1008xf32, #tpu.memory_space<vmem>>, vector<16xf32>,
    %swap3A_189 = vector.shape_cast %swap3A_188 : vector<16xf32> to vector<16xf32>
    %swap3A_190 = vector.shape_cast %broadcast_in_dim3A_16 : vector<16xf32> to vector<16xf32>
    tpu.vector_store %arg23[%swap3A_187], %swap3A_190 {strides = array<i32>} : memref<1008xf32, #tpu.memory_space<vmem>>, vector<16xf32>,
    %swap3A_191 = arith.constant 432 : index
    %swap3A_192 = tpu.vector_load %arg23[%swap3A_191] {strides = array<i32>} : memref<1008xf32, #tpu.memory_space<vmem>>, vector<16xf32>,
    %swap3A_193 = vector.shape_cast %swap3A_192 : vector<16xf32> to vector<16xf32>
    %swap3A_194 = vector.shape_cast %broadcast_in_dim3A_16 : vector<16xf32> to vector<16xf32>
    tpu.vector_store %arg23[%swap3A_191], %swap3A_194 {strides = array<i32>} : memref<1008xf32, #tpu.memory_space<vmem>>, vector<16xf32>,
    %swap3A_195 = arith.constant 448 : index
    %swap3A_196 = tpu.vector_load %arg23[%swap3A_195] {strides = array<i32>} : memref<1008xf32, #tpu.memory_space<vmem>>, vector<16xf32>,
    %swap3A_197 = vector.shape_cast %swap3A_196 : vector<16xf32> to vector<16xf32>
    %swap3A_198 = vector.shape_cast %broadcast_in_dim3A_16 : vector<16xf32> to vector<16xf32>
    tpu.vector_store %arg23[%swap3A_195], %swap3A_198 {strides = array<i32>} : memref<1008xf32, #tpu.memory_space<vmem>>, vector<16xf32>,
    %swap3A_199 = arith.constant 464 : index
    %swap3A_200 = tpu.vector_load %arg23[%swap3A_199] {strides = array<i32>} : memref<1008xf32, #tpu.memory_space<vmem>>, vector<16xf32>,
    %swap3A_201 = vector.shape_cast %swap3A_200 : vector<16xf32> to vector<16xf32>
    %swap3A_202 = vector.shape_cast %broadcast_in_dim3A_16 : vector<16xf32> to vector<16xf32>
    tpu.vector_store %arg23[%swap3A_199], %swap3A_202 {strides = array<i32>} : memref<1008xf32, #tpu.memory_space<vmem>>, vector<16xf32>,
    %swap3A_203 = arith.constant 480 : index
    %swap3A_204 = tpu.vector_load %arg23[%swap3A_203] {strides = array<i32>} : memref<1008xf32, #tpu.memory_space<vmem>>, vector<16xf32>,
    %swap3A_205 = vector.shape_cast %swap3A_204 : vector<16xf32> to vector<16xf32>
    %swap3A_206 = vector.shape_cast %broadcast_in_dim3A_16 : vector<16xf32> to vector<16xf32>
    tpu.vector_store %arg23[%swap3A_203], %swap3A_206 {strides = array<i32>} : memref<1008xf32, #tpu.memory_space<vmem>>, vector<16xf32>,
    %swap3A_207 = arith.constant 496 : index
    %swap3A_208 = tpu.vector_load %arg23[%swap3A_207] {strides = array<i32>} : memref<1008xf32, #tpu.memory_space<vmem>>, vector<16xf32>,
    %swap3A_209 = vector.shape_cast %swap3A_208 : vector<16xf32> to vector<16xf32>
    %swap3A_210 = vector.shape_cast %broadcast_in_dim3A_16 : vector<16xf32> to vector<16xf32>
    tpu.vector_store %arg23[%swap3A_207], %swap3A_210 {strides = array<i32>} : memref<1008xf32, #tpu.memory_space<vmem>>, vector<16xf32>,
    %swap3A_211 = arith.constant 512 : index
    %swap3A_212 = tpu.vector_load %arg23[%swap3A_211] {strides = array<i32>} : memref<1008xf32, #tpu.memory_space<vmem>>, vector<16xf32>,
    %swap3A_213 = vector.shape_cast %swap3A_212 : vector<16xf32> to vector<16xf32>
    %swap3A_214 = vector.shape_cast %broadcast_in_dim3A_16 : vector<16xf32> to vector<16xf32>
    tpu.vector_store %arg23[%swap3A_211], %swap3A_214 {strides = array<i32>} : memref<1008xf32, #tpu.memory_space<vmem>>, vector<16xf32>,
    %swap3A_215 = arith.constant 528 : index
    %swap3A_216 = tpu.vector_load %arg23[%swap3A_215] {strides = array<i32>} : memref<1008xf32, #tpu.memory_space<vmem>>, vector<16xf32>,
    %swap3A_217 = vector.shape_cast %swap3A_216 : vector<16xf32> to vector<16xf32>
    %swap3A_218 = vector.shape_cast %broadcast_in_dim3A_16 : vector<16xf32> to vector<16xf32>
    tpu.vector_store %arg23[%swap3A_215], %swap3A_218 {strides = array<i32>} : memref<1008xf32, #tpu.memory_space<vmem>>, vector<16xf32>,
    %swap3A_219 = arith.constant 544 : index
    %swap3A_220 = tpu.vector_load %arg23[%swap3A_219] {strides = array<i32>} : memref<1008xf32, #tpu.memory_space<vmem>>, vector<16xf32>,
    %swap3A_221 = vector.shape_cast %swap3A_220 : vector<16xf32> to vector<16xf32>
    %swap3A_222 = vector.shape_cast %broadcast_in_dim3A_16 : vector<16xf32> to vector<16xf32>
    tpu.vector_store %arg23[%swap3A_219], %swap3A_222 {strides = array<i32>} : memref<1008xf32, #tpu.memory_space<vmem>>, vector<16xf32>,
    %swap3A_223 = arith.constant 560 : index
    %swap3A_224 = tpu.vector_load %arg23[%swap3A_223] {strides = array<i32>} : memref<1008xf32, #tpu.memory_space<vmem>>, vector<16xf32>,
    %swap3A_225 = vector.shape_cast %swap3A_224 : vector<16xf32> to vector<16xf32>
    %swap3A_226 = vector.shape_cast %broadcast_in_dim3A_16 : vector<16xf32> to vector<16xf32>
    tpu.vector_store %arg23[%swap3A_223], %swap3A_226 {strides = array<i32>} : memref<1008xf32, #tpu.memory_space<vmem>>, vector<16xf32>,
    %swap3A_227 = arith.constant 576 : index
    %swap3A_228 = tpu.vector_load %arg23[%swap3A_227] {strides = array<i32>} : memref<1008xf32, #tpu.memory_space<vmem>>, vector<16xf32>,
    %swap3A_229 = vector.shape_cast %swap3A_228 : vector<16xf32> to vector<16xf32>
    %swap3A_230 = vector.shape_cast %broadcast_in_dim3A_16 : vector<16xf32> to vector<16xf32>
    tpu.vector_store %arg23[%swap3A_227], %swap3A_230 {strides = array<i32>} : memref<1008xf32, #tpu.memory_space<vmem>>, vector<16xf32>,
    %swap3A_231 = arith.constant 592 : index
    %swap3A_232 = tpu.vector_load %arg23[%swap3A_231] {strides = array<i32>} : memref<1008xf32, #tpu.memory_space<vmem>>, vector<16xf32>,
    %swap3A_233 = vector.shape_cast %swap3A_232 : vector<16xf32> to vector<16xf32>
    %swap3A_234 = vector.shape_cast %broadcast_in_dim3A_16 : vector<16xf32> to vector<16xf32>
    tpu.vector_store %arg23[%swap3A_231], %swap3A_234 {strides = array<i32>} : memref<1008xf32, #tpu.memory_space<vmem>>, vector<16xf32>,
    %swap3A_235 = arith.constant 608 : index
    %swap3A_236 = tpu.vector_load %arg23[%swap3A_235] {strides = array<i32>} : memref<1008xf32, #tpu.memory_space<vmem>>, vector<16xf32>,
    %swap3A_237 = vector.shape_cast %swap3A_236 : vector<16xf32> to vector<16xf32>
    %swap3A_238 = vector.shape_cast %broadcast_in_dim3A_16 : vector<16xf32> to vector<16xf32>
    tpu.vector_store %arg23[%swap3A_235], %swap3A_238 {strides = array<i32>} : memref<1008xf32, #tpu.memory_space<vmem>>, vector<16xf32>,
    %swap3A_239 = arith.constant 624 : index
    %swap3A_240 = tpu.vector_load %arg23[%swap3A_239] {strides = array<i32>} : memref<1008xf32, #tpu.memory_space<vmem>>, vector<16xf32>,
    %swap3A_241 = vector.shape_cast %swap3A_240 : vector<16xf32> to vector<16xf32>
    %swap3A_242 = vector.shape_cast %broadcast_in_dim3A_16 : vector<16xf32> to vector<16xf32>
    tpu.vector_store %arg23[%swap3A_239], %swap3A_242 {strides = array<i32>} : memref<1008xf32, #tpu.memory_space<vmem>>, vector<16xf32>,
    %swap3A_243 = arith.constant 640 : index
    %swap3A_244 = tpu.vector_load %arg23[%swap3A_243] {strides = array<i32>} : memref<1008xf32, #tpu.memory_space<vmem>>, vector<16xf32>,
    %swap3A_245 = vector.shape_cast %swap3A_244 : vector<16xf32> to vector<16xf32>
    %swap3A_246 = vector.shape_cast %broadcast_in_dim3A_16 : vector<16xf32> to vector<16xf32>
    tpu.vector_store %arg23[%swap3A_243], %swap3A_246 {strides = array<i32>} : memref<1008xf32, #tpu.memory_space<vmem>>, vector<16xf32>,
    %swap3A_247 = arith.constant 656 : index
    %swap3A_248 = tpu.vector_load %arg23[%swap3A_247] {strides = array<i32>} : memref<1008xf32, #tpu.memory_space<vmem>>, vector<16xf32>,
    %swap3A_249 = vector.shape_cast %swap3A_248 : vector<16xf32> to vector<16xf32>
    %swap3A_250 = vector.shape_cast %broadcast_in_dim3A_16 : vector<16xf32> to vector<16xf32>
    tpu.vector_store %arg23[%swap3A_247], %swap3A_250 {strides = array<i32>} : memref<1008xf32, #tpu.memory_space<vmem>>, vector<16xf32>,
    %swap3A_251 = arith.constant 672 : index
    %swap3A_252 = tpu.vector_load %arg23[%swap3A_251] {strides = array<i32>} : memref<1008xf32, #tpu.memory_space<vmem>>, vector<16xf32>,
    %swap3A_253 = vector.shape_cast %swap3A_252 : vector<16xf32> to vector<16xf32>
    %swap3A_254 = vector.shape_cast %broadcast_in_dim3A_16 : vector<16xf32> to vector<16xf32>
    tpu.vector_store %arg23[%swap3A_251], %swap3A_254 {strides = array<i32>} : memref<1008xf32, #tpu.memory_space<vmem>>, vector<16xf32>,
    %swap3A_255 = arith.constant 688 : index
    %swap3A_256 = tpu.vector_load %arg23[%swap3A_255] {strides = array<i32>} : memref<1008xf32, #tpu.memory_space<vmem>>, vector<16xf32>,
    %swap3A_257 = vector.shape_cast %swap3A_256 : vector<16xf32> to vector<16xf32>
    %swap3A_258 = vector.shape_cast %broadcast_in_dim3A_16 : vector<16xf32> to vector<16xf32>
    tpu.vector_store %arg23[%swap3A_255], %swap3A_258 {strides = array<i32>} : memref<1008xf32, #tpu.memory_space<vmem>>, vector<16xf32>,
    %swap3A_259 = arith.constant 704 : index
    %swap3A_260 = tpu.vector_load %arg23[%swap3A_259] {strides = array<i32>} : memref<1008xf32, #tpu.memory_space<vmem>>, vector<16xf32>,
    %swap3A_261 = vector.shape_cast %swap3A_260 : vector<16xf32> to vector<16xf32>
    %swap3A_262 = vector.shape_cast %broadcast_in_dim3A_16 : vector<16xf32> to vector<16xf32>
    tpu.vector_store %arg23[%swap3A_259], %swap3A_262 {strides = array<i32>} : memref<1008xf32, #tpu.memory_space<vmem>>, vector<16xf32>,
    %swap3A_263 = arith.constant 720 : index
    %swap3A_264 = tpu.vector_load %arg23[%swap3A_263] {strides = array<i32>} : memref<1008xf32, #tpu.memory_space<vmem>>, vector<16xf32>,
    %swap3A_265 = vector.shape_cast %swap3A_264 : vector<16xf32> to vector<16xf32>
    %swap3A_266 = vector.shape_cast %broadcast_in_dim3A_16 : vector<16xf32> to vector<16xf32>
    tpu.vector_store %arg23[%swap3A_263], %swap3A_266 {strides = array<i32>} : memref<1008xf32, #tpu.memory_space<vmem>>, vector<16xf32>,
    %swap3A_267 = arith.constant 736 : index
    %swap3A_268 = tpu.vector_load %arg23[%swap3A_267] {strides = array<i32>} : memref<1008xf32, #tpu.memory_space<vmem>>, vector<16xf32>,
    %swap3A_269 = vector.shape_cast %swap3A_268 : vector<16xf32> to vector<16xf32>
    %swap3A_270 = vector.shape_cast %broadcast_in_dim3A_16 : vector<16xf32> to vector<16xf32>
    tpu.vector_store %arg23[%swap3A_267], %swap3A_270 {strides = array<i32>} : memref<1008xf32, #tpu.memory_space<vmem>>, vector<16xf32>,
    %swap3A_271 = arith.constant 752 : index
    %swap3A_272 = tpu.vector_load %arg23[%swap3A_271] {strides = array<i32>} : memref<1008xf32, #tpu.memory_space<vmem>>, vector<16xf32>,
    %swap3A_273 = vector.shape_cast %swap3A_272 : vector<16xf32> to vector<16xf32>
    %swap3A_274 = vector.shape_cast %broadcast_in_dim3A_16 : vector<16xf32> to vector<16xf32>
    tpu.vector_store %arg23[%swap3A_271], %swap3A_274 {strides = array<i32>} : memref<1008xf32, #tpu.memory_space<vmem>>, vector<16xf32>,
    %swap3A_275 = arith.constant 768 : index
    %swap3A_276 = tpu.vector_load %arg23[%swap3A_275] {strides = array<i32>} : memref<1008xf32, #tpu.memory_space<vmem>>, vector<16xf32>,
    %swap3A_277 = vector.shape_cast %swap3A_276 : vector<16xf32> to vector<16xf32>
    %swap3A_278 = vector.shape_cast %broadcast_in_dim3A_16 : vector<16xf32> to vector<16xf32>
    tpu.vector_store %arg23[%swap3A_275], %swap3A_278 {strides = array<i32>} : memref<1008xf32, #tpu.memory_space<vmem>>, vector<16xf32>,
    %swap3A_279 = arith.constant 784 : index
    %swap3A_280 = tpu.vector_load %arg23[%swap3A_279] {strides = array<i32>} : memref<1008xf32, #tpu.memory_space<vmem>>, vector<16xf32>,
    %swap3A_281 = vector.shape_cast %swap3A_280 : vector<16xf32> to vector<16xf32>
    %swap3A_282 = vector.shape_cast %broadcast_in_dim3A_16 : vector<16xf32> to vector<16xf32>
    tpu.vector_store %arg23[%swap3A_279], %swap3A_282 {strides = array<i32>} : memref<1008xf32, #tpu.memory_space<vmem>>, vector<16xf32>,
    %swap3A_283 = arith.constant 800 : index
    %swap3A_284 = tpu.vector_load %arg23[%swap3A_283] {strides = array<i32>} : memref<1008xf32, #tpu.memory_space<vmem>>, vector<16xf32>,
    %swap3A_285 = vector.shape_cast %swap3A_284 : vector<16xf32> to vector<16xf32>
    %swap3A_286 = vector.shape_cast %broadcast_in_dim3A_16 : vector<16xf32> to vector<16xf32>
    tpu.vector_store %arg23[%swap3A_283], %swap3A_286 {strides = array<i32>} : memref<1008xf32, #tpu.memory_space<vmem>>, vector<16xf32>,
    %swap3A_287 = arith.constant 816 : index
    %swap3A_288 = tpu.vector_load %arg23[%swap3A_287] {strides = array<i32>} : memref<1008xf32, #tpu.memory_space<vmem>>, vector<16xf32>,
    %swap3A_289 = vector.shape_cast %swap3A_288 : vector<16xf32> to vector<16xf32>
    %swap3A_290 = vector.shape_cast %broadcast_in_dim3A_16 : vector<16xf32> to vector<16xf32>
    tpu.vector_store %arg23[%swap3A_287], %swap3A_290 {strides = array<i32>} : memref<1008xf32, #tpu.memory_space<vmem>>, vector<16xf32>,
    %swap3A_291 = arith.constant 832 : index
    %swap3A_292 = tpu.vector_load %arg23[%swap3A_291] {strides = array<i32>} : memref<1008xf32, #tpu.memory_space<vmem>>, vector<16xf32>,
    %swap3A_293 = vector.shape_cast %swap3A_292 : vector<16xf32> to vector<16xf32>
    %swap3A_294 = vector.shape_cast %broadcast_in_dim3A_16 : vector<16xf32> to vector<16xf32>
    tpu.vector_store %arg23[%swap3A_291], %swap3A_294 {strides = array<i32>} : memref<1008xf32, #tpu.memory_space<vmem>>, vector<16xf32>,
    %swap3A_295 = arith.constant 848 : index
    %swap3A_296 = tpu.vector_load %arg23[%swap3A_295] {strides = array<i32>} : memref<1008xf32, #tpu.memory_space<vmem>>, vector<16xf32>,
    %swap3A_297 = vector.shape_cast %swap3A_296 : vector<16xf32> to vector<16xf32>
    %swap3A_298 = vector.shape_cast %broadcast_in_dim3A_16 : vector<16xf32> to vector<16xf32>
    tpu.vector_store %arg23[%swap3A_295], %swap3A_298 {strides = array<i32>} : memref<1008xf32, #tpu.memory_space<vmem>>, vector<16xf32>,
    %swap3A_299 = arith.constant 864 : index
    %swap3A_300 = tpu.vector_load %arg23[%swap3A_299] {strides = array<i32>} : memref<1008xf32, #tpu.memory_space<vmem>>, vector<16xf32>,
    %swap3A_301 = vector.shape_cast %swap3A_300 : vector<16xf32> to vector<16xf32>
    %swap3A_302 = vector.shape_cast %broadcast_in_dim3A_16 : vector<16xf32> to vector<16xf32>
    tpu.vector_store %arg23[%swap3A_299], %swap3A_302 {strides = array<i32>} : memref<1008xf32, #tpu.memory_space<vmem>>, vector<16xf32>,
    %swap3A_303 = arith.constant 880 : index
    %swap3A_304 = tpu.vector_load %arg23[%swap3A_303] {strides = array<i32>} : memref<1008xf32, #tpu.memory_space<vmem>>, vector<16xf32>,
    %swap3A_305 = vector.shape_cast %swap3A_304 : vector<16xf32> to vector<16xf32>
    %swap3A_306 = vector.shape_cast %broadcast_in_dim3A_16 : vector<16xf32> to vector<16xf32>
    tpu.vector_store %arg23[%swap3A_303], %swap3A_306 {strides = array<i32>} : memref<1008xf32, #tpu.memory_space<vmem>>, vector<16xf32>,
    %swap3A_307 = arith.constant 896 : index
    %swap3A_308 = tpu.vector_load %arg23[%swap3A_307] {strides = array<i32>} : memref<1008xf32, #tpu.memory_space<vmem>>, vector<16xf32>,
    %swap3A_309 = vector.shape_cast %swap3A_308 : vector<16xf32> to vector<16xf32>
    %swap3A_310 = vector.shape_cast %broadcast_in_dim3A_16 : vector<16xf32> to vector<16xf32>
    tpu.vector_store %arg23[%swap3A_307], %swap3A_310 {strides = array<i32>} : memref<1008xf32, #tpu.memory_space<vmem>>, vector<16xf32>,
    %swap3A_311 = arith.constant 912 : index
    %swap3A_312 = tpu.vector_load %arg23[%swap3A_311] {strides = array<i32>} : memref<1008xf32, #tpu.memory_space<vmem>>, vector<16xf32>,
    %swap3A_313 = vector.shape_cast %swap3A_312 : vector<16xf32> to vector<16xf32>
    %swap3A_314 = vector.shape_cast %broadcast_in_dim3A_16 : vector<16xf32> to vector<16xf32>
    tpu.vector_store %arg23[%swap3A_311], %swap3A_314 {strides = array<i32>} : memref<1008xf32, #tpu.memory_space<vmem>>, vector<16xf32>,
    %swap3A_315 = arith.constant 928 : index
    %swap3A_316 = tpu.vector_load %arg23[%swap3A_315] {strides = array<i32>} : memref<1008xf32, #tpu.memory_space<vmem>>, vector<16xf32>,
    %swap3A_317 = vector.shape_cast %swap3A_316 : vector<16xf32> to vector<16xf32>
    %swap3A_318 = vector.shape_cast %broadcast_in_dim3A_16 : vector<16xf32> to vector<16xf32>
    tpu.vector_store %arg23[%swap3A_315], %swap3A_318 {strides = array<i32>} : memref<1008xf32, #tpu.memory_space<vmem>>, vector<16xf32>,
    %swap3A_319 = arith.constant 944 : index
    %swap3A_320 = tpu.vector_load %arg23[%swap3A_319] {strides = array<i32>} : memref<1008xf32, #tpu.memory_space<vmem>>, vector<16xf32>,
    %swap3A_321 = vector.shape_cast %swap3A_320 : vector<16xf32> to vector<16xf32>
    %swap3A_322 = vector.shape_cast %broadcast_in_dim3A_16 : vector<16xf32> to vector<16xf32>
    tpu.vector_store %arg23[%swap3A_319], %swap3A_322 {strides = array<i32>} : memref<1008xf32, #tpu.memory_space<vmem>>, vector<16xf32>,
    %swap3A_323 = arith.constant 960 : index
    %swap3A_324 = tpu.vector_load %arg23[%swap3A_323] {strides = array<i32>} : memref<1008xf32, #tpu.memory_space<vmem>>, vector<16xf32>,
    %swap3A_325 = vector.shape_cast %swap3A_324 : vector<16xf32> to vector<16xf32>
    %swap3A_326 = vector.shape_cast %broadcast_in_dim3A_16 : vector<16xf32> to vector<16xf32>
    tpu.vector_store %arg23[%swap3A_323], %swap3A_326 {strides = array<i32>} : memref<1008xf32, #tpu.memory_space<vmem>>, vector<16xf32>,
    %swap3A_327 = arith.constant 976 : index
    %swap3A_328 = tpu.vector_load %arg23[%swap3A_327] {strides = array<i32>} : memref<1008xf32, #tpu.memory_space<vmem>>, vector<16xf32>,
    %swap3A_329 = vector.shape_cast %swap3A_328 : vector<16xf32> to vector<16xf32>
    %swap3A_330 = vector.shape_cast %broadcast_in_dim3A_16 : vector<16xf32> to vector<16xf32>
    tpu.vector_store %arg23[%swap3A_327], %swap3A_330 {strides = array<i32>} : memref<1008xf32, #tpu.memory_space<vmem>>, vector<16xf32>,
    %swap3A_331 = arith.constant 992 : index
    %swap3A_332 = tpu.vector_load %arg23[%swap3A_331] {strides = array<i32>} : memref<1008xf32, #tpu.memory_space<vmem>>, vector<16xf32>,
    %swap3A_333 = vector.shape_cast %swap3A_332 : vector<16xf32> to vector<16xf32>
    %swap3A_334 = vector.shape_cast %broadcast_in_dim3A_16 : vector<16xf32> to vector<16xf32>
    tpu.vector_store %arg23[%swap3A_331], %swap3A_334 {strides = array<i32>} : memref<1008xf32, #tpu.memory_space<vmem>>, vector<16xf32>,
    %lt3A = arith.constant 10 : i32
    %lt3A_335 = arith.cmpi slt, %arg1, %lt3A : i32
    %convert_element_type3A = arith.extui %lt3A_335 : i1 to i32
    %cond3A = arith.constant 0 : i32
    %cond3A_336 = arith.cmpi ne, %convert_element_type3A, %cond3A : i32
    scf.if %cond3A_336 {
      %mul3A_431 = arith.constant 1000 : i32
      %mul3A_432 = arith.muli %arg1, %mul3A_431 : i32
      "tpu.region"() ({
        %run_scoped3A = tpu.sem_alloc : memref<!tpu.dma_semaphore, #tpu.memory_space<semaphore_mem>>
        %dma_start3A_433 = arith.constant 0 : i32
        %dma_start3A_434 = tpu.memref_slice %arg23[%dma_start3A_433] : memref<1008xf32, #tpu.memory_space<vmem>> -> memref<1000xf32, #tpu.memory_space<vmem>>
        %dma_start3A_435 = tpu.memref_slice %arg24[%mul3A_432] : memref<10000xf32, #tpu.memory_space<vmem_shared>> -> memref<1000xf32, #tpu.memory_space<vmem_shared>>
        %dma_start3A_436 = tpu.memref_slice %arg24[%mul3A_432] : memref<10000xf32, #tpu.memory_space<vmem_shared>> -> memref<1000xf32, #tpu.memory_space<vmem_shared>>
        %dma_start3A_437 = arith.constant 0 : i32
        %dma_start3A_438 = tpu.memref_slice %arg23[%dma_start3A_437] : memref<1008xf32, #tpu.memory_space<vmem>> -> memref<1000xf32, #tpu.memory_space<vmem>>
        tpu.enqueue_dma source(%dma_start3A_438 : memref<1000xf32, #tpu.memory_space<vmem>>) target(%dma_start3A_436 : memref<1000xf32, #tpu.memory_space<vmem_shared>>) target_semaphore(%run_scoped3A : memref<!tpu.dma_semaphore, #tpu.memory_space<semaphore_mem>>)
        %dma_wait3A_439 = arith.constant 0 : i32
        %dma_wait3A_440 = tpu.memref_slice %arg23[%dma_wait3A_439] : memref<1008xf32, #tpu.memory_space<vmem>> -> memref<1000xf32, #tpu.memory_space<vmem>>
        %dma_wait3A_441 = tpu.memref_slice %arg24[%mul3A_432] : memref<10000xf32, #tpu.memory_space<vmem_shared>> -> memref<1000xf32, #tpu.memory_space<vmem_shared>>
        %dma_wait3A_442 = tpu.memref_slice %arg24[%mul3A_432] : memref<10000xf32, #tpu.memory_space<vmem_shared>> -> memref<1000xf32, #tpu.memory_space<vmem_shared>>
        %dma_wait3A_443 = arith.constant 0 : i32
        %dma_wait3A_444 = tpu.memref_slice %arg23[%dma_wait3A_443] : memref<1008xf32, #tpu.memory_space<vmem>> -> memref<1000xf32, #tpu.memory_space<vmem>>
        tpu.wait_dma2 semaphore(%run_scoped3A : memref<!tpu.dma_semaphore, #tpu.memory_space<semaphore_mem>>) src(%dma_wait3A_444 : memref<1000xf32, #tpu.memory_space<vmem>>) dst(%dma_wait3A_442 : memref<1000xf32, #tpu.memory_space<vmem_shared>>)
        tpu.yield
      }) : () -> ()
    } else {
    }
    %dma_wait3A = arith.constant 0 : i32
    %dma_wait3A_337 = arith.constant 0 : i32
    %dma_wait3A_338 = tpu.memref_slice %arg3[%arg0, %arg1, %dma_wait3A, %dma_wait3A_337] : memref<3x16x160x125xi32, #tpu.memory_space<hbm>> -> memref<1x1x160x125xi32, #tpu.memory_space<hbm>>
    %dma_wait3A_339 = tpu.memref_squeeze %dma_wait3A_338 : memref<1x1x160x125xi32, #tpu.memory_space<hbm>> -> memref<160x125xi32, #tpu.memory_space<hbm>>
    %dma_wait3A_340 = arith.constant 0 : i32
    %dma_wait3A_341 = arith.constant 0 : i32
    %dma_wait3A_342 = tpu.memref_slice %arg3[%arg0, %arg1, %dma_wait3A_340, %dma_wait3A_341] : memref<3x16x160x125xi32, #tpu.memory_space<hbm>> -> memref<1x1x160x125xi32, #tpu.memory_space<hbm>>
    %dma_wait3A_343 = tpu.memref_squeeze %dma_wait3A_342 : memref<1x1x160x125xi32, #tpu.memory_space<hbm>> -> memref<160x125xi32, #tpu.memory_space<hbm>>
    tpu.wait_dma2 semaphore(%arg14 : memref<!tpu.dma_semaphore, #tpu.memory_space<semaphore_mem>>) src(%dma_wait3A_343 : memref<160x125xi32, #tpu.memory_space<hbm>>) dst(%arg6 : memref<160x125xi32, #tpu.memory_space<vmem>>)
    %dma_wait3A_344 = arith.constant 2 : i32
    %dma_wait3A_345 = arith.constant 0 : i32
    %dma_wait3A_346 = arith.constant 0 : i32
    %dma_wait3A_347 = tpu.memref_slice %arg3[%dma_wait3A_344, %arg1, %dma_wait3A_345, %dma_wait3A_346] : memref<3x16x160x125xi32, #tpu.memory_space<hbm>> -> memref<1x1x160x125xi32, #tpu.memory_space<hbm>>
    %dma_wait3A_348 = tpu.memref_squeeze %dma_wait3A_347 : memref<1x1x160x125xi32, #tpu.memory_space<hbm>> -> memref<160x125xi32, #tpu.memory_space<hbm>>
    %dma_wait3A_349 = arith.constant 0 : i32
    %dma_wait3A_350 = arith.constant 0 : i32
    %dma_wait3A_351 = tpu.memref_slice %arg3[%dma_wait3A_344, %arg1, %dma_wait3A_349, %dma_wait3A_350] : memref<3x16x160x125xi32, #tpu.memory_space<hbm>> -> memref<1x1x160x125xi32, #tpu.memory_space<hbm>>
    %dma_wait3A_352 = tpu.memref_squeeze %dma_wait3A_351 : memref<1x1x160x125xi32, #tpu.memory_space<hbm>> -> memref<160x125xi32, #tpu.memory_space<hbm>>
    tpu.wait_dma2 semaphore(%arg15 : memref<!tpu.dma_semaphore, #tpu.memory_space<semaphore_mem>>) src(%dma_wait3A_352 : memref<160x125xi32, #tpu.memory_space<hbm>>) dst(%arg7 : memref<160x125xi32, #tpu.memory_space<vmem>>)
    %barrier3A = arith.constant 0 : index
    tpu.barrier barrier_id(%barrier3A)
    %scan3A_353 = arith.constant 0 : i32
    %scan3A_354 = arith.constant 0 : i32
    %scan3A_355 = arith.constant 40 : i32
    %scan3A_356 = arith.addi %scan3A_354, %scan3A_355 : i32
    %scan3A_357 = arith.constant 1 : i32
    scf.for %scan3A_431 = %scan3A_354 to %scan3A_356 step %scan3A_357  : i32 {
      %mul3A_432 = arith.constant 4 : i32
      %mul3A_433 = arith.muli %scan3A_431, %mul3A_432 : i32
      %add3A_434 = arith.constant 0 : i32
      %add3A_435 = arith.addi %mul3A_433, %add3A_434 : i32
      %gt3A = arith.constant 0 : i32
      %gt3A_436 = arith.cmpi sgt, %scan3A_431, %gt3A : i32
      %convert_element_type3A_437 = arith.extui %gt3A_436 : i1 to i32
      %cond3A_438 = arith.constant 0 : i32
      %cond3A_439 = arith.cmpi ne, %convert_element_type3A_437, %cond3A_438 : i32
      scf.if %cond3A_439 {
        %sub3A = arith.constant 4 : i32
        %sub3A_594 = arith.subi %add3A_435, %sub3A : i32
        %dma_wait3A_595 = arith.constant 0 : i32
        %dma_wait3A_596 = tpu.memref_slice %arg7[%sub3A_594, %dma_wait3A_595] : memref<160x125xi32, #tpu.memory_space<vmem>> -> memref<1x125xi32, #tpu.memory_space<vmem>>
        %dma_wait3A_597 = tpu.memref_squeeze %dma_wait3A_596 : memref<1x125xi32, #tpu.memory_space<vmem>> -> memref<125xi32, #tpu.memory_space<vmem>>
        %dma_wait3A_598 = arith.constant 0 : i32
        %dma_wait3A_599 = arith.constant 0 : i32
        %dma_wait3A_600 = tpu.memref_slice %arg13[%dma_wait3A_598, %dma_wait3A_599] : memref<10000x64xf32, #tpu.memory_space<vmem_shared>> -> memref<10000x64xf32, #tpu.memory_space<vmem_shared>>
        tpu.wait_indirect_dma semaphore(%arg18 : memref<!tpu.dma_semaphore, #tpu.memory_space<semaphore_mem>>) src(%arg8 : memref<125x64xf32, #tpu.memory_space<vmem>>) dst(%dma_wait3A_600 : memref<10000x64xf32, #tpu.memory_space<vmem_shared>>)
      } else {
      }
      %dma_start3A_440 = arith.constant 0 : i32
      %dma_start3A_441 = tpu.memref_slice %arg6[%add3A_435, %dma_start3A_440] : memref<160x125xi32, #tpu.memory_space<vmem>> -> memref<1x125xi32, #tpu.memory_space<vmem>>
      %dma_start3A_442 = tpu.memref_squeeze %dma_start3A_441 : memref<1x125xi32, #tpu.memory_space<vmem>> -> memref<125xi32, #tpu.memory_space<vmem>>
      %dma_start3A_443 = arith.constant 0 : i32
      %dma_start3A_444 = arith.constant 0 : i32
      %dma_start3A_445 = tpu.memref_slice %arg2[%dma_start3A_443, %dma_start3A_444] : memref<20000x64xf32, #tpu.memory_space<hbm>> -> memref<20000x64xf32, #tpu.memory_space<hbm>>
      tpu.enqueue_indirect_dma source(%dma_start3A_445 : memref<20000x64xf32, #tpu.memory_space<hbm>>) target(%arg8 : memref<125x64xf32, #tpu.memory_space<vmem>>) offsets(%dma_start3A_442 : memref<125xi32, #tpu.memory_space<vmem>>) semaphore(%arg14 : memref<!tpu.dma_semaphore, #tpu.memory_space<semaphore_mem>>)
      %mul3A_446 = arith.constant 4 : i32
      %mul3A_447 = arith.muli %scan3A_431, %mul3A_446 : i32
      %add3A_448 = arith.constant 1 : i32
      %add3A_449 = arith.addi %mul3A_447, %add3A_448 : i32
      %gt3A_450 = arith.constant 0 : i32
      %gt3A_451 = arith.cmpi sgt, %scan3A_431, %gt3A_450 : i32
      %convert_element_type3A_452 = arith.extui %gt3A_451 : i1 to i32
      %cond3A_453 = arith.constant 0 : i32
      %cond3A_454 = arith.cmpi ne, %convert_element_type3A_452, %cond3A_453 : i32
      scf.if %cond3A_454 {
        %sub3A = arith.constant 4 : i32
        %sub3A_594 = arith.subi %add3A_449, %sub3A : i32
        %dma_wait3A_595 = arith.constant 0 : i32
        %dma_wait3A_596 = tpu.memref_slice %arg7[%sub3A_594, %dma_wait3A_595] : memref<160x125xi32, #tpu.memory_space<vmem>> -> memref<1x125xi32, #tpu.memory_space<vmem>>
        %dma_wait3A_597 = tpu.memref_squeeze %dma_wait3A_596 : memref<1x125xi32, #tpu.memory_space<vmem>> -> memref<125xi32, #tpu.memory_space<vmem>>
        %dma_wait3A_598 = arith.constant 0 : i32
        %dma_wait3A_599 = arith.constant 0 : i32
        %dma_wait3A_600 = tpu.memref_slice %arg13[%dma_wait3A_598, %dma_wait3A_599] : memref<10000x64xf32, #tpu.memory_space<vmem_shared>> -> memref<10000x64xf32, #tpu.memory_space<vmem_shared>>
        tpu.wait_indirect_dma semaphore(%arg19 : memref<!tpu.dma_semaphore, #tpu.memory_space<semaphore_mem>>) src(%arg9 : memref<125x64xf32, #tpu.memory_space<vmem>>) dst(%dma_wait3A_600 : memref<10000x64xf32, #tpu.memory_space<vmem_shared>>)
      } else {
      }
      %dma_start3A_455 = arith.constant 0 : i32
      %dma_start3A_456 = tpu.memref_slice %arg6[%add3A_449, %dma_start3A_455] : memref<160x125xi32, #tpu.memory_space<vmem>> -> memref<1x125xi32, #tpu.memory_space<vmem>>
      %dma_start3A_457 = tpu.memref_squeeze %dma_start3A_456 : memref<1x125xi32, #tpu.memory_space<vmem>> -> memref<125xi32, #tpu.memory_space<vmem>>
      %dma_start3A_458 = arith.constant 0 : i32
      %dma_start3A_459 = arith.constant 0 : i32
      %dma_start3A_460 = tpu.memref_slice %arg2[%dma_start3A_458, %dma_start3A_459] : memref<20000x64xf32, #tpu.memory_space<hbm>> -> memref<20000x64xf32, #tpu.memory_space<hbm>>
      tpu.enqueue_indirect_dma source(%dma_start3A_460 : memref<20000x64xf32, #tpu.memory_space<hbm>>) target(%arg9 : memref<125x64xf32, #tpu.memory_space<vmem>>) offsets(%dma_start3A_457 : memref<125xi32, #tpu.memory_space<vmem>>) semaphore(%arg15 : memref<!tpu.dma_semaphore, #tpu.memory_space<semaphore_mem>>)
      %mul3A_461 = arith.constant 4 : i32
      %mul3A_462 = arith.muli %scan3A_431, %mul3A_461 : i32
      %add3A_463 = arith.constant 2 : i32
      %add3A_464 = arith.addi %mul3A_462, %add3A_463 : i32
      %gt3A_465 = arith.constant 0 : i32
      %gt3A_466 = arith.cmpi sgt, %scan3A_431, %gt3A_465 : i32
      %convert_element_type3A_467 = arith.extui %gt3A_466 : i1 to i32
      %cond3A_468 = arith.constant 0 : i32
      %cond3A_469 = arith.cmpi ne, %convert_element_type3A_467, %cond3A_468 : i32
      scf.if %cond3A_469 {
        %sub3A = arith.constant 4 : i32
        %sub3A_594 = arith.subi %add3A_464, %sub3A : i32
        %dma_wait3A_595 = arith.constant 0 : i32
        %dma_wait3A_596 = tpu.memref_slice %arg7[%sub3A_594, %dma_wait3A_595] : memref<160x125xi32, #tpu.memory_space<vmem>> -> memref<1x125xi32, #tpu.memory_space<vmem>>
        %dma_wait3A_597 = tpu.memref_squeeze %dma_wait3A_596 : memref<1x125xi32, #tpu.memory_space<vmem>> -> memref<125xi32, #tpu.memory_space<vmem>>
        %dma_wait3A_598 = arith.constant 0 : i32
        %dma_wait3A_599 = arith.constant 0 : i32
        %dma_wait3A_600 = tpu.memref_slice %arg13[%dma_wait3A_598, %dma_wait3A_599] : memref<10000x64xf32, #tpu.memory_space<vmem_shared>> -> memref<10000x64xf32, #tpu.memory_space<vmem_shared>>
        tpu.wait_indirect_dma semaphore(%arg20 : memref<!tpu.dma_semaphore, #tpu.memory_space<semaphore_mem>>) src(%arg10 : memref<125x64xf32, #tpu.memory_space<vmem>>) dst(%dma_wait3A_600 : memref<10000x64xf32, #tpu.memory_space<vmem_shared>>)
      } else {
      }
      %dma_start3A_470 = arith.constant 0 : i32
      %dma_start3A_471 = tpu.memref_slice %arg6[%add3A_464, %dma_start3A_470] : memref<160x125xi32, #tpu.memory_space<vmem>> -> memref<1x125xi32, #tpu.memory_space<vmem>>
      %dma_start3A_472 = tpu.memref_squeeze %dma_start3A_471 : memref<1x125xi32, #tpu.memory_space<vmem>> -> memref<125xi32, #tpu.memory_space<vmem>>
      %dma_start3A_473 = arith.constant 0 : i32
      %dma_start3A_474 = arith.constant 0 : i32
      %dma_start3A_475 = tpu.memref_slice %arg2[%dma_start3A_473, %dma_start3A_474] : memref<20000x64xf32, #tpu.memory_space<hbm>> -> memref<20000x64xf32, #tpu.memory_space<hbm>>
      tpu.enqueue_indirect_dma source(%dma_start3A_475 : memref<20000x64xf32, #tpu.memory_space<hbm>>) target(%arg10 : memref<125x64xf32, #tpu.memory_space<vmem>>) offsets(%dma_start3A_472 : memref<125xi32, #tpu.memory_space<vmem>>) semaphore(%arg16 : memref<!tpu.dma_semaphore, #tpu.memory_space<semaphore_mem>>)
      %mul3A_476 = arith.constant 4 : i32
      %mul3A_477 = arith.muli %scan3A_431, %mul3A_476 : i32
      %add3A_478 = arith.constant 3 : i32
      %add3A_479 = arith.addi %mul3A_477, %add3A_478 : i32
      %gt3A_480 = arith.constant 0 : i32
      %gt3A_481 = arith.cmpi sgt, %scan3A_431, %gt3A_480 : i32
      %convert_element_type3A_482 = arith.extui %gt3A_481 : i1 to i32
      %cond3A_483 = arith.constant 0 : i32
      %cond3A_484 = arith.cmpi ne, %convert_element_type3A_482, %cond3A_483 : i32
      scf.if %cond3A_484 {
        %sub3A = arith.constant 4 : i32
        %sub3A_594 = arith.subi %add3A_479, %sub3A : i32
        %dma_wait3A_595 = arith.constant 0 : i32
        %dma_wait3A_596 = tpu.memref_slice %arg7[%sub3A_594, %dma_wait3A_595] : memref<160x125xi32, #tpu.memory_space<vmem>> -> memref<1x125xi32, #tpu.memory_space<vmem>>
        %dma_wait3A_597 = tpu.memref_squeeze %dma_wait3A_596 : memref<1x125xi32, #tpu.memory_space<vmem>> -> memref<125xi32, #tpu.memory_space<vmem>>
        %dma_wait3A_598 = arith.constant 0 : i32
        %dma_wait3A_599 = arith.constant 0 : i32
        %dma_wait3A_600 = tpu.memref_slice %arg13[%dma_wait3A_598, %dma_wait3A_599] : memref<10000x64xf32, #tpu.memory_space<vmem_shared>> -> memref<10000x64xf32, #tpu.memory_space<vmem_shared>>
        tpu.wait_indirect_dma semaphore(%arg21 : memref<!tpu.dma_semaphore, #tpu.memory_space<semaphore_mem>>) src(%arg11 : memref<125x64xf32, #tpu.memory_space<vmem>>) dst(%dma_wait3A_600 : memref<10000x64xf32, #tpu.memory_space<vmem_shared>>)
      } else {
      }
      %dma_start3A_485 = arith.constant 0 : i32
      %dma_start3A_486 = tpu.memref_slice %arg6[%add3A_479, %dma_start3A_485] : memref<160x125xi32, #tpu.memory_space<vmem>> -> memref<1x125xi32, #tpu.memory_space<vmem>>
      %dma_start3A_487 = tpu.memref_squeeze %dma_start3A_486 : memref<1x125xi32, #tpu.memory_space<vmem>> -> memref<125xi32, #tpu.memory_space<vmem>>
      %dma_start3A_488 = arith.constant 0 : i32
      %dma_start3A_489 = arith.constant 0 : i32
      %dma_start3A_490 = tpu.memref_slice %arg2[%dma_start3A_488, %dma_start3A_489] : memref<20000x64xf32, #tpu.memory_space<hbm>> -> memref<20000x64xf32, #tpu.memory_space<hbm>>
      tpu.enqueue_indirect_dma source(%dma_start3A_490 : memref<20000x64xf32, #tpu.memory_space<hbm>>) target(%arg11 : memref<125x64xf32, #tpu.memory_space<vmem>>) offsets(%dma_start3A_487 : memref<125xi32, #tpu.memory_space<vmem>>) semaphore(%arg17 : memref<!tpu.dma_semaphore, #tpu.memory_space<semaphore_mem>>)
      %mul3A_491 = arith.constant 4 : i32
      %mul3A_492 = arith.muli %scan3A_431, %mul3A_491 : i32
      %add3A_493 = arith.constant 0 : i32
      %add3A_494 = arith.addi %mul3A_492, %add3A_493 : i32
      %dma_wait3A_495 = arith.constant 0 : i32
      %dma_wait3A_496 = tpu.memref_slice %arg6[%add3A_494, %dma_wait3A_495] : memref<160x125xi32, #tpu.memory_space<vmem>> -> memref<1x125xi32, #tpu.memory_space<vmem>>
      %dma_wait3A_497 = tpu.memref_squeeze %dma_wait3A_496 : memref<1x125xi32, #tpu.memory_space<vmem>> -> memref<125xi32, #tpu.memory_space<vmem>>
      %dma_wait3A_498 = arith.constant 0 : i32
      %dma_wait3A_499 = arith.constant 0 : i32
      %dma_wait3A_500 = tpu.memref_slice %arg2[%dma_wait3A_498, %dma_wait3A_499] : memref<20000x64xf32, #tpu.memory_space<hbm>> -> memref<20000x64xf32, #tpu.memory_space<hbm>>
      tpu.wait_indirect_dma semaphore(%arg14 : memref<!tpu.dma_semaphore, #tpu.memory_space<semaphore_mem>>) src(%dma_wait3A_500 : memref<20000x64xf32, #tpu.memory_space<hbm>>) dst(%arg8 : memref<125x64xf32, #tpu.memory_space<vmem>>)
      %dma_start3A_501 = arith.constant 0 : i32
      %dma_start3A_502 = tpu.memref_slice %arg7[%add3A_494, %dma_start3A_501] : memref<160x125xi32, #tpu.memory_space<vmem>> -> memref<1x125xi32, #tpu.memory_space<vmem>>
      %dma_start3A_503 = tpu.memref_squeeze %dma_start3A_502 : memref<1x125xi32, #tpu.memory_space<vmem>> -> memref<125xi32, #tpu.memory_space<vmem>>
      %dma_start3A_504 = arith.constant 0 : i32
      %dma_start3A_505 = arith.constant 0 : i32
      %dma_start3A_506 = tpu.memref_slice %arg13[%dma_start3A_504, %dma_start3A_505] : memref<10000x64xf32, #tpu.memory_space<vmem_shared>> -> memref<10000x64xf32, #tpu.memory_space<vmem_shared>>
      tpu.enqueue_indirect_dma source(%arg8 : memref<125x64xf32, #tpu.memory_space<vmem>>) target(%dma_start3A_506 : memref<10000x64xf32, #tpu.memory_space<vmem_shared>>) offsets(%dma_start3A_503 : memref<125xi32, #tpu.memory_space<vmem>>) semaphore(%arg18 : memref<!tpu.dma_semaphore, #tpu.memory_space<semaphore_mem>>) {add = true}
      %lt3A_507 = arith.constant 80 : i32
      %lt3A_508 = arith.cmpi slt, %add3A_494, %lt3A_507 : i32
      %eq3A = arith.constant 0 : i32
      %eq3A_509 = arith.cmpi eq, %arg0, %eq3A : i32
      %eq3A_510 = arith.xori %lt3A_508, %eq3A_509 : i1
      %eq3A_511 = arith.constant true
      %eq3A_512 = arith.xori %eq3A_510, %eq3A_511 : i1
      %convert_element_type3A_513 = arith.extui %eq3A_512 : i1 to i32
      %cond3A_514 = arith.constant 0 : i32
      %cond3A_515 = arith.cmpi ne, %convert_element_type3A_513, %cond3A_514 : i32
      scf.if %cond3A_515 {
        %dma_start3A_594 = arith.constant 0 : i32
        %dma_start3A_595 = tpu.memref_slice %arg22[%dma_start3A_594] : memref<128xf32, #tpu.memory_space<vmem>> -> memref<125xf32, #tpu.memory_space<vmem>>
        %dma_start3A_596 = arith.constant 0 : i32
        %dma_start3A_597 = tpu.memref_slice %arg7[%add3A_494, %dma_start3A_596] : memref<160x125xi32, #tpu.memory_space<vmem>> -> memref<1x125xi32, #tpu.memory_space<vmem>>
        %dma_start3A_598 = tpu.memref_squeeze %dma_start3A_597 : memref<1x125xi32, #tpu.memory_space<vmem>> -> memref<125xi32, #tpu.memory_space<vmem>>
        %dma_start3A_599 = arith.constant 0 : i32
        %dma_start3A_600 = tpu.memref_slice %arg24[%dma_start3A_599] : memref<10000xf32, #tpu.memory_space<vmem_shared>> -> memref<10000xf32, #tpu.memory_space<vmem_shared>>
        tpu.enqueue_indirect_dma source(%dma_start3A_595 : memref<125xf32, #tpu.memory_space<vmem>>) target(%dma_start3A_600 : memref<10000xf32, #tpu.memory_space<vmem_shared>>) offsets(%dma_start3A_598 : memref<125xi32, #tpu.memory_space<vmem>>) semaphore(%arg25 : memref<!tpu.dma_semaphore, #tpu.memory_space<semaphore_mem>>) {add = true}
      } else {
      }
      %mul3A_516 = arith.constant 4 : i32
      %mul3A_517 = arith.muli %scan3A_431, %mul3A_516 : i32
      %add3A_518 = arith.constant 1 : i32
      %add3A_519 = arith.addi %mul3A_517, %add3A_518 : i32
      %dma_wait3A_520 = arith.constant 0 : i32
      %dma_wait3A_521 = tpu.memref_slice %arg6[%add3A_519, %dma_wait3A_520] : memref<160x125xi32, #tpu.memory_space<vmem>> -> memref<1x125xi32, #tpu.memory_space<vmem>>
      %dma_wait3A_522 = tpu.memref_squeeze %dma_wait3A_521 : memref<1x125xi32, #tpu.memory_space<vmem>> -> memref<125xi32, #tpu.memory_space<vmem>>
      %dma_wait3A_523 = arith.constant 0 : i32
      %dma_wait3A_524 = arith.constant 0 : i32
      %dma_wait3A_525 = tpu.memref_slice %arg2[%dma_wait3A_523, %dma_wait3A_524] : memref<20000x64xf32, #tpu.memory_space<hbm>> -> memref<20000x64xf32, #tpu.memory_space<hbm>>
      tpu.wait_indirect_dma semaphore(%arg15 : memref<!tpu.dma_semaphore, #tpu.memory_space<semaphore_mem>>) src(%dma_wait3A_525 : memref<20000x64xf32, #tpu.memory_space<hbm>>) dst(%arg9 : memref<125x64xf32, #tpu.memory_space<vmem>>)
      %dma_start3A_526 = arith.constant 0 : i32
      %dma_start3A_527 = tpu.memref_slice %arg7[%add3A_519, %dma_start3A_526] : memref<160x125xi32, #tpu.memory_space<vmem>> -> memref<1x125xi32, #tpu.memory_space<vmem>>
      %dma_start3A_528 = tpu.memref_squeeze %dma_start3A_527 : memref<1x125xi32, #tpu.memory_space<vmem>> -> memref<125xi32, #tpu.memory_space<vmem>>
      %dma_start3A_529 = arith.constant 0 : i32
      %dma_start3A_530 = arith.constant 0 : i32
      %dma_start3A_531 = tpu.memref_slice %arg13[%dma_start3A_529, %dma_start3A_530] : memref<10000x64xf32, #tpu.memory_space<vmem_shared>> -> memref<10000x64xf32, #tpu.memory_space<vmem_shared>>
      tpu.enqueue_indirect_dma source(%arg9 : memref<125x64xf32, #tpu.memory_space<vmem>>) target(%dma_start3A_531 : memref<10000x64xf32, #tpu.memory_space<vmem_shared>>) offsets(%dma_start3A_528 : memref<125xi32, #tpu.memory_space<vmem>>) semaphore(%arg19 : memref<!tpu.dma_semaphore, #tpu.memory_space<semaphore_mem>>) {add = true}
      %lt3A_532 = arith.constant 80 : i32
      %lt3A_533 = arith.cmpi slt, %add3A_519, %lt3A_532 : i32
      %eq3A_534 = arith.constant 0 : i32
      %eq3A_535 = arith.cmpi eq, %arg0, %eq3A_534 : i32
      %eq3A_536 = arith.xori %lt3A_533, %eq3A_535 : i1
      %eq3A_537 = arith.constant true
      %eq3A_538 = arith.xori %eq3A_536, %eq3A_537 : i1
      %convert_element_type3A_539 = arith.extui %eq3A_538 : i1 to i32
      %cond3A_540 = arith.constant 0 : i32
      %cond3A_541 = arith.cmpi ne, %convert_element_type3A_539, %cond3A_540 : i32
      scf.if %cond3A_541 {
        %dma_start3A_594 = arith.constant 0 : i32
        %dma_start3A_595 = tpu.memref_slice %arg22[%dma_start3A_594] : memref<128xf32, #tpu.memory_space<vmem>> -> memref<125xf32, #tpu.memory_space<vmem>>
        %dma_start3A_596 = arith.constant 0 : i32
        %dma_start3A_597 = tpu.memref_slice %arg7[%add3A_519, %dma_start3A_596] : memref<160x125xi32, #tpu.memory_space<vmem>> -> memref<1x125xi32, #tpu.memory_space<vmem>>
        %dma_start3A_598 = tpu.memref_squeeze %dma_start3A_597 : memref<1x125xi32, #tpu.memory_space<vmem>> -> memref<125xi32, #tpu.memory_space<vmem>>
        %dma_start3A_599 = arith.constant 0 : i32
        %dma_start3A_600 = tpu.memref_slice %arg24[%dma_start3A_599] : memref<10000xf32, #tpu.memory_space<vmem_shared>> -> memref<10000xf32, #tpu.memory_space<vmem_shared>>
        tpu.enqueue_indirect_dma source(%dma_start3A_595 : memref<125xf32, #tpu.memory_space<vmem>>) target(%dma_start3A_600 : memref<10000xf32, #tpu.memory_space<vmem_shared>>) offsets(%dma_start3A_598 : memref<125xi32, #tpu.memory_space<vmem>>) semaphore(%arg25 : memref<!tpu.dma_semaphore, #tpu.memory_space<semaphore_mem>>) {add = true}
      } else {
      }
      %mul3A_542 = arith.constant 4 : i32
      %mul3A_543 = arith.muli %scan3A_431, %mul3A_542 : i32
      %add3A_544 = arith.constant 2 : i32
      %add3A_545 = arith.addi %mul3A_543, %add3A_544 : i32
      %dma_wait3A_546 = arith.constant 0 : i32
      %dma_wait3A_547 = tpu.memref_slice %arg6[%add3A_545, %dma_wait3A_546] : memref<160x125xi32, #tpu.memory_space<vmem>> -> memref<1x125xi32, #tpu.memory_space<vmem>>
      %dma_wait3A_548 = tpu.memref_squeeze %dma_wait3A_547 : memref<1x125xi32, #tpu.memory_space<vmem>> -> memref<125xi32, #tpu.memory_space<vmem>>
      %dma_wait3A_549 = arith.constant 0 : i32
      %dma_wait3A_550 = arith.constant 0 : i32
      %dma_wait3A_551 = tpu.memref_slice %arg2[%dma_wait3A_549, %dma_wait3A_550] : memref<20000x64xf32, #tpu.memory_space<hbm>> -> memref<20000x64xf32, #tpu.memory_space<hbm>>
      tpu.wait_indirect_dma semaphore(%arg16 : memref<!tpu.dma_semaphore, #tpu.memory_space<semaphore_mem>>) src(%dma_wait3A_551 : memref<20000x64xf32, #tpu.memory_space<hbm>>) dst(%arg10 : memref<125x64xf32, #tpu.memory_space<vmem>>)
      %dma_start3A_552 = arith.constant 0 : i32
      %dma_start3A_553 = tpu.memref_slice %arg7[%add3A_545, %dma_start3A_552] : memref<160x125xi32, #tpu.memory_space<vmem>> -> memref<1x125xi32, #tpu.memory_space<vmem>>
      %dma_start3A_554 = tpu.memref_squeeze %dma_start3A_553 : memref<1x125xi32, #tpu.memory_space<vmem>> -> memref<125xi32, #tpu.memory_space<vmem>>
      %dma_start3A_555 = arith.constant 0 : i32
      %dma_start3A_556 = arith.constant 0 : i32
      %dma_start3A_557 = tpu.memref_slice %arg13[%dma_start3A_555, %dma_start3A_556] : memref<10000x64xf32, #tpu.memory_space<vmem_shared>> -> memref<10000x64xf32, #tpu.memory_space<vmem_shared>>
      tpu.enqueue_indirect_dma source(%arg10 : memref<125x64xf32, #tpu.memory_space<vmem>>) target(%dma_start3A_557 : memref<10000x64xf32, #tpu.memory_space<vmem_shared>>) offsets(%dma_start3A_554 : memref<125xi32, #tpu.memory_space<vmem>>) semaphore(%arg20 : memref<!tpu.dma_semaphore, #tpu.memory_space<semaphore_mem>>) {add = true}
      %lt3A_558 = arith.constant 80 : i32
      %lt3A_559 = arith.cmpi slt, %add3A_545, %lt3A_558 : i32
      %eq3A_560 = arith.constant 0 : i32
      %eq3A_561 = arith.cmpi eq, %arg0, %eq3A_560 : i32
      %eq3A_562 = arith.xori %lt3A_559, %eq3A_561 : i1
      %eq3A_563 = arith.constant true
      %eq3A_564 = arith.xori %eq3A_562, %eq3A_563 : i1
      %convert_element_type3A_565 = arith.extui %eq3A_564 : i1 to i32
      %cond3A_566 = arith.constant 0 : i32
      %cond3A_567 = arith.cmpi ne, %convert_element_type3A_565, %cond3A_566 : i32
      scf.if %cond3A_567 {
        %dma_start3A_594 = arith.constant 0 : i32
        %dma_start3A_595 = tpu.memref_slice %arg22[%dma_start3A_594] : memref<128xf32, #tpu.memory_space<vmem>> -> memref<125xf32, #tpu.memory_space<vmem>>
        %dma_start3A_596 = arith.constant 0 : i32
        %dma_start3A_597 = tpu.memref_slice %arg7[%add3A_545, %dma_start3A_596] : memref<160x125xi32, #tpu.memory_space<vmem>> -> memref<1x125xi32, #tpu.memory_space<vmem>>
        %dma_start3A_598 = tpu.memref_squeeze %dma_start3A_597 : memref<1x125xi32, #tpu.memory_space<vmem>> -> memref<125xi32, #tpu.memory_space<vmem>>
        %dma_start3A_599 = arith.constant 0 : i32
        %dma_start3A_600 = tpu.memref_slice %arg24[%dma_start3A_599] : memref<10000xf32, #tpu.memory_space<vmem_shared>> -> memref<10000xf32, #tpu.memory_space<vmem_shared>>
        tpu.enqueue_indirect_dma source(%dma_start3A_595 : memref<125xf32, #tpu.memory_space<vmem>>) target(%dma_start3A_600 : memref<10000xf32, #tpu.memory_space<vmem_shared>>) offsets(%dma_start3A_598 : memref<125xi32, #tpu.memory_space<vmem>>) semaphore(%arg25 : memref<!tpu.dma_semaphore, #tpu.memory_space<semaphore_mem>>) {add = true}
      } else {
      }
      %mul3A_568 = arith.constant 4 : i32
      %mul3A_569 = arith.muli %scan3A_431, %mul3A_568 : i32
      %add3A_570 = arith.constant 3 : i32
      %add3A_571 = arith.addi %mul3A_569, %add3A_570 : i32
      %dma_wait3A_572 = arith.constant 0 : i32
      %dma_wait3A_573 = tpu.memref_slice %arg6[%add3A_571, %dma_wait3A_572] : memref<160x125xi32, #tpu.memory_space<vmem>> -> memref<1x125xi32, #tpu.memory_space<vmem>>
      %dma_wait3A_574 = tpu.memref_squeeze %dma_wait3A_573 : memref<1x125xi32, #tpu.memory_space<vmem>> -> memref<125xi32, #tpu.memory_space<vmem>>
      %dma_wait3A_575 = arith.constant 0 : i32
      %dma_wait3A_576 = arith.constant 0 : i32
      %dma_wait3A_577 = tpu.memref_slice %arg2[%dma_wait3A_575, %dma_wait3A_576] : memref<20000x64xf32, #tpu.memory_space<hbm>> -> memref<20000x64xf32, #tpu.memory_space<hbm>>
      tpu.wait_indirect_dma semaphore(%arg17 : memref<!tpu.dma_semaphore, #tpu.memory_space<semaphore_mem>>) src(%dma_wait3A_577 : memref<20000x64xf32, #tpu.memory_space<hbm>>) dst(%arg11 : memref<125x64xf32, #tpu.memory_space<vmem>>)
      %dma_start3A_578 = arith.constant 0 : i32
      %dma_start3A_579 = tpu.memref_slice %arg7[%add3A_571, %dma_start3A_578] : memref<160x125xi32, #tpu.memory_space<vmem>> -> memref<1x125xi32, #tpu.memory_space<vmem>>
      %dma_start3A_580 = tpu.memref_squeeze %dma_start3A_579 : memref<1x125xi32, #tpu.memory_space<vmem>> -> memref<125xi32, #tpu.memory_space<vmem>>
      %dma_start3A_581 = arith.constant 0 : i32
      %dma_start3A_582 = arith.constant 0 : i32
      %dma_start3A_583 = tpu.memref_slice %arg13[%dma_start3A_581, %dma_start3A_582] : memref<10000x64xf32, #tpu.memory_space<vmem_shared>> -> memref<10000x64xf32, #tpu.memory_space<vmem_shared>>
      tpu.enqueue_indirect_dma source(%arg11 : memref<125x64xf32, #tpu.memory_space<vmem>>) target(%dma_start3A_583 : memref<10000x64xf32, #tpu.memory_space<vmem_shared>>) offsets(%dma_start3A_580 : memref<125xi32, #tpu.memory_space<vmem>>) semaphore(%arg21 : memref<!tpu.dma_semaphore, #tpu.memory_space<semaphore_mem>>) {add = true}
      %lt3A_584 = arith.constant 80 : i32
      %lt3A_585 = arith.cmpi slt, %add3A_571, %lt3A_584 : i32
      %eq3A_586 = arith.constant 0 : i32
      %eq3A_587 = arith.cmpi eq, %arg0, %eq3A_586 : i32
      %eq3A_588 = arith.xori %lt3A_585, %eq3A_587 : i1
      %eq3A_589 = arith.constant true
      %eq3A_590 = arith.xori %eq3A_588, %eq3A_589 : i1
      %convert_element_type3A_591 = arith.extui %eq3A_590 : i1 to i32
      %cond3A_592 = arith.constant 0 : i32
      %cond3A_593 = arith.cmpi ne, %convert_element_type3A_591, %cond3A_592 : i32
      scf.if %cond3A_593 {
        %dma_start3A_594 = arith.constant 0 : i32
        %dma_start3A_595 = tpu.memref_slice %arg22[%dma_start3A_594] : memref<128xf32, #tpu.memory_space<vmem>> -> memref<125xf32, #tpu.memory_space<vmem>>
        %dma_start3A_596 = arith.constant 0 : i32
        %dma_start3A_597 = tpu.memref_slice %arg7[%add3A_571, %dma_start3A_596] : memref<160x125xi32, #tpu.memory_space<vmem>> -> memref<1x125xi32, #tpu.memory_space<vmem>>
        %dma_start3A_598 = tpu.memref_squeeze %dma_start3A_597 : memref<1x125xi32, #tpu.memory_space<vmem>> -> memref<125xi32, #tpu.memory_space<vmem>>
        %dma_start3A_599 = arith.constant 0 : i32
        %dma_start3A_600 = tpu.memref_slice %arg24[%dma_start3A_599] : memref<10000xf32, #tpu.memory_space<vmem_shared>> -> memref<10000xf32, #tpu.memory_space<vmem_shared>>
        tpu.enqueue_indirect_dma source(%dma_start3A_595 : memref<125xf32, #tpu.memory_space<vmem>>) target(%dma_start3A_600 : memref<10000xf32, #tpu.memory_space<vmem_shared>>) offsets(%dma_start3A_598 : memref<125xi32, #tpu.memory_space<vmem>>) semaphore(%arg25 : memref<!tpu.dma_semaphore, #tpu.memory_space<semaphore_mem>>) {add = true}
      } else {
      }
    }
    %scan3A_358 = arith.constant 40 : i32
    %dma_wait3A_359 = arith.constant 156 : i32
    %dma_wait3A_360 = arith.constant 0 : i32
    %dma_wait3A_361 = tpu.memref_slice %arg7[%dma_wait3A_359, %dma_wait3A_360] : memref<160x125xi32, #tpu.memory_space<vmem>> -> memref<1x125xi32, #tpu.memory_space<vmem>>
    %dma_wait3A_362 = tpu.memref_squeeze %dma_wait3A_361 : memref<1x125xi32, #tpu.memory_space<vmem>> -> memref<125xi32, #tpu.memory_space<vmem>>
    %dma_wait3A_363 = arith.constant 0 : i32
    %dma_wait3A_364 = arith.constant 0 : i32
    %dma_wait3A_365 = tpu.memref_slice %arg13[%dma_wait3A_363, %dma_wait3A_364] : memref<10000x64xf32, #tpu.memory_space<vmem_shared>> -> memref<10000x64xf32, #tpu.memory_space<vmem_shared>>
    tpu.wait_indirect_dma semaphore(%arg18 : memref<!tpu.dma_semaphore, #tpu.memory_space<semaphore_mem>>) src(%arg8 : memref<125x64xf32, #tpu.memory_space<vmem>>) dst(%dma_wait3A_365 : memref<10000x64xf32, #tpu.memory_space<vmem_shared>>)
    %dma_wait3A_366 = arith.constant 157 : i32
    %dma_wait3A_367 = arith.constant 0 : i32
    %dma_wait3A_368 = tpu.memref_slice %arg7[%dma_wait3A_366, %dma_wait3A_367] : memref<160x125xi32, #tpu.memory_space<vmem>> -> memref<1x125xi32, #tpu.memory_space<vmem>>
    %dma_wait3A_369 = tpu.memref_squeeze %dma_wait3A_368 : memref<1x125xi32, #tpu.memory_space<vmem>> -> memref<125xi32, #tpu.memory_space<vmem>>
    %dma_wait3A_370 = arith.constant 0 : i32
    %dma_wait3A_371 = arith.constant 0 : i32
    %dma_wait3A_372 = tpu.memref_slice %arg13[%dma_wait3A_370, %dma_wait3A_371] : memref<10000x64xf32, #tpu.memory_space<vmem_shared>> -> memref<10000x64xf32, #tpu.memory_space<vmem_shared>>
    tpu.wait_indirect_dma semaphore(%arg19 : memref<!tpu.dma_semaphore, #tpu.memory_space<semaphore_mem>>) src(%arg9 : memref<125x64xf32, #tpu.memory_space<vmem>>) dst(%dma_wait3A_372 : memref<10000x64xf32, #tpu.memory_space<vmem_shared>>)
    %dma_wait3A_373 = arith.constant 158 : i32
    %dma_wait3A_374 = arith.constant 0 : i32
    %dma_wait3A_375 = tpu.memref_slice %arg7[%dma_wait3A_373, %dma_wait3A_374] : memref<160x125xi32, #tpu.memory_space<vmem>> -> memref<1x125xi32, #tpu.memory_space<vmem>>
    %dma_wait3A_376 = tpu.memref_squeeze %dma_wait3A_375 : memref<1x125xi32, #tpu.memory_space<vmem>> -> memref<125xi32, #tpu.memory_space<vmem>>
    %dma_wait3A_377 = arith.constant 0 : i32
    %dma_wait3A_378 = arith.constant 0 : i32
    %dma_wait3A_379 = tpu.memref_slice %arg13[%dma_wait3A_377, %dma_wait3A_378] : memref<10000x64xf32, #tpu.memory_space<vmem_shared>> -> memref<10000x64xf32, #tpu.memory_space<vmem_shared>>
    tpu.wait_indirect_dma semaphore(%arg20 : memref<!tpu.dma_semaphore, #tpu.memory_space<semaphore_mem>>) src(%arg10 : memref<125x64xf32, #tpu.memory_space<vmem>>) dst(%dma_wait3A_379 : memref<10000x64xf32, #tpu.memory_space<vmem_shared>>)
    %dma_wait3A_380 = arith.constant 159 : i32
    %dma_wait3A_381 = arith.constant 0 : i32
    %dma_wait3A_382 = tpu.memref_slice %arg7[%dma_wait3A_380, %dma_wait3A_381] : memref<160x125xi32, #tpu.memory_space<vmem>> -> memref<1x125xi32, #tpu.memory_space<vmem>>
    %dma_wait3A_383 = tpu.memref_squeeze %dma_wait3A_382 : memref<1x125xi32, #tpu.memory_space<vmem>> -> memref<125xi32, #tpu.memory_space<vmem>>
    %dma_wait3A_384 = arith.constant 0 : i32
    %dma_wait3A_385 = arith.constant 0 : i32
    %dma_wait3A_386 = tpu.memref_slice %arg13[%dma_wait3A_384, %dma_wait3A_385] : memref<10000x64xf32, #tpu.memory_space<vmem_shared>> -> memref<10000x64xf32, #tpu.memory_space<vmem_shared>>
    tpu.wait_indirect_dma semaphore(%arg21 : memref<!tpu.dma_semaphore, #tpu.memory_space<semaphore_mem>>) src(%arg11 : memref<125x64xf32, #tpu.memory_space<vmem>>) dst(%dma_wait3A_386 : memref<10000x64xf32, #tpu.memory_space<vmem_shared>>)
    %mul3A_387 = arith.constant 80 : i32
    %mul3A_388 = arith.muli %arg0, %mul3A_387 : i32
    %add3A_389 = arith.constant 1 : i32
    %add3A_390 = arith.addi %arg0, %add3A_389 : i32
    %mul3A_391 = arith.constant 80 : i32
    %mul3A_392 = arith.muli %add3A_390, %mul3A_391 : i32
    %while3A = arith.constant 0 : i32
    %while3A_393 = arith.subi %mul3A_392, %mul3A_388 : i32
    %while3A_394 = arith.addi %mul3A_388, %while3A_393 : i32
    %while3A_395 = arith.constant 1 : i32
    %while3A_396 = arith.divsi %while3A_393, %while3A_395 : i32
    %while3A_397 = arith.muli %while3A_396, %while3A_395 : i32
    %while3A_398 = arith.addi %mul3A_388, %while3A_397 : i32
    %while3A_399 = arith.constant 1 : i32
    scf.for %while3A_431 = %mul3A_388 to %while3A_398 step %while3A_399  : i32 {
      %dma_wait3A_432 = arith.constant 0 : i32
      %dma_wait3A_433 = tpu.memref_slice %arg22[%dma_wait3A_432] : memref<128xf32, #tpu.memory_space<vmem>> -> memref<125xf32, #tpu.memory_space<vmem>>
      %dma_wait3A_434 = arith.constant 0 : i32
      %dma_wait3A_435 = tpu.memref_slice %arg7[%while3A_431, %dma_wait3A_434] : memref<160x125xi32, #tpu.memory_space<vmem>> -> memref<1x125xi32, #tpu.memory_space<vmem>>
      %dma_wait3A_436 = tpu.memref_squeeze %dma_wait3A_435 : memref<1x125xi32, #tpu.memory_space<vmem>> -> memref<125xi32, #tpu.memory_space<vmem>>
      %dma_wait3A_437 = arith.constant 0 : i32
      %dma_wait3A_438 = tpu.memref_slice %arg24[%dma_wait3A_437] : memref<10000xf32, #tpu.memory_space<vmem_shared>> -> memref<10000xf32, #tpu.memory_space<vmem_shared>>
      tpu.wait_indirect_dma semaphore(%arg25 : memref<!tpu.dma_semaphore, #tpu.memory_space<semaphore_mem>>) src(%dma_wait3A_433 : memref<125xf32, #tpu.memory_space<vmem>>) dst(%dma_wait3A_438 : memref<10000xf32, #tpu.memory_space<vmem_shared>>)
    }
    %while3A_400 = arith.constant 1 : i32
    scf.for %while3A_431 = %while3A_398 to %while3A_394 step %while3A_400  : i32 {
      %dma_wait3A_432 = arith.constant 0 : i32
      %dma_wait3A_433 = tpu.memref_slice %arg22[%dma_wait3A_432] : memref<128xf32, #tpu.memory_space<vmem>> -> memref<125xf32, #tpu.memory_space<vmem>>
      %dma_wait3A_434 = arith.constant 0 : i32
      %dma_wait3A_435 = tpu.memref_slice %arg7[%while3A_431, %dma_wait3A_434] : memref<160x125xi32, #tpu.memory_space<vmem>> -> memref<1x125xi32, #tpu.memory_space<vmem>>
      %dma_wait3A_436 = tpu.memref_squeeze %dma_wait3A_435 : memref<1x125xi32, #tpu.memory_space<vmem>> -> memref<125xi32, #tpu.memory_space<vmem>>
      %dma_wait3A_437 = arith.constant 0 : i32
      %dma_wait3A_438 = tpu.memref_slice %arg24[%dma_wait3A_437] : memref<10000xf32, #tpu.memory_space<vmem_shared>> -> memref<10000xf32, #tpu.memory_space<vmem_shared>>
      tpu.wait_indirect_dma semaphore(%arg25 : memref<!tpu.dma_semaphore, #tpu.memory_space<semaphore_mem>>) src(%dma_wait3A_433 : memref<125xf32, #tpu.memory_space<vmem>>) dst(%dma_wait3A_438 : memref<10000xf32, #tpu.memory_space<vmem_shared>>)
    }
    %barrier3A_401 = arith.constant 0 : index
    tpu.barrier barrier_id(%barrier3A_401)
    %mul3A_402 = arith.constant 625 : i32
    %mul3A_403 = arith.muli %arg1, %mul3A_402 : i32
    %add3A_404 = arith.constant 0 : i32
    %add3A_405 = arith.addi %mul3A_403, %add3A_404 : i32
    "tpu.region"() ({
      %run_scoped3A = tpu.sem_alloc : memref<!tpu.dma_semaphore, #tpu.memory_space<semaphore_mem>>
      %dma_start3A_431 = arith.constant 0 : i32
      %dma_start3A_432 = arith.constant 0 : i32
      %dma_start3A_433 = tpu.memref_slice %arg12[%dma_start3A_431, %dma_start3A_432] : memref<200x64xf32, #tpu.memory_space<vmem>> -> memref<200x64xf32, #tpu.memory_space<vmem>>
      %dma_start3A_434 = arith.constant 0 : i32
      %dma_start3A_435 = tpu.memref_slice %arg13[%add3A_405, %dma_start3A_434] : memref<10000x64xf32, #tpu.memory_space<vmem_shared>> -> memref<200x64xf32, #tpu.memory_space<vmem_shared>>
      %dma_start3A_436 = arith.constant 0 : i32
      %dma_start3A_437 = arith.constant 0 : i32
      %dma_start3A_438 = tpu.memref_slice %arg12[%dma_start3A_436, %dma_start3A_437] : memref<200x64xf32, #tpu.memory_space<vmem>> -> memref<200x64xf32, #tpu.memory_space<vmem>>
      %dma_start3A_439 = arith.constant 0 : i32
      %dma_start3A_440 = tpu.memref_slice %arg13[%add3A_405, %dma_start3A_439] : memref<10000x64xf32, #tpu.memory_space<vmem_shared>> -> memref<200x64xf32, #tpu.memory_space<vmem_shared>>
      tpu.enqueue_dma source(%dma_start3A_440 : memref<200x64xf32, #tpu.memory_space<vmem_shared>>) target(%dma_start3A_438 : memref<200x64xf32, #tpu.memory_space<vmem>>) target_semaphore(%run_scoped3A : memref<!tpu.dma_semaphore, #tpu.memory_space<semaphore_mem>>)
      %dma_wait3A_441 = arith.constant 0 : i32
      %dma_wait3A_442 = arith.constant 0 : i32
      %dma_wait3A_443 = tpu.memref_slice %arg12[%dma_wait3A_441, %dma_wait3A_442] : memref<200x64xf32, #tpu.memory_space<vmem>> -> memref<200x64xf32, #tpu.memory_space<vmem>>
      %dma_wait3A_444 = arith.constant 0 : i32
      %dma_wait3A_445 = tpu.memref_slice %arg13[%add3A_405, %dma_wait3A_444] : memref<10000x64xf32, #tpu.memory_space<vmem_shared>> -> memref<200x64xf32, #tpu.memory_space<vmem_shared>>
      %dma_wait3A_446 = arith.constant 0 : i32
      %dma_wait3A_447 = arith.constant 0 : i32
      %dma_wait3A_448 = tpu.memref_slice %arg12[%dma_wait3A_446, %dma_wait3A_447] : memref<200x64xf32, #tpu.memory_space<vmem>> -> memref<200x64xf32, #tpu.memory_space<vmem>>
      %dma_wait3A_449 = arith.constant 0 : i32
      %dma_wait3A_450 = tpu.memref_slice %arg13[%add3A_405, %dma_wait3A_449] : memref<10000x64xf32, #tpu.memory_space<vmem_shared>> -> memref<200x64xf32, #tpu.memory_space<vmem_shared>>
      tpu.wait_dma2 semaphore(%run_scoped3A : memref<!tpu.dma_semaphore, #tpu.memory_space<semaphore_mem>>) src(%dma_wait3A_450 : memref<200x64xf32, #tpu.memory_space<vmem_shared>>) dst(%dma_wait3A_448 : memref<200x64xf32, #tpu.memory_space<vmem>>)
      tpu.yield
    }) : () -> ()
    %mul3A_406 = arith.constant 64 : i32
    %mul3A_407 = arith.muli %arg0, %mul3A_406 : i32
    "tpu.region"() ({
      %run_scoped3A = tpu.sem_alloc : memref<!tpu.dma_semaphore, #tpu.memory_space<semaphore_mem>>
      %dma_start3A_431 = arith.constant 0 : i32
      %dma_start3A_432 = arith.constant 0 : i32
      %dma_start3A_433 = tpu.memref_slice %arg12[%dma_start3A_431, %dma_start3A_432] : memref<200x64xf32, #tpu.memory_space<vmem>> -> memref<200x64xf32, #tpu.memory_space<vmem>>
      %dma_start3A_434 = tpu.memref_slice %arg4[%add3A_405, %mul3A_407] : memref<10000x128xf32, #tpu.memory_space<hbm>> -> memref<200x64xf32, #tpu.memory_space<hbm>>
      %dma_start3A_435 = tpu.memref_slice %arg4[%add3A_405, %mul3A_407] : memref<10000x128xf32, #tpu.memory_space<hbm>> -> memref<200x64xf32, #tpu.memory_space<hbm>>
      %dma_start3A_436 = arith.constant 0 : i32
      %dma_start3A_437 = arith.constant 0 : i32
      %dma_start3A_438 = tpu.memref_slice %arg12[%dma_start3A_436, %dma_start3A_437] : memref<200x64xf32, #tpu.memory_space<vmem>> -> memref<200x64xf32, #tpu.memory_space<vmem>>
      tpu.enqueue_dma source(%dma_start3A_438 : memref<200x64xf32, #tpu.memory_space<vmem>>) target(%dma_start3A_435 : memref<200x64xf32, #tpu.memory_space<hbm>>) target_semaphore(%run_scoped3A : memref<!tpu.dma_semaphore, #tpu.memory_space<semaphore_mem>>)
      %dma_wait3A_439 = arith.constant 0 : i32
      %dma_wait3A_440 = arith.constant 0 : i32
      %dma_wait3A_441 = tpu.memref_slice %arg12[%dma_wait3A_439, %dma_wait3A_440] : memref<200x64xf32, #tpu.memory_space<vmem>> -> memref<200x64xf32, #tpu.memory_space<vmem>>
      %dma_wait3A_442 = tpu.memref_slice %arg4[%add3A_405, %mul3A_407] : memref<10000x128xf32, #tpu.memory_space<hbm>> -> memref<200x64xf32, #tpu.memory_space<hbm>>
      %dma_wait3A_443 = tpu.memref_slice %arg4[%add3A_405, %mul3A_407] : memref<10000x128xf32, #tpu.memory_space<hbm>> -> memref<200x64xf32, #tpu.memory_space<hbm>>
      %dma_wait3A_444 = arith.constant 0 : i32
      %dma_wait3A_445 = arith.constant 0 : i32
      %dma_wait3A_446 = tpu.memref_slice %arg12[%dma_wait3A_444, %dma_wait3A_445] : memref<200x64xf32, #tpu.memory_space<vmem>> -> memref<200x64xf32, #tpu.memory_space<vmem>>
      tpu.wait_dma2 semaphore(%run_scoped3A : memref<!tpu.dma_semaphore, #tpu.memory_space<semaphore_mem>>) src(%dma_wait3A_446 : memref<200x64xf32, #tpu.memory_space<vmem>>) dst(%dma_wait3A_443 : memref<200x64xf32, #tpu.memory_space<hbm>>)
      tpu.yield
    }) : () -> ()
    %mul3A_408 = arith.constant 625 : i32
    %mul3A_409 = arith.muli %arg1, %mul3A_408 : i32
    %add3A_410 = arith.constant 200 : i32
    %add3A_411 = arith.addi %mul3A_409, %add3A_410 : i32
    "tpu.region"() ({
      %run_scoped3A = tpu.sem_alloc : memref<!tpu.dma_semaphore, #tpu.memory_space<semaphore_mem>>
      %dma_start3A_431 = arith.constant 0 : i32
      %dma_start3A_432 = arith.constant 0 : i32
      %dma_start3A_433 = tpu.memref_slice %arg12[%dma_start3A_431, %dma_start3A_432] : memref<200x64xf32, #tpu.memory_space<vmem>> -> memref<200x64xf32, #tpu.memory_space<vmem>>
      %dma_start3A_434 = arith.constant 0 : i32
      %dma_start3A_435 = tpu.memref_slice %arg13[%add3A_411, %dma_start3A_434] : memref<10000x64xf32, #tpu.memory_space<vmem_shared>> -> memref<200x64xf32, #tpu.memory_space<vmem_shared>>
      %dma_start3A_436 = arith.constant 0 : i32
      %dma_start3A_437 = arith.constant 0 : i32
      %dma_start3A_438 = tpu.memref_slice %arg12[%dma_start3A_436, %dma_start3A_437] : memref<200x64xf32, #tpu.memory_space<vmem>> -> memref<200x64xf32, #tpu.memory_space<vmem>>
      %dma_start3A_439 = arith.constant 0 : i32
      %dma_start3A_440 = tpu.memref_slice %arg13[%add3A_411, %dma_start3A_439] : memref<10000x64xf32, #tpu.memory_space<vmem_shared>> -> memref<200x64xf32, #tpu.memory_space<vmem_shared>>
      tpu.enqueue_dma source(%dma_start3A_440 : memref<200x64xf32, #tpu.memory_space<vmem_shared>>) target(%dma_start3A_438 : memref<200x64xf32, #tpu.memory_space<vmem>>) target_semaphore(%run_scoped3A : memref<!tpu.dma_semaphore, #tpu.memory_space<semaphore_mem>>)
      %dma_wait3A_441 = arith.constant 0 : i32
      %dma_wait3A_442 = arith.constant 0 : i32
      %dma_wait3A_443 = tpu.memref_slice %arg12[%dma_wait3A_441, %dma_wait3A_442] : memref<200x64xf32, #tpu.memory_space<vmem>> -> memref<200x64xf32, #tpu.memory_space<vmem>>
      %dma_wait3A_444 = arith.constant 0 : i32
      %dma_wait3A_445 = tpu.memref_slice %arg13[%add3A_411, %dma_wait3A_444] : memref<10000x64xf32, #tpu.memory_space<vmem_shared>> -> memref<200x64xf32, #tpu.memory_space<vmem_shared>>
      %dma_wait3A_446 = arith.constant 0 : i32
      %dma_wait3A_447 = arith.constant 0 : i32
      %dma_wait3A_448 = tpu.memref_slice %arg12[%dma_wait3A_446, %dma_wait3A_447] : memref<200x64xf32, #tpu.memory_space<vmem>> -> memref<200x64xf32, #tpu.memory_space<vmem>>
      %dma_wait3A_449 = arith.constant 0 : i32
      %dma_wait3A_450 = tpu.memref_slice %arg13[%add3A_411, %dma_wait3A_449] : memref<10000x64xf32, #tpu.memory_space<vmem_shared>> -> memref<200x64xf32, #tpu.memory_space<vmem_shared>>
      tpu.wait_dma2 semaphore(%run_scoped3A : memref<!tpu.dma_semaphore, #tpu.memory_space<semaphore_mem>>) src(%dma_wait3A_450 : memref<200x64xf32, #tpu.memory_space<vmem_shared>>) dst(%dma_wait3A_448 : memref<200x64xf32, #tpu.memory_space<vmem>>)
      tpu.yield
    }) : () -> ()
    %mul3A_412 = arith.constant 64 : i32
    %mul3A_413 = arith.muli %arg0, %mul3A_412 : i32
    "tpu.region"() ({
      %run_scoped3A = tpu.sem_alloc : memref<!tpu.dma_semaphore, #tpu.memory_space<semaphore_mem>>
      %dma_start3A_431 = arith.constant 0 : i32
      %dma_start3A_432 = arith.constant 0 : i32
      %dma_start3A_433 = tpu.memref_slice %arg12[%dma_start3A_431, %dma_start3A_432] : memref<200x64xf32, #tpu.memory_space<vmem>> -> memref<200x64xf32, #tpu.memory_space<vmem>>
      %dma_start3A_434 = tpu.memref_slice %arg4[%add3A_411, %mul3A_413] : memref<10000x128xf32, #tpu.memory_space<hbm>> -> memref<200x64xf32, #tpu.memory_space<hbm>>
      %dma_start3A_435 = tpu.memref_slice %arg4[%add3A_411, %mul3A_413] : memref<10000x128xf32, #tpu.memory_space<hbm>> -> memref<200x64xf32, #tpu.memory_space<hbm>>
      %dma_start3A_436 = arith.constant 0 : i32
      %dma_start3A_437 = arith.constant 0 : i32
      %dma_start3A_438 = tpu.memref_slice %arg12[%dma_start3A_436, %dma_start3A_437] : memref<200x64xf32, #tpu.memory_space<vmem>> -> memref<200x64xf32, #tpu.memory_space<vmem>>
      tpu.enqueue_dma source(%dma_start3A_438 : memref<200x64xf32, #tpu.memory_space<vmem>>) target(%dma_start3A_435 : memref<200x64xf32, #tpu.memory_space<hbm>>) target_semaphore(%run_scoped3A : memref<!tpu.dma_semaphore, #tpu.memory_space<semaphore_mem>>)
      %dma_wait3A_439 = arith.constant 0 : i32
      %dma_wait3A_440 = arith.constant 0 : i32
      %dma_wait3A_441 = tpu.memref_slice %arg12[%dma_wait3A_439, %dma_wait3A_440] : memref<200x64xf32, #tpu.memory_space<vmem>> -> memref<200x64xf32, #tpu.memory_space<vmem>>
      %dma_wait3A_442 = tpu.memref_slice %arg4[%add3A_411, %mul3A_413] : memref<10000x128xf32, #tpu.memory_space<hbm>> -> memref<200x64xf32, #tpu.memory_space<hbm>>
      %dma_wait3A_443 = tpu.memref_slice %arg4[%add3A_411, %mul3A_413] : memref<10000x128xf32, #tpu.memory_space<hbm>> -> memref<200x64xf32, #tpu.memory_space<hbm>>
      %dma_wait3A_444 = arith.constant 0 : i32
      %dma_wait3A_445 = arith.constant 0 : i32
      %dma_wait3A_446 = tpu.memref_slice %arg12[%dma_wait3A_444, %dma_wait3A_445] : memref<200x64xf32, #tpu.memory_space<vmem>> -> memref<200x64xf32, #tpu.memory_space<vmem>>
      tpu.wait_dma2 semaphore(%run_scoped3A : memref<!tpu.dma_semaphore, #tpu.memory_space<semaphore_mem>>) src(%dma_wait3A_446 : memref<200x64xf32, #tpu.memory_space<vmem>>) dst(%dma_wait3A_443 : memref<200x64xf32, #tpu.memory_space<hbm>>)
      tpu.yield
    }) : () -> ()
    %mul3A_414 = arith.constant 625 : i32
    %mul3A_415 = arith.muli %arg1, %mul3A_414 : i32
    %add3A_416 = arith.constant 400 : i32
    %add3A_417 = arith.addi %mul3A_415, %add3A_416 : i32
    "tpu.region"() ({
      %run_scoped3A = tpu.sem_alloc : memref<!tpu.dma_semaphore, #tpu.memory_space<semaphore_mem>>
      %dma_start3A_431 = arith.constant 0 : i32
      %dma_start3A_432 = arith.constant 0 : i32
      %dma_start3A_433 = tpu.memref_slice %arg12[%dma_start3A_431, %dma_start3A_432] : memref<200x64xf32, #tpu.memory_space<vmem>> -> memref<200x64xf32, #tpu.memory_space<vmem>>
      %dma_start3A_434 = arith.constant 0 : i32
      %dma_start3A_435 = tpu.memref_slice %arg13[%add3A_417, %dma_start3A_434] : memref<10000x64xf32, #tpu.memory_space<vmem_shared>> -> memref<200x64xf32, #tpu.memory_space<vmem_shared>>
      %dma_start3A_436 = arith.constant 0 : i32
      %dma_start3A_437 = arith.constant 0 : i32
      %dma_start3A_438 = tpu.memref_slice %arg12[%dma_start3A_436, %dma_start3A_437] : memref<200x64xf32, #tpu.memory_space<vmem>> -> memref<200x64xf32, #tpu.memory_space<vmem>>
      %dma_start3A_439 = arith.constant 0 : i32
      %dma_start3A_440 = tpu.memref_slice %arg13[%add3A_417, %dma_start3A_439] : memref<10000x64xf32, #tpu.memory_space<vmem_shared>> -> memref<200x64xf32, #tpu.memory_space<vmem_shared>>
      tpu.enqueue_dma source(%dma_start3A_440 : memref<200x64xf32, #tpu.memory_space<vmem_shared>>) target(%dma_start3A_438 : memref<200x64xf32, #tpu.memory_space<vmem>>) target_semaphore(%run_scoped3A : memref<!tpu.dma_semaphore, #tpu.memory_space<semaphore_mem>>)
      %dma_wait3A_441 = arith.constant 0 : i32
      %dma_wait3A_442 = arith.constant 0 : i32
      %dma_wait3A_443 = tpu.memref_slice %arg12[%dma_wait3A_441, %dma_wait3A_442] : memref<200x64xf32, #tpu.memory_space<vmem>> -> memref<200x64xf32, #tpu.memory_space<vmem>>
      %dma_wait3A_444 = arith.constant 0 : i32
      %dma_wait3A_445 = tpu.memref_slice %arg13[%add3A_417, %dma_wait3A_444] : memref<10000x64xf32, #tpu.memory_space<vmem_shared>> -> memref<200x64xf32, #tpu.memory_space<vmem_shared>>
      %dma_wait3A_446 = arith.constant 0 : i32
      %dma_wait3A_447 = arith.constant 0 : i32
      %dma_wait3A_448 = tpu.memref_slice %arg12[%dma_wait3A_446, %dma_wait3A_447] : memref<200x64xf32, #tpu.memory_space<vmem>> -> memref<200x64xf32, #tpu.memory_space<vmem>>
      %dma_wait3A_449 = arith.constant 0 : i32
      %dma_wait3A_450 = tpu.memref_slice %arg13[%add3A_417, %dma_wait3A_449] : memref<10000x64xf32, #tpu.memory_space<vmem_shared>> -> memref<200x64xf32, #tpu.memory_space<vmem_shared>>
      tpu.wait_dma2 semaphore(%run_scoped3A : memref<!tpu.dma_semaphore, #tpu.memory_space<semaphore_mem>>) src(%dma_wait3A_450 : memref<200x64xf32, #tpu.memory_space<vmem_shared>>) dst(%dma_wait3A_448 : memref<200x64xf32, #tpu.memory_space<vmem>>)
      tpu.yield
    }) : () -> ()
    %mul3A_418 = arith.constant 64 : i32
    %mul3A_419 = arith.muli %arg0, %mul3A_418 : i32
    "tpu.region"() ({
      %run_scoped3A = tpu.sem_alloc : memref<!tpu.dma_semaphore, #tpu.memory_space<semaphore_mem>>
      %dma_start3A_431 = arith.constant 0 : i32
      %dma_start3A_432 = arith.constant 0 : i32
      %dma_start3A_433 = tpu.memref_slice %arg12[%dma_start3A_431, %dma_start3A_432] : memref<200x64xf32, #tpu.memory_space<vmem>> -> memref<200x64xf32, #tpu.memory_space<vmem>>
      %dma_start3A_434 = tpu.memref_slice %arg4[%add3A_417, %mul3A_419] : memref<10000x128xf32, #tpu.memory_space<hbm>> -> memref<200x64xf32, #tpu.memory_space<hbm>>
      %dma_start3A_435 = tpu.memref_slice %arg4[%add3A_417, %mul3A_419] : memref<10000x128xf32, #tpu.memory_space<hbm>> -> memref<200x64xf32, #tpu.memory_space<hbm>>
      %dma_start3A_436 = arith.constant 0 : i32
      %dma_start3A_437 = arith.constant 0 : i32
      %dma_start3A_438 = tpu.memref_slice %arg12[%dma_start3A_436, %dma_start3A_437] : memref<200x64xf32, #tpu.memory_space<vmem>> -> memref<200x64xf32, #tpu.memory_space<vmem>>
      tpu.enqueue_dma source(%dma_start3A_438 : memref<200x64xf32, #tpu.memory_space<vmem>>) target(%dma_start3A_435 : memref<200x64xf32, #tpu.memory_space<hbm>>) target_semaphore(%run_scoped3A : memref<!tpu.dma_semaphore, #tpu.memory_space<semaphore_mem>>)
      %dma_wait3A_439 = arith.constant 0 : i32
      %dma_wait3A_440 = arith.constant 0 : i32
      %dma_wait3A_441 = tpu.memref_slice %arg12[%dma_wait3A_439, %dma_wait3A_440] : memref<200x64xf32, #tpu.memory_space<vmem>> -> memref<200x64xf32, #tpu.memory_space<vmem>>
      %dma_wait3A_442 = tpu.memref_slice %arg4[%add3A_417, %mul3A_419] : memref<10000x128xf32, #tpu.memory_space<hbm>> -> memref<200x64xf32, #tpu.memory_space<hbm>>
      %dma_wait3A_443 = tpu.memref_slice %arg4[%add3A_417, %mul3A_419] : memref<10000x128xf32, #tpu.memory_space<hbm>> -> memref<200x64xf32, #tpu.memory_space<hbm>>
      %dma_wait3A_444 = arith.constant 0 : i32
      %dma_wait3A_445 = arith.constant 0 : i32
      %dma_wait3A_446 = tpu.memref_slice %arg12[%dma_wait3A_444, %dma_wait3A_445] : memref<200x64xf32, #tpu.memory_space<vmem>> -> memref<200x64xf32, #tpu.memory_space<vmem>>
      tpu.wait_dma2 semaphore(%run_scoped3A : memref<!tpu.dma_semaphore, #tpu.memory_space<semaphore_mem>>) src(%dma_wait3A_446 : memref<200x64xf32, #tpu.memory_space<vmem>>) dst(%dma_wait3A_443 : memref<200x64xf32, #tpu.memory_space<hbm>>)
      tpu.yield
    }) : () -> ()
    %mul3A_420 = arith.constant 625 : i32
    %mul3A_421 = arith.muli %arg1, %mul3A_420 : i32
    %add3A_422 = arith.constant 600 : i32
    %add3A_423 = arith.addi %mul3A_421, %add3A_422 : i32
    "tpu.region"() ({
      %run_scoped3A = tpu.sem_alloc : memref<!tpu.dma_semaphore, #tpu.memory_space<semaphore_mem>>
      %dma_start3A_431 = arith.constant 0 : i32
      %dma_start3A_432 = arith.constant 0 : i32
      %dma_start3A_433 = tpu.memref_slice %arg12[%dma_start3A_431, %dma_start3A_432] : memref<200x64xf32, #tpu.memory_space<vmem>> -> memref<25x64xf32, #tpu.memory_space<vmem>>
      %dma_start3A_434 = arith.constant 0 : i32
      %dma_start3A_435 = tpu.memref_slice %arg13[%add3A_423, %dma_start3A_434] : memref<10000x64xf32, #tpu.memory_space<vmem_shared>> -> memref<25x64xf32, #tpu.memory_space<vmem_shared>>
      %dma_start3A_436 = arith.constant 0 : i32
      %dma_start3A_437 = arith.constant 0 : i32
      %dma_start3A_438 = tpu.memref_slice %arg12[%dma_start3A_436, %dma_start3A_437] : memref<200x64xf32, #tpu.memory_space<vmem>> -> memref<25x64xf32, #tpu.memory_space<vmem>>
      %dma_start3A_439 = arith.constant 0 : i32
      %dma_start3A_440 = tpu.memref_slice %arg13[%add3A_423, %dma_start3A_439] : memref<10000x64xf32, #tpu.memory_space<vmem_shared>> -> memref<25x64xf32, #tpu.memory_space<vmem_shared>>
      tpu.enqueue_dma source(%dma_start3A_440 : memref<25x64xf32, #tpu.memory_space<vmem_shared>>) target(%dma_start3A_438 : memref<25x64xf32, #tpu.memory_space<vmem>>) target_semaphore(%run_scoped3A : memref<!tpu.dma_semaphore, #tpu.memory_space<semaphore_mem>>)
      %dma_wait3A_441 = arith.constant 0 : i32
      %dma_wait3A_442 = arith.constant 0 : i32
      %dma_wait3A_443 = tpu.memref_slice %arg12[%dma_wait3A_441, %dma_wait3A_442] : memref<200x64xf32, #tpu.memory_space<vmem>> -> memref<25x64xf32, #tpu.memory_space<vmem>>
      %dma_wait3A_444 = arith.constant 0 : i32
      %dma_wait3A_445 = tpu.memref_slice %arg13[%add3A_423, %dma_wait3A_444] : memref<10000x64xf32, #tpu.memory_space<vmem_shared>> -> memref<25x64xf32, #tpu.memory_space<vmem_shared>>
      %dma_wait3A_446 = arith.constant 0 : i32
      %dma_wait3A_447 = arith.constant 0 : i32
      %dma_wait3A_448 = tpu.memref_slice %arg12[%dma_wait3A_446, %dma_wait3A_447] : memref<200x64xf32, #tpu.memory_space<vmem>> -> memref<25x64xf32, #tpu.memory_space<vmem>>
      %dma_wait3A_449 = arith.constant 0 : i32
      %dma_wait3A_450 = tpu.memref_slice %arg13[%add3A_423, %dma_wait3A_449] : memref<10000x64xf32, #tpu.memory_space<vmem_shared>> -> memref<25x64xf32, #tpu.memory_space<vmem_shared>>
      tpu.wait_dma2 semaphore(%run_scoped3A : memref<!tpu.dma_semaphore, #tpu.memory_space<semaphore_mem>>) src(%dma_wait3A_450 : memref<25x64xf32, #tpu.memory_space<vmem_shared>>) dst(%dma_wait3A_448 : memref<25x64xf32, #tpu.memory_space<vmem>>)
      tpu.yield
    }) : () -> ()
    %mul3A_424 = arith.constant 64 : i32
    %mul3A_425 = arith.muli %arg0, %mul3A_424 : i32
    "tpu.region"() ({
      %run_scoped3A = tpu.sem_alloc : memref<!tpu.dma_semaphore, #tpu.memory_space<semaphore_mem>>
      %dma_start3A_431 = arith.constant 0 : i32
      %dma_start3A_432 = arith.constant 0 : i32
      %dma_start3A_433 = tpu.memref_slice %arg12[%dma_start3A_431, %dma_start3A_432] : memref<200x64xf32, #tpu.memory_space<vmem>> -> memref<25x64xf32, #tpu.memory_space<vmem>>
      %dma_start3A_434 = tpu.memref_slice %arg4[%add3A_423, %mul3A_425] : memref<10000x128xf32, #tpu.memory_space<hbm>> -> memref<25x64xf32, #tpu.memory_space<hbm>>
      %dma_start3A_435 = tpu.memref_slice %arg4[%add3A_423, %mul3A_425] : memref<10000x128xf32, #tpu.memory_space<hbm>> -> memref<25x64xf32, #tpu.memory_space<hbm>>
      %dma_start3A_436 = arith.constant 0 : i32
      %dma_start3A_437 = arith.constant 0 : i32
      %dma_start3A_438 = tpu.memref_slice %arg12[%dma_start3A_436, %dma_start3A_437] : memref<200x64xf32, #tpu.memory_space<vmem>> -> memref<25x64xf32, #tpu.memory_space<vmem>>
      tpu.enqueue_dma source(%dma_start3A_438 : memref<25x64xf32, #tpu.memory_space<vmem>>) target(%dma_start3A_435 : memref<25x64xf32, #tpu.memory_space<hbm>>) target_semaphore(%run_scoped3A : memref<!tpu.dma_semaphore, #tpu.memory_space<semaphore_mem>>)
      %dma_wait3A_439 = arith.constant 0 : i32
      %dma_wait3A_440 = arith.constant 0 : i32
      %dma_wait3A_441 = tpu.memref_slice %arg12[%dma_wait3A_439, %dma_wait3A_440] : memref<200x64xf32, #tpu.memory_space<vmem>> -> memref<25x64xf32, #tpu.memory_space<vmem>>
      %dma_wait3A_442 = tpu.memref_slice %arg4[%add3A_423, %mul3A_425] : memref<10000x128xf32, #tpu.memory_space<hbm>> -> memref<25x64xf32, #tpu.memory_space<hbm>>
      %dma_wait3A_443 = tpu.memref_slice %arg4[%add3A_423, %mul3A_425] : memref<10000x128xf32, #tpu.memory_space<hbm>> -> memref<25x64xf32, #tpu.memory_space<hbm>>
      %dma_wait3A_444 = arith.constant 0 : i32
      %dma_wait3A_445 = arith.constant 0 : i32
      %dma_wait3A_446 = tpu.memref_slice %arg12[%dma_wait3A_444, %dma_wait3A_445] : memref<200x64xf32, #tpu.memory_space<vmem>> -> memref<25x64xf32, #tpu.memory_space<vmem>>
      tpu.wait_dma2 semaphore(%run_scoped3A : memref<!tpu.dma_semaphore, #tpu.memory_space<semaphore_mem>>) src(%dma_wait3A_446 : memref<25x64xf32, #tpu.memory_space<vmem>>) dst(%dma_wait3A_443 : memref<25x64xf32, #tpu.memory_space<hbm>>)
      tpu.yield
    }) : () -> ()
    %lt3A_426 = arith.constant 10 : i32
    %lt3A_427 = arith.cmpi slt, %arg1, %lt3A_426 : i32
    %convert_element_type3A_428 = arith.extui %lt3A_427 : i1 to i32
    %cond3A_429 = arith.constant 0 : i32
    %cond3A_430 = arith.cmpi ne, %convert_element_type3A_428, %cond3A_429 : i32
    scf.if %cond3A_430 {
      %mul3A_431 = arith.constant 1000 : i32
      %mul3A_432 = arith.muli %arg1, %mul3A_431 : i32
      "tpu.region"() ({
        %run_scoped3A = tpu.sem_alloc : memref<!tpu.dma_semaphore, #tpu.memory_space<semaphore_mem>>
        %dma_start3A_435 = arith.constant 0 : i32
        %dma_start3A_436 = tpu.memref_slice %arg23[%dma_start3A_435] : memref<1008xf32, #tpu.memory_space<vmem>> -> memref<1000xf32, #tpu.memory_space<vmem>>
        %dma_start3A_437 = tpu.memref_slice %arg24[%mul3A_432] : memref<10000xf32, #tpu.memory_space<vmem_shared>> -> memref<1000xf32, #tpu.memory_space<vmem_shared>>
        %dma_start3A_438 = arith.constant 0 : i32
        %dma_start3A_439 = tpu.memref_slice %arg23[%dma_start3A_438] : memref<1008xf32, #tpu.memory_space<vmem>> -> memref<1000xf32, #tpu.memory_space<vmem>>
        %dma_start3A_440 = tpu.memref_slice %arg24[%mul3A_432] : memref<10000xf32, #tpu.memory_space<vmem_shared>> -> memref<1000xf32, #tpu.memory_space<vmem_shared>>
        tpu.enqueue_dma source(%dma_start3A_440 : memref<1000xf32, #tpu.memory_space<vmem_shared>>) target(%dma_start3A_439 : memref<1000xf32, #tpu.memory_space<vmem>>) target_semaphore(%run_scoped3A : memref<!tpu.dma_semaphore, #tpu.memory_space<semaphore_mem>>)
        %dma_wait3A_441 = arith.constant 0 : i32
        %dma_wait3A_442 = tpu.memref_slice %arg23[%dma_wait3A_441] : memref<1008xf32, #tpu.memory_space<vmem>> -> memref<1000xf32, #tpu.memory_space<vmem>>
        %dma_wait3A_443 = tpu.memref_slice %arg24[%mul3A_432] : memref<10000xf32, #tpu.memory_space<vmem_shared>> -> memref<1000xf32, #tpu.memory_space<vmem_shared>>
        %dma_wait3A_444 = arith.constant 0 : i32
        %dma_wait3A_445 = tpu.memref_slice %arg23[%dma_wait3A_444] : memref<1008xf32, #tpu.memory_space<vmem>> -> memref<1000xf32, #tpu.memory_space<vmem>>
        %dma_wait3A_446 = tpu.memref_slice %arg24[%mul3A_432] : memref<10000xf32, #tpu.memory_space<vmem_shared>> -> memref<1000xf32, #tpu.memory_space<vmem_shared>>
        tpu.wait_dma2 semaphore(%run_scoped3A : memref<!tpu.dma_semaphore, #tpu.memory_space<semaphore_mem>>) src(%dma_wait3A_446 : memref<1000xf32, #tpu.memory_space<vmem_shared>>) dst(%dma_wait3A_445 : memref<1000xf32, #tpu.memory_space<vmem>>)
        tpu.yield
      }) : () -> ()
      %mul3A_433 = arith.constant 1000 : i32
      %mul3A_434 = arith.muli %arg1, %mul3A_433 : i32
      "tpu.region"() ({
        %run_scoped3A = tpu.sem_alloc : memref<!tpu.dma_semaphore, #tpu.memory_space<semaphore_mem>>
        %dma_start3A_435 = arith.constant 0 : i32
        %dma_start3A_436 = tpu.memref_slice %arg23[%dma_start3A_435] : memref<1008xf32, #tpu.memory_space<vmem>> -> memref<1000xf32, #tpu.memory_space<vmem>>
        %dma_start3A_437 = tpu.memref_slice %arg5[%arg0, %mul3A_434] : memref<2x10000xf32, #tpu.memory_space<hbm>> -> memref<1x1000xf32, #tpu.memory_space<hbm>>
        %dma_start3A_438 = tpu.memref_squeeze %dma_start3A_437 : memref<1x1000xf32, #tpu.memory_space<hbm>> -> memref<1000xf32, #tpu.memory_space<hbm>>
        %dma_start3A_439 = tpu.memref_slice %arg5[%arg0, %mul3A_434] : memref<2x10000xf32, #tpu.memory_space<hbm>> -> memref<1x1000xf32, #tpu.memory_space<hbm>>
        %dma_start3A_440 = tpu.memref_squeeze %dma_start3A_439 : memref<1x1000xf32, #tpu.memory_space<hbm>> -> memref<1000xf32, #tpu.memory_space<hbm>>
        %dma_start3A_441 = arith.constant 0 : i32
        %dma_start3A_442 = tpu.memref_slice %arg23[%dma_start3A_441] : memref<1008xf32, #tpu.memory_space<vmem>> -> memref<1000xf32, #tpu.memory_space<vmem>>
        tpu.enqueue_dma source(%dma_start3A_442 : memref<1000xf32, #tpu.memory_space<vmem>>) target(%dma_start3A_440 : memref<1000xf32, #tpu.memory_space<hbm>>) target_semaphore(%run_scoped3A : memref<!tpu.dma_semaphore, #tpu.memory_space<semaphore_mem>>)
        %dma_wait3A_443 = arith.constant 0 : i32
        %dma_wait3A_444 = tpu.memref_slice %arg23[%dma_wait3A_443] : memref<1008xf32, #tpu.memory_space<vmem>> -> memref<1000xf32, #tpu.memory_space<vmem>>
        %dma_wait3A_445 = tpu.memref_slice %arg5[%arg0, %mul3A_434] : memref<2x10000xf32, #tpu.memory_space<hbm>> -> memref<1x1000xf32, #tpu.memory_space<hbm>>
        %dma_wait3A_446 = tpu.memref_squeeze %dma_wait3A_445 : memref<1x1000xf32, #tpu.memory_space<hbm>> -> memref<1000xf32, #tpu.memory_space<hbm>>
        %dma_wait3A_447 = tpu.memref_slice %arg5[%arg0, %mul3A_434] : memref<2x10000xf32, #tpu.memory_space<hbm>> -> memref<1x1000xf32, #tpu.memory_space<hbm>>
        %dma_wait3A_448 = tpu.memref_squeeze %dma_wait3A_447 : memref<1x1000xf32, #tpu.memory_space<hbm>> -> memref<1000xf32, #tpu.memory_space<hbm>>
        %dma_wait3A_449 = arith.constant 0 : i32
        %dma_wait3A_450 = tpu.memref_slice %arg23[%dma_wait3A_449] : memref<1008xf32, #tpu.memory_space<vmem>> -> memref<1000xf32, #tpu.memory_space<vmem>>
        tpu.wait_dma2 semaphore(%run_scoped3A : memref<!tpu.dma_semaphore, #tpu.memory_space<semaphore_mem>>) src(%dma_wait3A_450 : memref<1000xf32, #tpu.memory_space<vmem>>) dst(%dma_wait3A_448 : memref<1000xf32, #tpu.memory_space<hbm>>)
        tpu.yield
      }) : () -> ()
    } else {
    }
    return
  }
}

#map = affine_map<(d0, d1) -> (0, 0)>
#map1 = affine_map<(d0, d1) -> (0, 0, 0, 0)>
module attributes {stable_mosaic.version = 14 : i64} {
  func.func @body(%arg0: i32, %arg1: i32, %arg2: memref<20000x64xf32, #tpu.memory_space<hbm>>, %arg3: memref<3x16x160x125xi32, #tpu.memory_space<hbm>>, %arg4: memref<10000x128xf32, #tpu.memory_space<hbm>>, %arg5: memref<160x125xi32, #tpu.memory_space<vmem>>, %arg6: memref<160x125xi32, #tpu.memory_space<vmem>>, %arg7: memref<125x64xf32, #tpu.memory_space<vmem>>, %arg8: memref<125x64xf32, #tpu.memory_space<vmem>>, %arg9: memref<125x64xf32, #tpu.memory_space<vmem>>, %arg10: memref<125x64xf32, #tpu.memory_space<vmem>>, %arg11: memref<200x64xf32, #tpu.memory_space<vmem>>, %arg12: memref<10000x64xf32, #tpu.memory_space<vmem_shared>>, %arg13: memref<!tpu.dma_semaphore, #tpu.memory_space<semaphore_mem>>, %arg14: memref<!tpu.dma_semaphore, #tpu.memory_space<semaphore_mem>>, %arg15: memref<!tpu.dma_semaphore, #tpu.memory_space<semaphore_mem>>, %arg16: memref<!tpu.dma_semaphore, #tpu.memory_space<semaphore_mem>>, %arg17: memref<!tpu.dma_semaphore, #tpu.memory_space<semaphore_mem>>, %arg18: memref<!tpu.dma_semaphore, #tpu.memory_space<semaphore_mem>>, %arg19: memref<!tpu.dma_semaphore, #tpu.memory_space<semaphore_mem>>, %arg20: memref<!tpu.dma_semaphore, #tpu.memory_space<semaphore_mem>>) attributes {dimension_semantics = [#tpu.dimension_semantics<core_parallel>, #tpu.dimension_semantics<subcore_parallel>], iteration_bounds = array<i64: 2, 16>, scalar_prefetch = 0 : i64, scratch_operands = 16 : i64, tpu.core_type = #tpu.core_type<sc_vector_subcore>, window_params = [{transform_indices = #map}, {transform_indices = #map1}, {transform_indices = #map}]} {
    %dma_start3A = arith.constant 0 : i32
    %dma_start3A_0 = arith.constant 0 : i32
    %dma_start3A_1 = tpu.memref_slice %arg3[%arg0, %arg1, %dma_start3A, %dma_start3A_0] : memref<3x16x160x125xi32, #tpu.memory_space<hbm>> -> memref<1x1x160x125xi32, #tpu.memory_space<hbm>>
    %dma_start3A_2 = tpu.memref_squeeze %dma_start3A_1 : memref<1x1x160x125xi32, #tpu.memory_space<hbm>> -> memref<160x125xi32, #tpu.memory_space<hbm>>
    %dma_start3A_3 = arith.constant 0 : i32
    %dma_start3A_4 = arith.constant 0 : i32
    %dma_start3A_5 = tpu.memref_slice %arg3[%arg0, %arg1, %dma_start3A_3, %dma_start3A_4] : memref<3x16x160x125xi32, #tpu.memory_space<hbm>> -> memref<1x1x160x125xi32, #tpu.memory_space<hbm>>
    %dma_start3A_6 = tpu.memref_squeeze %dma_start3A_5 : memref<1x1x160x125xi32, #tpu.memory_space<hbm>> -> memref<160x125xi32, #tpu.memory_space<hbm>>
    tpu.enqueue_dma source(%dma_start3A_6 : memref<160x125xi32, #tpu.memory_space<hbm>>) target(%arg5 : memref<160x125xi32, #tpu.memory_space<vmem>>) target_semaphore(%arg13 : memref<!tpu.dma_semaphore, #tpu.memory_space<semaphore_mem>>)
    %dma_start3A_7 = arith.constant 2 : i32
    %dma_start3A_8 = arith.constant 0 : i32
    %dma_start3A_9 = arith.constant 0 : i32
    %dma_start3A_10 = tpu.memref_slice %arg3[%dma_start3A_7, %arg1, %dma_start3A_8, %dma_start3A_9] : memref<3x16x160x125xi32, #tpu.memory_space<hbm>> -> memref<1x1x160x125xi32, #tpu.memory_space<hbm>>
    %dma_start3A_11 = tpu.memref_squeeze %dma_start3A_10 : memref<1x1x160x125xi32, #tpu.memory_space<hbm>> -> memref<160x125xi32, #tpu.memory_space<hbm>>
    %dma_start3A_12 = arith.constant 0 : i32
    %dma_start3A_13 = arith.constant 0 : i32
    %dma_start3A_14 = tpu.memref_slice %arg3[%dma_start3A_7, %arg1, %dma_start3A_12, %dma_start3A_13] : memref<3x16x160x125xi32, #tpu.memory_space<hbm>> -> memref<1x1x160x125xi32, #tpu.memory_space<hbm>>
    %dma_start3A_15 = tpu.memref_squeeze %dma_start3A_14 : memref<1x1x160x125xi32, #tpu.memory_space<hbm>> -> memref<160x125xi32, #tpu.memory_space<hbm>>
    tpu.enqueue_dma source(%dma_start3A_15 : memref<160x125xi32, #tpu.memory_space<hbm>>) target(%arg6 : memref<160x125xi32, #tpu.memory_space<vmem>>) target_semaphore(%arg14 : memref<!tpu.dma_semaphore, #tpu.memory_space<semaphore_mem>>)
    %broadcast_in_dim3A = arith.constant 0.000000e+00 : f32
    %broadcast_in_dim3A_16 = vector.broadcast %broadcast_in_dim3A : f32 to vector<16xf32>
    %scan3A = arith.constant 0 : i32
    %scan3A_17 = arith.constant 0 : i32
    %scan3A_18 = arith.constant 200 : i32
    %scan3A_19 = arith.addi %scan3A_17, %scan3A_18 : i32
    %scan3A_20 = arith.constant 1 : i32
    scf.for %scan3A_111 = %scan3A_17 to %scan3A_19 step %scan3A_20  : i32 {
      %swap3A = arith.index_cast %scan3A_111 : i32 to index
      %swap3A_112 = arith.constant 0 : index
      %swap3A_113 = tpu.vector_load %arg11[%swap3A, %swap3A_112] {strides = array<i32>} : memref<200x64xf32, #tpu.memory_space<vmem>>, vector<1x16xf32>,
      %swap3A_114 = vector.shape_cast %swap3A_113 : vector<1x16xf32> to vector<16xf32>
      %swap3A_115 = vector.shape_cast %broadcast_in_dim3A_16 : vector<16xf32> to vector<1x16xf32>
      tpu.vector_store %arg11[%swap3A, %swap3A_112], %swap3A_115 {strides = array<i32>} : memref<200x64xf32, #tpu.memory_space<vmem>>, vector<1x16xf32>,
      %swap3A_116 = arith.index_cast %scan3A_111 : i32 to index
      %swap3A_117 = arith.constant 16 : index
      %swap3A_118 = tpu.vector_load %arg11[%swap3A_116, %swap3A_117] {strides = array<i32>} : memref<200x64xf32, #tpu.memory_space<vmem>>, vector<1x16xf32>,
      %swap3A_119 = vector.shape_cast %swap3A_118 : vector<1x16xf32> to vector<16xf32>
      %swap3A_120 = vector.shape_cast %broadcast_in_dim3A_16 : vector<16xf32> to vector<1x16xf32>
      tpu.vector_store %arg11[%swap3A_116, %swap3A_117], %swap3A_120 {strides = array<i32>} : memref<200x64xf32, #tpu.memory_space<vmem>>, vector<1x16xf32>,
      %swap3A_121 = arith.index_cast %scan3A_111 : i32 to index
      %swap3A_122 = arith.constant 32 : index
      %swap3A_123 = tpu.vector_load %arg11[%swap3A_121, %swap3A_122] {strides = array<i32>} : memref<200x64xf32, #tpu.memory_space<vmem>>, vector<1x16xf32>,
      %swap3A_124 = vector.shape_cast %swap3A_123 : vector<1x16xf32> to vector<16xf32>
      %swap3A_125 = vector.shape_cast %broadcast_in_dim3A_16 : vector<16xf32> to vector<1x16xf32>
      tpu.vector_store %arg11[%swap3A_121, %swap3A_122], %swap3A_125 {strides = array<i32>} : memref<200x64xf32, #tpu.memory_space<vmem>>, vector<1x16xf32>,
      %swap3A_126 = arith.index_cast %scan3A_111 : i32 to index
      %swap3A_127 = arith.constant 48 : index
      %swap3A_128 = tpu.vector_load %arg11[%swap3A_126, %swap3A_127] {strides = array<i32>} : memref<200x64xf32, #tpu.memory_space<vmem>>, vector<1x16xf32>,
      %swap3A_129 = vector.shape_cast %swap3A_128 : vector<1x16xf32> to vector<16xf32>
      %swap3A_130 = vector.shape_cast %broadcast_in_dim3A_16 : vector<16xf32> to vector<1x16xf32>
      tpu.vector_store %arg11[%swap3A_126, %swap3A_127], %swap3A_130 {strides = array<i32>} : memref<200x64xf32, #tpu.memory_space<vmem>>, vector<1x16xf32>,
    }
    %scan3A_21 = arith.constant 200 : i32
    %mul3A = arith.constant 625 : i32
    %mul3A_22 = arith.muli %arg1, %mul3A : i32
    %add3A = arith.constant 0 : i32
    %add3A_23 = arith.addi %mul3A_22, %add3A : i32
    "tpu.region"() ({
      %run_scoped3A = tpu.sem_alloc : memref<!tpu.dma_semaphore, #tpu.memory_space<semaphore_mem>>
      %dma_start3A_111 = arith.constant 0 : i32
      %dma_start3A_112 = arith.constant 0 : i32
      %dma_start3A_113 = tpu.memref_slice %arg11[%dma_start3A_111, %dma_start3A_112] : memref<200x64xf32, #tpu.memory_space<vmem>> -> memref<200x64xf32, #tpu.memory_space<vmem>>
      %dma_start3A_114 = arith.constant 0 : i32
      %dma_start3A_115 = tpu.memref_slice %arg12[%add3A_23, %dma_start3A_114] : memref<10000x64xf32, #tpu.memory_space<vmem_shared>> -> memref<200x64xf32, #tpu.memory_space<vmem_shared>>
      %dma_start3A_116 = arith.constant 0 : i32
      %dma_start3A_117 = tpu.memref_slice %arg12[%add3A_23, %dma_start3A_116] : memref<10000x64xf32, #tpu.memory_space<vmem_shared>> -> memref<200x64xf32, #tpu.memory_space<vmem_shared>>
      %dma_start3A_118 = arith.constant 0 : i32
      %dma_start3A_119 = arith.constant 0 : i32
      %dma_start3A_120 = tpu.memref_slice %arg11[%dma_start3A_118, %dma_start3A_119] : memref<200x64xf32, #tpu.memory_space<vmem>> -> memref<200x64xf32, #tpu.memory_space<vmem>>
      tpu.enqueue_dma source(%dma_start3A_120 : memref<200x64xf32, #tpu.memory_space<vmem>>) target(%dma_start3A_117 : memref<200x64xf32, #tpu.memory_space<vmem_shared>>) target_semaphore(%run_scoped3A : memref<!tpu.dma_semaphore, #tpu.memory_space<semaphore_mem>>)
      %dma_wait3A_121 = arith.constant 0 : i32
      %dma_wait3A_122 = arith.constant 0 : i32
      %dma_wait3A_123 = tpu.memref_slice %arg11[%dma_wait3A_121, %dma_wait3A_122] : memref<200x64xf32, #tpu.memory_space<vmem>> -> memref<200x64xf32, #tpu.memory_space<vmem>>
      %dma_wait3A_124 = arith.constant 0 : i32
      %dma_wait3A_125 = tpu.memref_slice %arg12[%add3A_23, %dma_wait3A_124] : memref<10000x64xf32, #tpu.memory_space<vmem_shared>> -> memref<200x64xf32, #tpu.memory_space<vmem_shared>>
      %dma_wait3A_126 = arith.constant 0 : i32
      %dma_wait3A_127 = tpu.memref_slice %arg12[%add3A_23, %dma_wait3A_126] : memref<10000x64xf32, #tpu.memory_space<vmem_shared>> -> memref<200x64xf32, #tpu.memory_space<vmem_shared>>
      %dma_wait3A_128 = arith.constant 0 : i32
      %dma_wait3A_129 = arith.constant 0 : i32
      %dma_wait3A_130 = tpu.memref_slice %arg11[%dma_wait3A_128, %dma_wait3A_129] : memref<200x64xf32, #tpu.memory_space<vmem>> -> memref<200x64xf32, #tpu.memory_space<vmem>>
      tpu.wait_dma2 semaphore(%run_scoped3A : memref<!tpu.dma_semaphore, #tpu.memory_space<semaphore_mem>>) src(%dma_wait3A_130 : memref<200x64xf32, #tpu.memory_space<vmem>>) dst(%dma_wait3A_127 : memref<200x64xf32, #tpu.memory_space<vmem_shared>>)
      tpu.yield
    }) : () -> ()
    %mul3A_24 = arith.constant 625 : i32
    %mul3A_25 = arith.muli %arg1, %mul3A_24 : i32
    %add3A_26 = arith.constant 200 : i32
    %add3A_27 = arith.addi %mul3A_25, %add3A_26 : i32
    "tpu.region"() ({
      %run_scoped3A = tpu.sem_alloc : memref<!tpu.dma_semaphore, #tpu.memory_space<semaphore_mem>>
      %dma_start3A_111 = arith.constant 0 : i32
      %dma_start3A_112 = arith.constant 0 : i32
      %dma_start3A_113 = tpu.memref_slice %arg11[%dma_start3A_111, %dma_start3A_112] : memref<200x64xf32, #tpu.memory_space<vmem>> -> memref<200x64xf32, #tpu.memory_space<vmem>>
      %dma_start3A_114 = arith.constant 0 : i32
      %dma_start3A_115 = tpu.memref_slice %arg12[%add3A_27, %dma_start3A_114] : memref<10000x64xf32, #tpu.memory_space<vmem_shared>> -> memref<200x64xf32, #tpu.memory_space<vmem_shared>>
      %dma_start3A_116 = arith.constant 0 : i32
      %dma_start3A_117 = tpu.memref_slice %arg12[%add3A_27, %dma_start3A_116] : memref<10000x64xf32, #tpu.memory_space<vmem_shared>> -> memref<200x64xf32, #tpu.memory_space<vmem_shared>>
      %dma_start3A_118 = arith.constant 0 : i32
      %dma_start3A_119 = arith.constant 0 : i32
      %dma_start3A_120 = tpu.memref_slice %arg11[%dma_start3A_118, %dma_start3A_119] : memref<200x64xf32, #tpu.memory_space<vmem>> -> memref<200x64xf32, #tpu.memory_space<vmem>>
      tpu.enqueue_dma source(%dma_start3A_120 : memref<200x64xf32, #tpu.memory_space<vmem>>) target(%dma_start3A_117 : memref<200x64xf32, #tpu.memory_space<vmem_shared>>) target_semaphore(%run_scoped3A : memref<!tpu.dma_semaphore, #tpu.memory_space<semaphore_mem>>)
      %dma_wait3A_121 = arith.constant 0 : i32
      %dma_wait3A_122 = arith.constant 0 : i32
      %dma_wait3A_123 = tpu.memref_slice %arg11[%dma_wait3A_121, %dma_wait3A_122] : memref<200x64xf32, #tpu.memory_space<vmem>> -> memref<200x64xf32, #tpu.memory_space<vmem>>
      %dma_wait3A_124 = arith.constant 0 : i32
      %dma_wait3A_125 = tpu.memref_slice %arg12[%add3A_27, %dma_wait3A_124] : memref<10000x64xf32, #tpu.memory_space<vmem_shared>> -> memref<200x64xf32, #tpu.memory_space<vmem_shared>>
      %dma_wait3A_126 = arith.constant 0 : i32
      %dma_wait3A_127 = tpu.memref_slice %arg12[%add3A_27, %dma_wait3A_126] : memref<10000x64xf32, #tpu.memory_space<vmem_shared>> -> memref<200x64xf32, #tpu.memory_space<vmem_shared>>
      %dma_wait3A_128 = arith.constant 0 : i32
      %dma_wait3A_129 = arith.constant 0 : i32
      %dma_wait3A_130 = tpu.memref_slice %arg11[%dma_wait3A_128, %dma_wait3A_129] : memref<200x64xf32, #tpu.memory_space<vmem>> -> memref<200x64xf32, #tpu.memory_space<vmem>>
      tpu.wait_dma2 semaphore(%run_scoped3A : memref<!tpu.dma_semaphore, #tpu.memory_space<semaphore_mem>>) src(%dma_wait3A_130 : memref<200x64xf32, #tpu.memory_space<vmem>>) dst(%dma_wait3A_127 : memref<200x64xf32, #tpu.memory_space<vmem_shared>>)
      tpu.yield
    }) : () -> ()
    %mul3A_28 = arith.constant 625 : i32
    %mul3A_29 = arith.muli %arg1, %mul3A_28 : i32
    %add3A_30 = arith.constant 400 : i32
    %add3A_31 = arith.addi %mul3A_29, %add3A_30 : i32
    "tpu.region"() ({
      %run_scoped3A = tpu.sem_alloc : memref<!tpu.dma_semaphore, #tpu.memory_space<semaphore_mem>>
      %dma_start3A_111 = arith.constant 0 : i32
      %dma_start3A_112 = arith.constant 0 : i32
      %dma_start3A_113 = tpu.memref_slice %arg11[%dma_start3A_111, %dma_start3A_112] : memref<200x64xf32, #tpu.memory_space<vmem>> -> memref<200x64xf32, #tpu.memory_space<vmem>>
      %dma_start3A_114 = arith.constant 0 : i32
      %dma_start3A_115 = tpu.memref_slice %arg12[%add3A_31, %dma_start3A_114] : memref<10000x64xf32, #tpu.memory_space<vmem_shared>> -> memref<200x64xf32, #tpu.memory_space<vmem_shared>>
      %dma_start3A_116 = arith.constant 0 : i32
      %dma_start3A_117 = tpu.memref_slice %arg12[%add3A_31, %dma_start3A_116] : memref<10000x64xf32, #tpu.memory_space<vmem_shared>> -> memref<200x64xf32, #tpu.memory_space<vmem_shared>>
      %dma_start3A_118 = arith.constant 0 : i32
      %dma_start3A_119 = arith.constant 0 : i32
      %dma_start3A_120 = tpu.memref_slice %arg11[%dma_start3A_118, %dma_start3A_119] : memref<200x64xf32, #tpu.memory_space<vmem>> -> memref<200x64xf32, #tpu.memory_space<vmem>>
      tpu.enqueue_dma source(%dma_start3A_120 : memref<200x64xf32, #tpu.memory_space<vmem>>) target(%dma_start3A_117 : memref<200x64xf32, #tpu.memory_space<vmem_shared>>) target_semaphore(%run_scoped3A : memref<!tpu.dma_semaphore, #tpu.memory_space<semaphore_mem>>)
      %dma_wait3A_121 = arith.constant 0 : i32
      %dma_wait3A_122 = arith.constant 0 : i32
      %dma_wait3A_123 = tpu.memref_slice %arg11[%dma_wait3A_121, %dma_wait3A_122] : memref<200x64xf32, #tpu.memory_space<vmem>> -> memref<200x64xf32, #tpu.memory_space<vmem>>
      %dma_wait3A_124 = arith.constant 0 : i32
      %dma_wait3A_125 = tpu.memref_slice %arg12[%add3A_31, %dma_wait3A_124] : memref<10000x64xf32, #tpu.memory_space<vmem_shared>> -> memref<200x64xf32, #tpu.memory_space<vmem_shared>>
      %dma_wait3A_126 = arith.constant 0 : i32
      %dma_wait3A_127 = tpu.memref_slice %arg12[%add3A_31, %dma_wait3A_126] : memref<10000x64xf32, #tpu.memory_space<vmem_shared>> -> memref<200x64xf32, #tpu.memory_space<vmem_shared>>
      %dma_wait3A_128 = arith.constant 0 : i32
      %dma_wait3A_129 = arith.constant 0 : i32
      %dma_wait3A_130 = tpu.memref_slice %arg11[%dma_wait3A_128, %dma_wait3A_129] : memref<200x64xf32, #tpu.memory_space<vmem>> -> memref<200x64xf32, #tpu.memory_space<vmem>>
      tpu.wait_dma2 semaphore(%run_scoped3A : memref<!tpu.dma_semaphore, #tpu.memory_space<semaphore_mem>>) src(%dma_wait3A_130 : memref<200x64xf32, #tpu.memory_space<vmem>>) dst(%dma_wait3A_127 : memref<200x64xf32, #tpu.memory_space<vmem_shared>>)
      tpu.yield
    }) : () -> ()
    %mul3A_32 = arith.constant 625 : i32
    %mul3A_33 = arith.muli %arg1, %mul3A_32 : i32
    %add3A_34 = arith.constant 600 : i32
    %add3A_35 = arith.addi %mul3A_33, %add3A_34 : i32
    "tpu.region"() ({
      %run_scoped3A = tpu.sem_alloc : memref<!tpu.dma_semaphore, #tpu.memory_space<semaphore_mem>>
      %dma_start3A_111 = arith.constant 0 : i32
      %dma_start3A_112 = arith.constant 0 : i32
      %dma_start3A_113 = tpu.memref_slice %arg11[%dma_start3A_111, %dma_start3A_112] : memref<200x64xf32, #tpu.memory_space<vmem>> -> memref<25x64xf32, #tpu.memory_space<vmem>>
      %dma_start3A_114 = arith.constant 0 : i32
      %dma_start3A_115 = tpu.memref_slice %arg12[%add3A_35, %dma_start3A_114] : memref<10000x64xf32, #tpu.memory_space<vmem_shared>> -> memref<25x64xf32, #tpu.memory_space<vmem_shared>>
      %dma_start3A_116 = arith.constant 0 : i32
      %dma_start3A_117 = tpu.memref_slice %arg12[%add3A_35, %dma_start3A_116] : memref<10000x64xf32, #tpu.memory_space<vmem_shared>> -> memref<25x64xf32, #tpu.memory_space<vmem_shared>>
      %dma_start3A_118 = arith.constant 0 : i32
      %dma_start3A_119 = arith.constant 0 : i32
      %dma_start3A_120 = tpu.memref_slice %arg11[%dma_start3A_118, %dma_start3A_119] : memref<200x64xf32, #tpu.memory_space<vmem>> -> memref<25x64xf32, #tpu.memory_space<vmem>>
      tpu.enqueue_dma source(%dma_start3A_120 : memref<25x64xf32, #tpu.memory_space<vmem>>) target(%dma_start3A_117 : memref<25x64xf32, #tpu.memory_space<vmem_shared>>) target_semaphore(%run_scoped3A : memref<!tpu.dma_semaphore, #tpu.memory_space<semaphore_mem>>)
      %dma_wait3A_121 = arith.constant 0 : i32
      %dma_wait3A_122 = arith.constant 0 : i32
      %dma_wait3A_123 = tpu.memref_slice %arg11[%dma_wait3A_121, %dma_wait3A_122] : memref<200x64xf32, #tpu.memory_space<vmem>> -> memref<25x64xf32, #tpu.memory_space<vmem>>
      %dma_wait3A_124 = arith.constant 0 : i32
      %dma_wait3A_125 = tpu.memref_slice %arg12[%add3A_35, %dma_wait3A_124] : memref<10000x64xf32, #tpu.memory_space<vmem_shared>> -> memref<25x64xf32, #tpu.memory_space<vmem_shared>>
      %dma_wait3A_126 = arith.constant 0 : i32
      %dma_wait3A_127 = tpu.memref_slice %arg12[%add3A_35, %dma_wait3A_126] : memref<10000x64xf32, #tpu.memory_space<vmem_shared>> -> memref<25x64xf32, #tpu.memory_space<vmem_shared>>
      %dma_wait3A_128 = arith.constant 0 : i32
      %dma_wait3A_129 = arith.constant 0 : i32
      %dma_wait3A_130 = tpu.memref_slice %arg11[%dma_wait3A_128, %dma_wait3A_129] : memref<200x64xf32, #tpu.memory_space<vmem>> -> memref<25x64xf32, #tpu.memory_space<vmem>>
      tpu.wait_dma2 semaphore(%run_scoped3A : memref<!tpu.dma_semaphore, #tpu.memory_space<semaphore_mem>>) src(%dma_wait3A_130 : memref<25x64xf32, #tpu.memory_space<vmem>>) dst(%dma_wait3A_127 : memref<25x64xf32, #tpu.memory_space<vmem_shared>>)
      tpu.yield
    }) : () -> ()
    %dma_wait3A = arith.constant 0 : i32
    %dma_wait3A_36 = arith.constant 0 : i32
    %dma_wait3A_37 = tpu.memref_slice %arg3[%arg0, %arg1, %dma_wait3A, %dma_wait3A_36] : memref<3x16x160x125xi32, #tpu.memory_space<hbm>> -> memref<1x1x160x125xi32, #tpu.memory_space<hbm>>
    %dma_wait3A_38 = tpu.memref_squeeze %dma_wait3A_37 : memref<1x1x160x125xi32, #tpu.memory_space<hbm>> -> memref<160x125xi32, #tpu.memory_space<hbm>>
    %dma_wait3A_39 = arith.constant 0 : i32
    %dma_wait3A_40 = arith.constant 0 : i32
    %dma_wait3A_41 = tpu.memref_slice %arg3[%arg0, %arg1, %dma_wait3A_39, %dma_wait3A_40] : memref<3x16x160x125xi32, #tpu.memory_space<hbm>> -> memref<1x1x160x125xi32, #tpu.memory_space<hbm>>
    %dma_wait3A_42 = tpu.memref_squeeze %dma_wait3A_41 : memref<1x1x160x125xi32, #tpu.memory_space<hbm>> -> memref<160x125xi32, #tpu.memory_space<hbm>>
    tpu.wait_dma2 semaphore(%arg13 : memref<!tpu.dma_semaphore, #tpu.memory_space<semaphore_mem>>) src(%dma_wait3A_42 : memref<160x125xi32, #tpu.memory_space<hbm>>) dst(%arg5 : memref<160x125xi32, #tpu.memory_space<vmem>>)
    %dma_wait3A_43 = arith.constant 2 : i32
    %dma_wait3A_44 = arith.constant 0 : i32
    %dma_wait3A_45 = arith.constant 0 : i32
    %dma_wait3A_46 = tpu.memref_slice %arg3[%dma_wait3A_43, %arg1, %dma_wait3A_44, %dma_wait3A_45] : memref<3x16x160x125xi32, #tpu.memory_space<hbm>> -> memref<1x1x160x125xi32, #tpu.memory_space<hbm>>
    %dma_wait3A_47 = tpu.memref_squeeze %dma_wait3A_46 : memref<1x1x160x125xi32, #tpu.memory_space<hbm>> -> memref<160x125xi32, #tpu.memory_space<hbm>>
    %dma_wait3A_48 = arith.constant 0 : i32
    %dma_wait3A_49 = arith.constant 0 : i32
    %dma_wait3A_50 = tpu.memref_slice %arg3[%dma_wait3A_43, %arg1, %dma_wait3A_48, %dma_wait3A_49] : memref<3x16x160x125xi32, #tpu.memory_space<hbm>> -> memref<1x1x160x125xi32, #tpu.memory_space<hbm>>
    %dma_wait3A_51 = tpu.memref_squeeze %dma_wait3A_50 : memref<1x1x160x125xi32, #tpu.memory_space<hbm>> -> memref<160x125xi32, #tpu.memory_space<hbm>>
    tpu.wait_dma2 semaphore(%arg14 : memref<!tpu.dma_semaphore, #tpu.memory_space<semaphore_mem>>) src(%dma_wait3A_51 : memref<160x125xi32, #tpu.memory_space<hbm>>) dst(%arg6 : memref<160x125xi32, #tpu.memory_space<vmem>>)
    %barrier3A = arith.constant 0 : index
    tpu.barrier barrier_id(%barrier3A)
    %scan3A_52 = arith.constant 0 : i32
    %scan3A_53 = arith.constant 0 : i32
    %scan3A_54 = arith.constant 40 : i32
    %scan3A_55 = arith.addi %scan3A_53, %scan3A_54 : i32
    %scan3A_56 = arith.constant 1 : i32
    scf.for %scan3A_111 = %scan3A_53 to %scan3A_55 step %scan3A_56  : i32 {
      %mul3A_112 = arith.constant 4 : i32
      %mul3A_113 = arith.muli %scan3A_111, %mul3A_112 : i32
      %add3A_114 = arith.constant 0 : i32
      %add3A_115 = arith.addi %mul3A_113, %add3A_114 : i32
      %gt3A = arith.constant 0 : i32
      %gt3A_116 = arith.cmpi sgt, %scan3A_111, %gt3A : i32
      %convert_element_type3A = arith.extui %gt3A_116 : i1 to i32
      %cond3A = arith.constant 0 : i32
      %cond3A_117 = arith.cmpi ne, %convert_element_type3A, %cond3A : i32
      scf.if %cond3A_117 {
        %sub3A = arith.constant 4 : i32
        %sub3A_233 = arith.subi %add3A_115, %sub3A : i32
        %dma_wait3A_234 = arith.constant 0 : i32
        %dma_wait3A_235 = tpu.memref_slice %arg6[%sub3A_233, %dma_wait3A_234] : memref<160x125xi32, #tpu.memory_space<vmem>> -> memref<1x125xi32, #tpu.memory_space<vmem>>
        %dma_wait3A_236 = tpu.memref_squeeze %dma_wait3A_235 : memref<1x125xi32, #tpu.memory_space<vmem>> -> memref<125xi32, #tpu.memory_space<vmem>>
        %dma_wait3A_237 = arith.constant 0 : i32
        %dma_wait3A_238 = arith.constant 0 : i32
        %dma_wait3A_239 = tpu.memref_slice %arg12[%dma_wait3A_237, %dma_wait3A_238] : memref<10000x64xf32, #tpu.memory_space<vmem_shared>> -> memref<10000x64xf32, #tpu.memory_space<vmem_shared>>
        tpu.wait_indirect_dma semaphore(%arg17 : memref<!tpu.dma_semaphore, #tpu.memory_space<semaphore_mem>>) src(%arg7 : memref<125x64xf32, #tpu.memory_space<vmem>>) dst(%dma_wait3A_239 : memref<10000x64xf32, #tpu.memory_space<vmem_shared>>)
      } else {
      }
      %dma_start3A_118 = arith.constant 0 : i32
      %dma_start3A_119 = tpu.memref_slice %arg5[%add3A_115, %dma_start3A_118] : memref<160x125xi32, #tpu.memory_space<vmem>> -> memref<1x125xi32, #tpu.memory_space<vmem>>
      %dma_start3A_120 = tpu.memref_squeeze %dma_start3A_119 : memref<1x125xi32, #tpu.memory_space<vmem>> -> memref<125xi32, #tpu.memory_space<vmem>>
      %dma_start3A_121 = arith.constant 0 : i32
      %dma_start3A_122 = arith.constant 0 : i32
      %dma_start3A_123 = tpu.memref_slice %arg2[%dma_start3A_121, %dma_start3A_122] : memref<20000x64xf32, #tpu.memory_space<hbm>> -> memref<20000x64xf32, #tpu.memory_space<hbm>>
      tpu.enqueue_indirect_dma source(%dma_start3A_123 : memref<20000x64xf32, #tpu.memory_space<hbm>>) target(%arg7 : memref<125x64xf32, #tpu.memory_space<vmem>>) offsets(%dma_start3A_120 : memref<125xi32, #tpu.memory_space<vmem>>) semaphore(%arg13 : memref<!tpu.dma_semaphore, #tpu.memory_space<semaphore_mem>>)
      %mul3A_124 = arith.constant 4 : i32
      %mul3A_125 = arith.muli %scan3A_111, %mul3A_124 : i32
      %add3A_126 = arith.constant 1 : i32
      %add3A_127 = arith.addi %mul3A_125, %add3A_126 : i32
      %gt3A_128 = arith.constant 0 : i32
      %gt3A_129 = arith.cmpi sgt, %scan3A_111, %gt3A_128 : i32
      %convert_element_type3A_130 = arith.extui %gt3A_129 : i1 to i32
      %cond3A_131 = arith.constant 0 : i32
      %cond3A_132 = arith.cmpi ne, %convert_element_type3A_130, %cond3A_131 : i32
      scf.if %cond3A_132 {
        %sub3A = arith.constant 4 : i32
        %sub3A_233 = arith.subi %add3A_127, %sub3A : i32
        %dma_wait3A_234 = arith.constant 0 : i32
        %dma_wait3A_235 = tpu.memref_slice %arg6[%sub3A_233, %dma_wait3A_234] : memref<160x125xi32, #tpu.memory_space<vmem>> -> memref<1x125xi32, #tpu.memory_space<vmem>>
        %dma_wait3A_236 = tpu.memref_squeeze %dma_wait3A_235 : memref<1x125xi32, #tpu.memory_space<vmem>> -> memref<125xi32, #tpu.memory_space<vmem>>
        %dma_wait3A_237 = arith.constant 0 : i32
        %dma_wait3A_238 = arith.constant 0 : i32
        %dma_wait3A_239 = tpu.memref_slice %arg12[%dma_wait3A_237, %dma_wait3A_238] : memref<10000x64xf32, #tpu.memory_space<vmem_shared>> -> memref<10000x64xf32, #tpu.memory_space<vmem_shared>>
        tpu.wait_indirect_dma semaphore(%arg18 : memref<!tpu.dma_semaphore, #tpu.memory_space<semaphore_mem>>) src(%arg8 : memref<125x64xf32, #tpu.memory_space<vmem>>) dst(%dma_wait3A_239 : memref<10000x64xf32, #tpu.memory_space<vmem_shared>>)
      } else {
      }
      %dma_start3A_133 = arith.constant 0 : i32
      %dma_start3A_134 = tpu.memref_slice %arg5[%add3A_127, %dma_start3A_133] : memref<160x125xi32, #tpu.memory_space<vmem>> -> memref<1x125xi32, #tpu.memory_space<vmem>>
      %dma_start3A_135 = tpu.memref_squeeze %dma_start3A_134 : memref<1x125xi32, #tpu.memory_space<vmem>> -> memref<125xi32, #tpu.memory_space<vmem>>
      %dma_start3A_136 = arith.constant 0 : i32
      %dma_start3A_137 = arith.constant 0 : i32
      %dma_start3A_138 = tpu.memref_slice %arg2[%dma_start3A_136, %dma_start3A_137] : memref<20000x64xf32, #tpu.memory_space<hbm>> -> memref<20000x64xf32, #tpu.memory_space<hbm>>
      tpu.enqueue_indirect_dma source(%dma_start3A_138 : memref<20000x64xf32, #tpu.memory_space<hbm>>) target(%arg8 : memref<125x64xf32, #tpu.memory_space<vmem>>) offsets(%dma_start3A_135 : memref<125xi32, #tpu.memory_space<vmem>>) semaphore(%arg14 : memref<!tpu.dma_semaphore, #tpu.memory_space<semaphore_mem>>)
      %mul3A_139 = arith.constant 4 : i32
      %mul3A_140 = arith.muli %scan3A_111, %mul3A_139 : i32
      %add3A_141 = arith.constant 2 : i32
      %add3A_142 = arith.addi %mul3A_140, %add3A_141 : i32
      %gt3A_143 = arith.constant 0 : i32
      %gt3A_144 = arith.cmpi sgt, %scan3A_111, %gt3A_143 : i32
      %convert_element_type3A_145 = arith.extui %gt3A_144 : i1 to i32
      %cond3A_146 = arith.constant 0 : i32
      %cond3A_147 = arith.cmpi ne, %convert_element_type3A_145, %cond3A_146 : i32
      scf.if %cond3A_147 {
        %sub3A = arith.constant 4 : i32
        %sub3A_233 = arith.subi %add3A_142, %sub3A : i32
        %dma_wait3A_234 = arith.constant 0 : i32
        %dma_wait3A_235 = tpu.memref_slice %arg6[%sub3A_233, %dma_wait3A_234] : memref<160x125xi32, #tpu.memory_space<vmem>> -> memref<1x125xi32, #tpu.memory_space<vmem>>
        %dma_wait3A_236 = tpu.memref_squeeze %dma_wait3A_235 : memref<1x125xi32, #tpu.memory_space<vmem>> -> memref<125xi32, #tpu.memory_space<vmem>>
        %dma_wait3A_237 = arith.constant 0 : i32
        %dma_wait3A_238 = arith.constant 0 : i32
        %dma_wait3A_239 = tpu.memref_slice %arg12[%dma_wait3A_237, %dma_wait3A_238] : memref<10000x64xf32, #tpu.memory_space<vmem_shared>> -> memref<10000x64xf32, #tpu.memory_space<vmem_shared>>
        tpu.wait_indirect_dma semaphore(%arg19 : memref<!tpu.dma_semaphore, #tpu.memory_space<semaphore_mem>>) src(%arg9 : memref<125x64xf32, #tpu.memory_space<vmem>>) dst(%dma_wait3A_239 : memref<10000x64xf32, #tpu.memory_space<vmem_shared>>)
      } else {
      }
      %dma_start3A_148 = arith.constant 0 : i32
      %dma_start3A_149 = tpu.memref_slice %arg5[%add3A_142, %dma_start3A_148] : memref<160x125xi32, #tpu.memory_space<vmem>> -> memref<1x125xi32, #tpu.memory_space<vmem>>
      %dma_start3A_150 = tpu.memref_squeeze %dma_start3A_149 : memref<1x125xi32, #tpu.memory_space<vmem>> -> memref<125xi32, #tpu.memory_space<vmem>>
      %dma_start3A_151 = arith.constant 0 : i32
      %dma_start3A_152 = arith.constant 0 : i32
      %dma_start3A_153 = tpu.memref_slice %arg2[%dma_start3A_151, %dma_start3A_152] : memref<20000x64xf32, #tpu.memory_space<hbm>> -> memref<20000x64xf32, #tpu.memory_space<hbm>>
      tpu.enqueue_indirect_dma source(%dma_start3A_153 : memref<20000x64xf32, #tpu.memory_space<hbm>>) target(%arg9 : memref<125x64xf32, #tpu.memory_space<vmem>>) offsets(%dma_start3A_150 : memref<125xi32, #tpu.memory_space<vmem>>) semaphore(%arg15 : memref<!tpu.dma_semaphore, #tpu.memory_space<semaphore_mem>>)
      %mul3A_154 = arith.constant 4 : i32
      %mul3A_155 = arith.muli %scan3A_111, %mul3A_154 : i32
      %add3A_156 = arith.constant 3 : i32
      %add3A_157 = arith.addi %mul3A_155, %add3A_156 : i32
      %gt3A_158 = arith.constant 0 : i32
      %gt3A_159 = arith.cmpi sgt, %scan3A_111, %gt3A_158 : i32
      %convert_element_type3A_160 = arith.extui %gt3A_159 : i1 to i32
      %cond3A_161 = arith.constant 0 : i32
      %cond3A_162 = arith.cmpi ne, %convert_element_type3A_160, %cond3A_161 : i32
      scf.if %cond3A_162 {
        %sub3A = arith.constant 4 : i32
        %sub3A_233 = arith.subi %add3A_157, %sub3A : i32
        %dma_wait3A_234 = arith.constant 0 : i32
        %dma_wait3A_235 = tpu.memref_slice %arg6[%sub3A_233, %dma_wait3A_234] : memref<160x125xi32, #tpu.memory_space<vmem>> -> memref<1x125xi32, #tpu.memory_space<vmem>>
        %dma_wait3A_236 = tpu.memref_squeeze %dma_wait3A_235 : memref<1x125xi32, #tpu.memory_space<vmem>> -> memref<125xi32, #tpu.memory_space<vmem>>
        %dma_wait3A_237 = arith.constant 0 : i32
        %dma_wait3A_238 = arith.constant 0 : i32
        %dma_wait3A_239 = tpu.memref_slice %arg12[%dma_wait3A_237, %dma_wait3A_238] : memref<10000x64xf32, #tpu.memory_space<vmem_shared>> -> memref<10000x64xf32, #tpu.memory_space<vmem_shared>>
        tpu.wait_indirect_dma semaphore(%arg20 : memref<!tpu.dma_semaphore, #tpu.memory_space<semaphore_mem>>) src(%arg10 : memref<125x64xf32, #tpu.memory_space<vmem>>) dst(%dma_wait3A_239 : memref<10000x64xf32, #tpu.memory_space<vmem_shared>>)
      } else {
      }
      %dma_start3A_163 = arith.constant 0 : i32
      %dma_start3A_164 = tpu.memref_slice %arg5[%add3A_157, %dma_start3A_163] : memref<160x125xi32, #tpu.memory_space<vmem>> -> memref<1x125xi32, #tpu.memory_space<vmem>>
      %dma_start3A_165 = tpu.memref_squeeze %dma_start3A_164 : memref<1x125xi32, #tpu.memory_space<vmem>> -> memref<125xi32, #tpu.memory_space<vmem>>
      %dma_start3A_166 = arith.constant 0 : i32
      %dma_start3A_167 = arith.constant 0 : i32
      %dma_start3A_168 = tpu.memref_slice %arg2[%dma_start3A_166, %dma_start3A_167] : memref<20000x64xf32, #tpu.memory_space<hbm>> -> memref<20000x64xf32, #tpu.memory_space<hbm>>
      tpu.enqueue_indirect_dma source(%dma_start3A_168 : memref<20000x64xf32, #tpu.memory_space<hbm>>) target(%arg10 : memref<125x64xf32, #tpu.memory_space<vmem>>) offsets(%dma_start3A_165 : memref<125xi32, #tpu.memory_space<vmem>>) semaphore(%arg16 : memref<!tpu.dma_semaphore, #tpu.memory_space<semaphore_mem>>)
      %mul3A_169 = arith.constant 4 : i32
      %mul3A_170 = arith.muli %scan3A_111, %mul3A_169 : i32
      %add3A_171 = arith.constant 0 : i32
      %add3A_172 = arith.addi %mul3A_170, %add3A_171 : i32
      %dma_wait3A_173 = arith.constant 0 : i32
      %dma_wait3A_174 = tpu.memref_slice %arg5[%add3A_172, %dma_wait3A_173] : memref<160x125xi32, #tpu.memory_space<vmem>> -> memref<1x125xi32, #tpu.memory_space<vmem>>
      %dma_wait3A_175 = tpu.memref_squeeze %dma_wait3A_174 : memref<1x125xi32, #tpu.memory_space<vmem>> -> memref<125xi32, #tpu.memory_space<vmem>>
      %dma_wait3A_176 = arith.constant 0 : i32
      %dma_wait3A_177 = arith.constant 0 : i32
      %dma_wait3A_178 = tpu.memref_slice %arg2[%dma_wait3A_176, %dma_wait3A_177] : memref<20000x64xf32, #tpu.memory_space<hbm>> -> memref<20000x64xf32, #tpu.memory_space<hbm>>
      tpu.wait_indirect_dma semaphore(%arg13 : memref<!tpu.dma_semaphore, #tpu.memory_space<semaphore_mem>>) src(%dma_wait3A_178 : memref<20000x64xf32, #tpu.memory_space<hbm>>) dst(%arg7 : memref<125x64xf32, #tpu.memory_space<vmem>>)
      %dma_start3A_179 = arith.constant 0 : i32
      %dma_start3A_180 = tpu.memref_slice %arg6[%add3A_172, %dma_start3A_179] : memref<160x125xi32, #tpu.memory_space<vmem>> -> memref<1x125xi32, #tpu.memory_space<vmem>>
      %dma_start3A_181 = tpu.memref_squeeze %dma_start3A_180 : memref<1x125xi32, #tpu.memory_space<vmem>> -> memref<125xi32, #tpu.memory_space<vmem>>
      %dma_start3A_182 = arith.constant 0 : i32
      %dma_start3A_183 = arith.constant 0 : i32
      %dma_start3A_184 = tpu.memref_slice %arg12[%dma_start3A_182, %dma_start3A_183] : memref<10000x64xf32, #tpu.memory_space<vmem_shared>> -> memref<10000x64xf32, #tpu.memory_space<vmem_shared>>
      tpu.enqueue_indirect_dma source(%arg7 : memref<125x64xf32, #tpu.memory_space<vmem>>) target(%dma_start3A_184 : memref<10000x64xf32, #tpu.memory_space<vmem_shared>>) offsets(%dma_start3A_181 : memref<125xi32, #tpu.memory_space<vmem>>) semaphore(%arg17 : memref<!tpu.dma_semaphore, #tpu.memory_space<semaphore_mem>>) {add = true}
      %mul3A_185 = arith.constant 4 : i32
      %mul3A_186 = arith.muli %scan3A_111, %mul3A_185 : i32
      %add3A_187 = arith.constant 1 : i32
      %add3A_188 = arith.addi %mul3A_186, %add3A_187 : i32
      %dma_wait3A_189 = arith.constant 0 : i32
      %dma_wait3A_190 = tpu.memref_slice %arg5[%add3A_188, %dma_wait3A_189] : memref<160x125xi32, #tpu.memory_space<vmem>> -> memref<1x125xi32, #tpu.memory_space<vmem>>
      %dma_wait3A_191 = tpu.memref_squeeze %dma_wait3A_190 : memref<1x125xi32, #tpu.memory_space<vmem>> -> memref<125xi32, #tpu.memory_space<vmem>>
      %dma_wait3A_192 = arith.constant 0 : i32
      %dma_wait3A_193 = arith.constant 0 : i32
      %dma_wait3A_194 = tpu.memref_slice %arg2[%dma_wait3A_192, %dma_wait3A_193] : memref<20000x64xf32, #tpu.memory_space<hbm>> -> memref<20000x64xf32, #tpu.memory_space<hbm>>
      tpu.wait_indirect_dma semaphore(%arg14 : memref<!tpu.dma_semaphore, #tpu.memory_space<semaphore_mem>>) src(%dma_wait3A_194 : memref<20000x64xf32, #tpu.memory_space<hbm>>) dst(%arg8 : memref<125x64xf32, #tpu.memory_space<vmem>>)
      %dma_start3A_195 = arith.constant 0 : i32
      %dma_start3A_196 = tpu.memref_slice %arg6[%add3A_188, %dma_start3A_195] : memref<160x125xi32, #tpu.memory_space<vmem>> -> memref<1x125xi32, #tpu.memory_space<vmem>>
      %dma_start3A_197 = tpu.memref_squeeze %dma_start3A_196 : memref<1x125xi32, #tpu.memory_space<vmem>> -> memref<125xi32, #tpu.memory_space<vmem>>
      %dma_start3A_198 = arith.constant 0 : i32
      %dma_start3A_199 = arith.constant 0 : i32
      %dma_start3A_200 = tpu.memref_slice %arg12[%dma_start3A_198, %dma_start3A_199] : memref<10000x64xf32, #tpu.memory_space<vmem_shared>> -> memref<10000x64xf32, #tpu.memory_space<vmem_shared>>
      tpu.enqueue_indirect_dma source(%arg8 : memref<125x64xf32, #tpu.memory_space<vmem>>) target(%dma_start3A_200 : memref<10000x64xf32, #tpu.memory_space<vmem_shared>>) offsets(%dma_start3A_197 : memref<125xi32, #tpu.memory_space<vmem>>) semaphore(%arg18 : memref<!tpu.dma_semaphore, #tpu.memory_space<semaphore_mem>>) {add = true}
      %mul3A_201 = arith.constant 4 : i32
      %mul3A_202 = arith.muli %scan3A_111, %mul3A_201 : i32
      %add3A_203 = arith.constant 2 : i32
      %add3A_204 = arith.addi %mul3A_202, %add3A_203 : i32
      %dma_wait3A_205 = arith.constant 0 : i32
      %dma_wait3A_206 = tpu.memref_slice %arg5[%add3A_204, %dma_wait3A_205] : memref<160x125xi32, #tpu.memory_space<vmem>> -> memref<1x125xi32, #tpu.memory_space<vmem>>
      %dma_wait3A_207 = tpu.memref_squeeze %dma_wait3A_206 : memref<1x125xi32, #tpu.memory_space<vmem>> -> memref<125xi32, #tpu.memory_space<vmem>>
      %dma_wait3A_208 = arith.constant 0 : i32
      %dma_wait3A_209 = arith.constant 0 : i32
      %dma_wait3A_210 = tpu.memref_slice %arg2[%dma_wait3A_208, %dma_wait3A_209] : memref<20000x64xf32, #tpu.memory_space<hbm>> -> memref<20000x64xf32, #tpu.memory_space<hbm>>
      tpu.wait_indirect_dma semaphore(%arg15 : memref<!tpu.dma_semaphore, #tpu.memory_space<semaphore_mem>>) src(%dma_wait3A_210 : memref<20000x64xf32, #tpu.memory_space<hbm>>) dst(%arg9 : memref<125x64xf32, #tpu.memory_space<vmem>>)
      %dma_start3A_211 = arith.constant 0 : i32
      %dma_start3A_212 = tpu.memref_slice %arg6[%add3A_204, %dma_start3A_211] : memref<160x125xi32, #tpu.memory_space<vmem>> -> memref<1x125xi32, #tpu.memory_space<vmem>>
      %dma_start3A_213 = tpu.memref_squeeze %dma_start3A_212 : memref<1x125xi32, #tpu.memory_space<vmem>> -> memref<125xi32, #tpu.memory_space<vmem>>
      %dma_start3A_214 = arith.constant 0 : i32
      %dma_start3A_215 = arith.constant 0 : i32
      %dma_start3A_216 = tpu.memref_slice %arg12[%dma_start3A_214, %dma_start3A_215] : memref<10000x64xf32, #tpu.memory_space<vmem_shared>> -> memref<10000x64xf32, #tpu.memory_space<vmem_shared>>
      tpu.enqueue_indirect_dma source(%arg9 : memref<125x64xf32, #tpu.memory_space<vmem>>) target(%dma_start3A_216 : memref<10000x64xf32, #tpu.memory_space<vmem_shared>>) offsets(%dma_start3A_213 : memref<125xi32, #tpu.memory_space<vmem>>) semaphore(%arg19 : memref<!tpu.dma_semaphore, #tpu.memory_space<semaphore_mem>>) {add = true}
      %mul3A_217 = arith.constant 4 : i32
      %mul3A_218 = arith.muli %scan3A_111, %mul3A_217 : i32
      %add3A_219 = arith.constant 3 : i32
      %add3A_220 = arith.addi %mul3A_218, %add3A_219 : i32
      %dma_wait3A_221 = arith.constant 0 : i32
      %dma_wait3A_222 = tpu.memref_slice %arg5[%add3A_220, %dma_wait3A_221] : memref<160x125xi32, #tpu.memory_space<vmem>> -> memref<1x125xi32, #tpu.memory_space<vmem>>
      %dma_wait3A_223 = tpu.memref_squeeze %dma_wait3A_222 : memref<1x125xi32, #tpu.memory_space<vmem>> -> memref<125xi32, #tpu.memory_space<vmem>>
      %dma_wait3A_224 = arith.constant 0 : i32
      %dma_wait3A_225 = arith.constant 0 : i32
      %dma_wait3A_226 = tpu.memref_slice %arg2[%dma_wait3A_224, %dma_wait3A_225] : memref<20000x64xf32, #tpu.memory_space<hbm>> -> memref<20000x64xf32, #tpu.memory_space<hbm>>
      tpu.wait_indirect_dma semaphore(%arg16 : memref<!tpu.dma_semaphore, #tpu.memory_space<semaphore_mem>>) src(%dma_wait3A_226 : memref<20000x64xf32, #tpu.memory_space<hbm>>) dst(%arg10 : memref<125x64xf32, #tpu.memory_space<vmem>>)
      %dma_start3A_227 = arith.constant 0 : i32
      %dma_start3A_228 = tpu.memref_slice %arg6[%add3A_220, %dma_start3A_227] : memref<160x125xi32, #tpu.memory_space<vmem>> -> memref<1x125xi32, #tpu.memory_space<vmem>>
      %dma_start3A_229 = tpu.memref_squeeze %dma_start3A_228 : memref<1x125xi32, #tpu.memory_space<vmem>> -> memref<125xi32, #tpu.memory_space<vmem>>
      %dma_start3A_230 = arith.constant 0 : i32
      %dma_start3A_231 = arith.constant 0 : i32
      %dma_start3A_232 = tpu.memref_slice %arg12[%dma_start3A_230, %dma_start3A_231] : memref<10000x64xf32, #tpu.memory_space<vmem_shared>> -> memref<10000x64xf32, #tpu.memory_space<vmem_shared>>
      tpu.enqueue_indirect_dma source(%arg10 : memref<125x64xf32, #tpu.memory_space<vmem>>) target(%dma_start3A_232 : memref<10000x64xf32, #tpu.memory_space<vmem_shared>>) offsets(%dma_start3A_229 : memref<125xi32, #tpu.memory_space<vmem>>) semaphore(%arg20 : memref<!tpu.dma_semaphore, #tpu.memory_space<semaphore_mem>>) {add = true}
    }
    %scan3A_57 = arith.constant 40 : i32
    %dma_wait3A_58 = arith.constant 156 : i32
    %dma_wait3A_59 = arith.constant 0 : i32
    %dma_wait3A_60 = tpu.memref_slice %arg6[%dma_wait3A_58, %dma_wait3A_59] : memref<160x125xi32, #tpu.memory_space<vmem>> -> memref<1x125xi32, #tpu.memory_space<vmem>>
    %dma_wait3A_61 = tpu.memref_squeeze %dma_wait3A_60 : memref<1x125xi32, #tpu.memory_space<vmem>> -> memref<125xi32, #tpu.memory_space<vmem>>
    %dma_wait3A_62 = arith.constant 0 : i32
    %dma_wait3A_63 = arith.constant 0 : i32
    %dma_wait3A_64 = tpu.memref_slice %arg12[%dma_wait3A_62, %dma_wait3A_63] : memref<10000x64xf32, #tpu.memory_space<vmem_shared>> -> memref<10000x64xf32, #tpu.memory_space<vmem_shared>>
    tpu.wait_indirect_dma semaphore(%arg17 : memref<!tpu.dma_semaphore, #tpu.memory_space<semaphore_mem>>) src(%arg7 : memref<125x64xf32, #tpu.memory_space<vmem>>) dst(%dma_wait3A_64 : memref<10000x64xf32, #tpu.memory_space<vmem_shared>>)
    %dma_wait3A_65 = arith.constant 157 : i32
    %dma_wait3A_66 = arith.constant 0 : i32
    %dma_wait3A_67 = tpu.memref_slice %arg6[%dma_wait3A_65, %dma_wait3A_66] : memref<160x125xi32, #tpu.memory_space<vmem>> -> memref<1x125xi32, #tpu.memory_space<vmem>>
    %dma_wait3A_68 = tpu.memref_squeeze %dma_wait3A_67 : memref<1x125xi32, #tpu.memory_space<vmem>> -> memref<125xi32, #tpu.memory_space<vmem>>
    %dma_wait3A_69 = arith.constant 0 : i32
    %dma_wait3A_70 = arith.constant 0 : i32
    %dma_wait3A_71 = tpu.memref_slice %arg12[%dma_wait3A_69, %dma_wait3A_70] : memref<10000x64xf32, #tpu.memory_space<vmem_shared>> -> memref<10000x64xf32, #tpu.memory_space<vmem_shared>>
    tpu.wait_indirect_dma semaphore(%arg18 : memref<!tpu.dma_semaphore, #tpu.memory_space<semaphore_mem>>) src(%arg8 : memref<125x64xf32, #tpu.memory_space<vmem>>) dst(%dma_wait3A_71 : memref<10000x64xf32, #tpu.memory_space<vmem_shared>>)
    %dma_wait3A_72 = arith.constant 158 : i32
    %dma_wait3A_73 = arith.constant 0 : i32
    %dma_wait3A_74 = tpu.memref_slice %arg6[%dma_wait3A_72, %dma_wait3A_73] : memref<160x125xi32, #tpu.memory_space<vmem>> -> memref<1x125xi32, #tpu.memory_space<vmem>>
    %dma_wait3A_75 = tpu.memref_squeeze %dma_wait3A_74 : memref<1x125xi32, #tpu.memory_space<vmem>> -> memref<125xi32, #tpu.memory_space<vmem>>
    %dma_wait3A_76 = arith.constant 0 : i32
    %dma_wait3A_77 = arith.constant 0 : i32
    %dma_wait3A_78 = tpu.memref_slice %arg12[%dma_wait3A_76, %dma_wait3A_77] : memref<10000x64xf32, #tpu.memory_space<vmem_shared>> -> memref<10000x64xf32, #tpu.memory_space<vmem_shared>>
    tpu.wait_indirect_dma semaphore(%arg19 : memref<!tpu.dma_semaphore, #tpu.memory_space<semaphore_mem>>) src(%arg9 : memref<125x64xf32, #tpu.memory_space<vmem>>) dst(%dma_wait3A_78 : memref<10000x64xf32, #tpu.memory_space<vmem_shared>>)
    %dma_wait3A_79 = arith.constant 159 : i32
    %dma_wait3A_80 = arith.constant 0 : i32
    %dma_wait3A_81 = tpu.memref_slice %arg6[%dma_wait3A_79, %dma_wait3A_80] : memref<160x125xi32, #tpu.memory_space<vmem>> -> memref<1x125xi32, #tpu.memory_space<vmem>>
    %dma_wait3A_82 = tpu.memref_squeeze %dma_wait3A_81 : memref<1x125xi32, #tpu.memory_space<vmem>> -> memref<125xi32, #tpu.memory_space<vmem>>
    %dma_wait3A_83 = arith.constant 0 : i32
    %dma_wait3A_84 = arith.constant 0 : i32
    %dma_wait3A_85 = tpu.memref_slice %arg12[%dma_wait3A_83, %dma_wait3A_84] : memref<10000x64xf32, #tpu.memory_space<vmem_shared>> -> memref<10000x64xf32, #tpu.memory_space<vmem_shared>>
    tpu.wait_indirect_dma semaphore(%arg20 : memref<!tpu.dma_semaphore, #tpu.memory_space<semaphore_mem>>) src(%arg10 : memref<125x64xf32, #tpu.memory_space<vmem>>) dst(%dma_wait3A_85 : memref<10000x64xf32, #tpu.memory_space<vmem_shared>>)
    %barrier3A_86 = arith.constant 0 : index
    tpu.barrier barrier_id(%barrier3A_86)
    %mul3A_87 = arith.constant 625 : i32
    %mul3A_88 = arith.muli %arg1, %mul3A_87 : i32
    %add3A_89 = arith.constant 0 : i32
    %add3A_90 = arith.addi %mul3A_88, %add3A_89 : i32
    "tpu.region"() ({
      %run_scoped3A = tpu.sem_alloc : memref<!tpu.dma_semaphore, #tpu.memory_space<semaphore_mem>>
      %dma_start3A_111 = arith.constant 0 : i32
      %dma_start3A_112 = arith.constant 0 : i32
      %dma_start3A_113 = tpu.memref_slice %arg11[%dma_start3A_111, %dma_start3A_112] : memref<200x64xf32, #tpu.memory_space<vmem>> -> memref<200x64xf32, #tpu.memory_space<vmem>>
      %dma_start3A_114 = arith.constant 0 : i32
      %dma_start3A_115 = tpu.memref_slice %arg12[%add3A_90, %dma_start3A_114] : memref<10000x64xf32, #tpu.memory_space<vmem_shared>> -> memref<200x64xf32, #tpu.memory_space<vmem_shared>>
      %dma_start3A_116 = arith.constant 0 : i32
      %dma_start3A_117 = arith.constant 0 : i32
      %dma_start3A_118 = tpu.memref_slice %arg11[%dma_start3A_116, %dma_start3A_117] : memref<200x64xf32, #tpu.memory_space<vmem>> -> memref<200x64xf32, #tpu.memory_space<vmem>>
      %dma_start3A_119 = arith.constant 0 : i32
      %dma_start3A_120 = tpu.memref_slice %arg12[%add3A_90, %dma_start3A_119] : memref<10000x64xf32, #tpu.memory_space<vmem_shared>> -> memref<200x64xf32, #tpu.memory_space<vmem_shared>>
      tpu.enqueue_dma source(%dma_start3A_120 : memref<200x64xf32, #tpu.memory_space<vmem_shared>>) target(%dma_start3A_118 : memref<200x64xf32, #tpu.memory_space<vmem>>) target_semaphore(%run_scoped3A : memref<!tpu.dma_semaphore, #tpu.memory_space<semaphore_mem>>)
      %dma_wait3A_121 = arith.constant 0 : i32
      %dma_wait3A_122 = arith.constant 0 : i32
      %dma_wait3A_123 = tpu.memref_slice %arg11[%dma_wait3A_121, %dma_wait3A_122] : memref<200x64xf32, #tpu.memory_space<vmem>> -> memref<200x64xf32, #tpu.memory_space<vmem>>
      %dma_wait3A_124 = arith.constant 0 : i32
      %dma_wait3A_125 = tpu.memref_slice %arg12[%add3A_90, %dma_wait3A_124] : memref<10000x64xf32, #tpu.memory_space<vmem_shared>> -> memref<200x64xf32, #tpu.memory_space<vmem_shared>>
      %dma_wait3A_126 = arith.constant 0 : i32
      %dma_wait3A_127 = arith.constant 0 : i32
      %dma_wait3A_128 = tpu.memref_slice %arg11[%dma_wait3A_126, %dma_wait3A_127] : memref<200x64xf32, #tpu.memory_space<vmem>> -> memref<200x64xf32, #tpu.memory_space<vmem>>
      %dma_wait3A_129 = arith.constant 0 : i32
      %dma_wait3A_130 = tpu.memref_slice %arg12[%add3A_90, %dma_wait3A_129] : memref<10000x64xf32, #tpu.memory_space<vmem_shared>> -> memref<200x64xf32, #tpu.memory_space<vmem_shared>>
      tpu.wait_dma2 semaphore(%run_scoped3A : memref<!tpu.dma_semaphore, #tpu.memory_space<semaphore_mem>>) src(%dma_wait3A_130 : memref<200x64xf32, #tpu.memory_space<vmem_shared>>) dst(%dma_wait3A_128 : memref<200x64xf32, #tpu.memory_space<vmem>>)
      tpu.yield
    }) : () -> ()
    %mul3A_91 = arith.constant 64 : i32
    %mul3A_92 = arith.muli %arg0, %mul3A_91 : i32
    "tpu.region"() ({
      %run_scoped3A = tpu.sem_alloc : memref<!tpu.dma_semaphore, #tpu.memory_space<semaphore_mem>>
      %dma_start3A_111 = arith.constant 0 : i32
      %dma_start3A_112 = arith.constant 0 : i32
      %dma_start3A_113 = tpu.memref_slice %arg11[%dma_start3A_111, %dma_start3A_112] : memref<200x64xf32, #tpu.memory_space<vmem>> -> memref<200x64xf32, #tpu.memory_space<vmem>>
      %dma_start3A_114 = tpu.memref_slice %arg4[%add3A_90, %mul3A_92] : memref<10000x128xf32, #tpu.memory_space<hbm>> -> memref<200x64xf32, #tpu.memory_space<hbm>>
      %dma_start3A_115 = tpu.memref_slice %arg4[%add3A_90, %mul3A_92] : memref<10000x128xf32, #tpu.memory_space<hbm>> -> memref<200x64xf32, #tpu.memory_space<hbm>>
      %dma_start3A_116 = arith.constant 0 : i32
      %dma_start3A_117 = arith.constant 0 : i32
      %dma_start3A_118 = tpu.memref_slice %arg11[%dma_start3A_116, %dma_start3A_117] : memref<200x64xf32, #tpu.memory_space<vmem>> -> memref<200x64xf32, #tpu.memory_space<vmem>>
      tpu.enqueue_dma source(%dma_start3A_118 : memref<200x64xf32, #tpu.memory_space<vmem>>) target(%dma_start3A_115 : memref<200x64xf32, #tpu.memory_space<hbm>>) target_semaphore(%run_scoped3A : memref<!tpu.dma_semaphore, #tpu.memory_space<semaphore_mem>>)
      %dma_wait3A_119 = arith.constant 0 : i32
      %dma_wait3A_120 = arith.constant 0 : i32
      %dma_wait3A_121 = tpu.memref_slice %arg11[%dma_wait3A_119, %dma_wait3A_120] : memref<200x64xf32, #tpu.memory_space<vmem>> -> memref<200x64xf32, #tpu.memory_space<vmem>>
      %dma_wait3A_122 = tpu.memref_slice %arg4[%add3A_90, %mul3A_92] : memref<10000x128xf32, #tpu.memory_space<hbm>> -> memref<200x64xf32, #tpu.memory_space<hbm>>
      %dma_wait3A_123 = tpu.memref_slice %arg4[%add3A_90, %mul3A_92] : memref<10000x128xf32, #tpu.memory_space<hbm>> -> memref<200x64xf32, #tpu.memory_space<hbm>>
      %dma_wait3A_124 = arith.constant 0 : i32
      %dma_wait3A_125 = arith.constant 0 : i32
      %dma_wait3A_126 = tpu.memref_slice %arg11[%dma_wait3A_124, %dma_wait3A_125] : memref<200x64xf32, #tpu.memory_space<vmem>> -> memref<200x64xf32, #tpu.memory_space<vmem>>
      tpu.wait_dma2 semaphore(%run_scoped3A : memref<!tpu.dma_semaphore, #tpu.memory_space<semaphore_mem>>) src(%dma_wait3A_126 : memref<200x64xf32, #tpu.memory_space<vmem>>) dst(%dma_wait3A_123 : memref<200x64xf32, #tpu.memory_space<hbm>>)
      tpu.yield
    }) : () -> ()
    %mul3A_93 = arith.constant 625 : i32
    %mul3A_94 = arith.muli %arg1, %mul3A_93 : i32
    %add3A_95 = arith.constant 200 : i32
    %add3A_96 = arith.addi %mul3A_94, %add3A_95 : i32
    "tpu.region"() ({
      %run_scoped3A = tpu.sem_alloc : memref<!tpu.dma_semaphore, #tpu.memory_space<semaphore_mem>>
      %dma_start3A_111 = arith.constant 0 : i32
      %dma_start3A_112 = arith.constant 0 : i32
      %dma_start3A_113 = tpu.memref_slice %arg11[%dma_start3A_111, %dma_start3A_112] : memref<200x64xf32, #tpu.memory_space<vmem>> -> memref<200x64xf32, #tpu.memory_space<vmem>>
      %dma_start3A_114 = arith.constant 0 : i32
      %dma_start3A_115 = tpu.memref_slice %arg12[%add3A_96, %dma_start3A_114] : memref<10000x64xf32, #tpu.memory_space<vmem_shared>> -> memref<200x64xf32, #tpu.memory_space<vmem_shared>>
      %dma_start3A_116 = arith.constant 0 : i32
      %dma_start3A_117 = arith.constant 0 : i32
      %dma_start3A_118 = tpu.memref_slice %arg11[%dma_start3A_116, %dma_start3A_117] : memref<200x64xf32, #tpu.memory_space<vmem>> -> memref<200x64xf32, #tpu.memory_space<vmem>>
      %dma_start3A_119 = arith.constant 0 : i32
      %dma_start3A_120 = tpu.memref_slice %arg12[%add3A_96, %dma_start3A_119] : memref<10000x64xf32, #tpu.memory_space<vmem_shared>> -> memref<200x64xf32, #tpu.memory_space<vmem_shared>>
      tpu.enqueue_dma source(%dma_start3A_120 : memref<200x64xf32, #tpu.memory_space<vmem_shared>>) target(%dma_start3A_118 : memref<200x64xf32, #tpu.memory_space<vmem>>) target_semaphore(%run_scoped3A : memref<!tpu.dma_semaphore, #tpu.memory_space<semaphore_mem>>)
      %dma_wait3A_121 = arith.constant 0 : i32
      %dma_wait3A_122 = arith.constant 0 : i32
      %dma_wait3A_123 = tpu.memref_slice %arg11[%dma_wait3A_121, %dma_wait3A_122] : memref<200x64xf32, #tpu.memory_space<vmem>> -> memref<200x64xf32, #tpu.memory_space<vmem>>
      %dma_wait3A_124 = arith.constant 0 : i32
      %dma_wait3A_125 = tpu.memref_slice %arg12[%add3A_96, %dma_wait3A_124] : memref<10000x64xf32, #tpu.memory_space<vmem_shared>> -> memref<200x64xf32, #tpu.memory_space<vmem_shared>>
      %dma_wait3A_126 = arith.constant 0 : i32
      %dma_wait3A_127 = arith.constant 0 : i32
      %dma_wait3A_128 = tpu.memref_slice %arg11[%dma_wait3A_126, %dma_wait3A_127] : memref<200x64xf32, #tpu.memory_space<vmem>> -> memref<200x64xf32, #tpu.memory_space<vmem>>
      %dma_wait3A_129 = arith.constant 0 : i32
      %dma_wait3A_130 = tpu.memref_slice %arg12[%add3A_96, %dma_wait3A_129] : memref<10000x64xf32, #tpu.memory_space<vmem_shared>> -> memref<200x64xf32, #tpu.memory_space<vmem_shared>>
      tpu.wait_dma2 semaphore(%run_scoped3A : memref<!tpu.dma_semaphore, #tpu.memory_space<semaphore_mem>>) src(%dma_wait3A_130 : memref<200x64xf32, #tpu.memory_space<vmem_shared>>) dst(%dma_wait3A_128 : memref<200x64xf32, #tpu.memory_space<vmem>>)
      tpu.yield
    }) : () -> ()
    %mul3A_97 = arith.constant 64 : i32
    %mul3A_98 = arith.muli %arg0, %mul3A_97 : i32
    "tpu.region"() ({
      %run_scoped3A = tpu.sem_alloc : memref<!tpu.dma_semaphore, #tpu.memory_space<semaphore_mem>>
      %dma_start3A_111 = arith.constant 0 : i32
      %dma_start3A_112 = arith.constant 0 : i32
      %dma_start3A_113 = tpu.memref_slice %arg11[%dma_start3A_111, %dma_start3A_112] : memref<200x64xf32, #tpu.memory_space<vmem>> -> memref<200x64xf32, #tpu.memory_space<vmem>>
      %dma_start3A_114 = tpu.memref_slice %arg4[%add3A_96, %mul3A_98] : memref<10000x128xf32, #tpu.memory_space<hbm>> -> memref<200x64xf32, #tpu.memory_space<hbm>>
      %dma_start3A_115 = tpu.memref_slice %arg4[%add3A_96, %mul3A_98] : memref<10000x128xf32, #tpu.memory_space<hbm>> -> memref<200x64xf32, #tpu.memory_space<hbm>>
      %dma_start3A_116 = arith.constant 0 : i32
      %dma_start3A_117 = arith.constant 0 : i32
      %dma_start3A_118 = tpu.memref_slice %arg11[%dma_start3A_116, %dma_start3A_117] : memref<200x64xf32, #tpu.memory_space<vmem>> -> memref<200x64xf32, #tpu.memory_space<vmem>>
      tpu.enqueue_dma source(%dma_start3A_118 : memref<200x64xf32, #tpu.memory_space<vmem>>) target(%dma_start3A_115 : memref<200x64xf32, #tpu.memory_space<hbm>>) target_semaphore(%run_scoped3A : memref<!tpu.dma_semaphore, #tpu.memory_space<semaphore_mem>>)
      %dma_wait3A_119 = arith.constant 0 : i32
      %dma_wait3A_120 = arith.constant 0 : i32
      %dma_wait3A_121 = tpu.memref_slice %arg11[%dma_wait3A_119, %dma_wait3A_120] : memref<200x64xf32, #tpu.memory_space<vmem>> -> memref<200x64xf32, #tpu.memory_space<vmem>>
      %dma_wait3A_122 = tpu.memref_slice %arg4[%add3A_96, %mul3A_98] : memref<10000x128xf32, #tpu.memory_space<hbm>> -> memref<200x64xf32, #tpu.memory_space<hbm>>
      %dma_wait3A_123 = tpu.memref_slice %arg4[%add3A_96, %mul3A_98] : memref<10000x128xf32, #tpu.memory_space<hbm>> -> memref<200x64xf32, #tpu.memory_space<hbm>>
      %dma_wait3A_124 = arith.constant 0 : i32
      %dma_wait3A_125 = arith.constant 0 : i32
      %dma_wait3A_126 = tpu.memref_slice %arg11[%dma_wait3A_124, %dma_wait3A_125] : memref<200x64xf32, #tpu.memory_space<vmem>> -> memref<200x64xf32, #tpu.memory_space<vmem>>
      tpu.wait_dma2 semaphore(%run_scoped3A : memref<!tpu.dma_semaphore, #tpu.memory_space<semaphore_mem>>) src(%dma_wait3A_126 : memref<200x64xf32, #tpu.memory_space<vmem>>) dst(%dma_wait3A_123 : memref<200x64xf32, #tpu.memory_space<hbm>>)
      tpu.yield
    }) : () -> ()
    %mul3A_99 = arith.constant 625 : i32
    %mul3A_100 = arith.muli %arg1, %mul3A_99 : i32
    %add3A_101 = arith.constant 400 : i32
    %add3A_102 = arith.addi %mul3A_100, %add3A_101 : i32
    "tpu.region"() ({
      %run_scoped3A = tpu.sem_alloc : memref<!tpu.dma_semaphore, #tpu.memory_space<semaphore_mem>>
      %dma_start3A_111 = arith.constant 0 : i32
      %dma_start3A_112 = arith.constant 0 : i32
      %dma_start3A_113 = tpu.memref_slice %arg11[%dma_start3A_111, %dma_start3A_112] : memref<200x64xf32, #tpu.memory_space<vmem>> -> memref<200x64xf32, #tpu.memory_space<vmem>>
      %dma_start3A_114 = arith.constant 0 : i32
      %dma_start3A_115 = tpu.memref_slice %arg12[%add3A_102, %dma_start3A_114] : memref<10000x64xf32, #tpu.memory_space<vmem_shared>> -> memref<200x64xf32, #tpu.memory_space<vmem_shared>>
      %dma_start3A_116 = arith.constant 0 : i32
      %dma_start3A_117 = arith.constant 0 : i32
      %dma_start3A_118 = tpu.memref_slice %arg11[%dma_start3A_116, %dma_start3A_117] : memref<200x64xf32, #tpu.memory_space<vmem>> -> memref<200x64xf32, #tpu.memory_space<vmem>>
      %dma_start3A_119 = arith.constant 0 : i32
      %dma_start3A_120 = tpu.memref_slice %arg12[%add3A_102, %dma_start3A_119] : memref<10000x64xf32, #tpu.memory_space<vmem_shared>> -> memref<200x64xf32, #tpu.memory_space<vmem_shared>>
      tpu.enqueue_dma source(%dma_start3A_120 : memref<200x64xf32, #tpu.memory_space<vmem_shared>>) target(%dma_start3A_118 : memref<200x64xf32, #tpu.memory_space<vmem>>) target_semaphore(%run_scoped3A : memref<!tpu.dma_semaphore, #tpu.memory_space<semaphore_mem>>)
      %dma_wait3A_121 = arith.constant 0 : i32
      %dma_wait3A_122 = arith.constant 0 : i32
      %dma_wait3A_123 = tpu.memref_slice %arg11[%dma_wait3A_121, %dma_wait3A_122] : memref<200x64xf32, #tpu.memory_space<vmem>> -> memref<200x64xf32, #tpu.memory_space<vmem>>
      %dma_wait3A_124 = arith.constant 0 : i32
      %dma_wait3A_125 = tpu.memref_slice %arg12[%add3A_102, %dma_wait3A_124] : memref<10000x64xf32, #tpu.memory_space<vmem_shared>> -> memref<200x64xf32, #tpu.memory_space<vmem_shared>>
      %dma_wait3A_126 = arith.constant 0 : i32
      %dma_wait3A_127 = arith.constant 0 : i32
      %dma_wait3A_128 = tpu.memref_slice %arg11[%dma_wait3A_126, %dma_wait3A_127] : memref<200x64xf32, #tpu.memory_space<vmem>> -> memref<200x64xf32, #tpu.memory_space<vmem>>
      %dma_wait3A_129 = arith.constant 0 : i32
      %dma_wait3A_130 = tpu.memref_slice %arg12[%add3A_102, %dma_wait3A_129] : memref<10000x64xf32, #tpu.memory_space<vmem_shared>> -> memref<200x64xf32, #tpu.memory_space<vmem_shared>>
      tpu.wait_dma2 semaphore(%run_scoped3A : memref<!tpu.dma_semaphore, #tpu.memory_space<semaphore_mem>>) src(%dma_wait3A_130 : memref<200x64xf32, #tpu.memory_space<vmem_shared>>) dst(%dma_wait3A_128 : memref<200x64xf32, #tpu.memory_space<vmem>>)
      tpu.yield
    }) : () -> ()
    %mul3A_103 = arith.constant 64 : i32
    %mul3A_104 = arith.muli %arg0, %mul3A_103 : i32
    "tpu.region"() ({
      %run_scoped3A = tpu.sem_alloc : memref<!tpu.dma_semaphore, #tpu.memory_space<semaphore_mem>>
      %dma_start3A_111 = arith.constant 0 : i32
      %dma_start3A_112 = arith.constant 0 : i32
      %dma_start3A_113 = tpu.memref_slice %arg11[%dma_start3A_111, %dma_start3A_112] : memref<200x64xf32, #tpu.memory_space<vmem>> -> memref<200x64xf32, #tpu.memory_space<vmem>>
      %dma_start3A_114 = tpu.memref_slice %arg4[%add3A_102, %mul3A_104] : memref<10000x128xf32, #tpu.memory_space<hbm>> -> memref<200x64xf32, #tpu.memory_space<hbm>>
      %dma_start3A_115 = tpu.memref_slice %arg4[%add3A_102, %mul3A_104] : memref<10000x128xf32, #tpu.memory_space<hbm>> -> memref<200x64xf32, #tpu.memory_space<hbm>>
      %dma_start3A_116 = arith.constant 0 : i32
      %dma_start3A_117 = arith.constant 0 : i32
      %dma_start3A_118 = tpu.memref_slice %arg11[%dma_start3A_116, %dma_start3A_117] : memref<200x64xf32, #tpu.memory_space<vmem>> -> memref<200x64xf32, #tpu.memory_space<vmem>>
      tpu.enqueue_dma source(%dma_start3A_118 : memref<200x64xf32, #tpu.memory_space<vmem>>) target(%dma_start3A_115 : memref<200x64xf32, #tpu.memory_space<hbm>>) target_semaphore(%run_scoped3A : memref<!tpu.dma_semaphore, #tpu.memory_space<semaphore_mem>>)
      %dma_wait3A_119 = arith.constant 0 : i32
      %dma_wait3A_120 = arith.constant 0 : i32
      %dma_wait3A_121 = tpu.memref_slice %arg11[%dma_wait3A_119, %dma_wait3A_120] : memref<200x64xf32, #tpu.memory_space<vmem>> -> memref<200x64xf32, #tpu.memory_space<vmem>>
      %dma_wait3A_122 = tpu.memref_slice %arg4[%add3A_102, %mul3A_104] : memref<10000x128xf32, #tpu.memory_space<hbm>> -> memref<200x64xf32, #tpu.memory_space<hbm>>
      %dma_wait3A_123 = tpu.memref_slice %arg4[%add3A_102, %mul3A_104] : memref<10000x128xf32, #tpu.memory_space<hbm>> -> memref<200x64xf32, #tpu.memory_space<hbm>>
      %dma_wait3A_124 = arith.constant 0 : i32
      %dma_wait3A_125 = arith.constant 0 : i32
      %dma_wait3A_126 = tpu.memref_slice %arg11[%dma_wait3A_124, %dma_wait3A_125] : memref<200x64xf32, #tpu.memory_space<vmem>> -> memref<200x64xf32, #tpu.memory_space<vmem>>
      tpu.wait_dma2 semaphore(%run_scoped3A : memref<!tpu.dma_semaphore, #tpu.memory_space<semaphore_mem>>) src(%dma_wait3A_126 : memref<200x64xf32, #tpu.memory_space<vmem>>) dst(%dma_wait3A_123 : memref<200x64xf32, #tpu.memory_space<hbm>>)
      tpu.yield
    }) : () -> ()
    %mul3A_105 = arith.constant 625 : i32
    %mul3A_106 = arith.muli %arg1, %mul3A_105 : i32
    %add3A_107 = arith.constant 600 : i32
    %add3A_108 = arith.addi %mul3A_106, %add3A_107 : i32
    "tpu.region"() ({
      %run_scoped3A = tpu.sem_alloc : memref<!tpu.dma_semaphore, #tpu.memory_space<semaphore_mem>>
      %dma_start3A_111 = arith.constant 0 : i32
      %dma_start3A_112 = arith.constant 0 : i32
      %dma_start3A_113 = tpu.memref_slice %arg11[%dma_start3A_111, %dma_start3A_112] : memref<200x64xf32, #tpu.memory_space<vmem>> -> memref<25x64xf32, #tpu.memory_space<vmem>>
      %dma_start3A_114 = arith.constant 0 : i32
      %dma_start3A_115 = tpu.memref_slice %arg12[%add3A_108, %dma_start3A_114] : memref<10000x64xf32, #tpu.memory_space<vmem_shared>> -> memref<25x64xf32, #tpu.memory_space<vmem_shared>>
      %dma_start3A_116 = arith.constant 0 : i32
      %dma_start3A_117 = arith.constant 0 : i32
      %dma_start3A_118 = tpu.memref_slice %arg11[%dma_start3A_116, %dma_start3A_117] : memref<200x64xf32, #tpu.memory_space<vmem>> -> memref<25x64xf32, #tpu.memory_space<vmem>>
      %dma_start3A_119 = arith.constant 0 : i32
      %dma_start3A_120 = tpu.memref_slice %arg12[%add3A_108, %dma_start3A_119] : memref<10000x64xf32, #tpu.memory_space<vmem_shared>> -> memref<25x64xf32, #tpu.memory_space<vmem_shared>>
      tpu.enqueue_dma source(%dma_start3A_120 : memref<25x64xf32, #tpu.memory_space<vmem_shared>>) target(%dma_start3A_118 : memref<25x64xf32, #tpu.memory_space<vmem>>) target_semaphore(%run_scoped3A : memref<!tpu.dma_semaphore, #tpu.memory_space<semaphore_mem>>)
      %dma_wait3A_121 = arith.constant 0 : i32
      %dma_wait3A_122 = arith.constant 0 : i32
      %dma_wait3A_123 = tpu.memref_slice %arg11[%dma_wait3A_121, %dma_wait3A_122] : memref<200x64xf32, #tpu.memory_space<vmem>> -> memref<25x64xf32, #tpu.memory_space<vmem>>
      %dma_wait3A_124 = arith.constant 0 : i32
      %dma_wait3A_125 = tpu.memref_slice %arg12[%add3A_108, %dma_wait3A_124] : memref<10000x64xf32, #tpu.memory_space<vmem_shared>> -> memref<25x64xf32, #tpu.memory_space<vmem_shared>>
      %dma_wait3A_126 = arith.constant 0 : i32
      %dma_wait3A_127 = arith.constant 0 : i32
      %dma_wait3A_128 = tpu.memref_slice %arg11[%dma_wait3A_126, %dma_wait3A_127] : memref<200x64xf32, #tpu.memory_space<vmem>> -> memref<25x64xf32, #tpu.memory_space<vmem>>
      %dma_wait3A_129 = arith.constant 0 : i32
      %dma_wait3A_130 = tpu.memref_slice %arg12[%add3A_108, %dma_wait3A_129] : memref<10000x64xf32, #tpu.memory_space<vmem_shared>> -> memref<25x64xf32, #tpu.memory_space<vmem_shared>>
      tpu.wait_dma2 semaphore(%run_scoped3A : memref<!tpu.dma_semaphore, #tpu.memory_space<semaphore_mem>>) src(%dma_wait3A_130 : memref<25x64xf32, #tpu.memory_space<vmem_shared>>) dst(%dma_wait3A_128 : memref<25x64xf32, #tpu.memory_space<vmem>>)
      tpu.yield
    }) : () -> ()
    %mul3A_109 = arith.constant 64 : i32
    %mul3A_110 = arith.muli %arg0, %mul3A_109 : i32
    "tpu.region"() ({
      %run_scoped3A = tpu.sem_alloc : memref<!tpu.dma_semaphore, #tpu.memory_space<semaphore_mem>>
      %dma_start3A_111 = arith.constant 0 : i32
      %dma_start3A_112 = arith.constant 0 : i32
      %dma_start3A_113 = tpu.memref_slice %arg11[%dma_start3A_111, %dma_start3A_112] : memref<200x64xf32, #tpu.memory_space<vmem>> -> memref<25x64xf32, #tpu.memory_space<vmem>>
      %dma_start3A_114 = tpu.memref_slice %arg4[%add3A_108, %mul3A_110] : memref<10000x128xf32, #tpu.memory_space<hbm>> -> memref<25x64xf32, #tpu.memory_space<hbm>>
      %dma_start3A_115 = tpu.memref_slice %arg4[%add3A_108, %mul3A_110] : memref<10000x128xf32, #tpu.memory_space<hbm>> -> memref<25x64xf32, #tpu.memory_space<hbm>>
      %dma_start3A_116 = arith.constant 0 : i32
      %dma_start3A_117 = arith.constant 0 : i32
      %dma_start3A_118 = tpu.memref_slice %arg11[%dma_start3A_116, %dma_start3A_117] : memref<200x64xf32, #tpu.memory_space<vmem>> -> memref<25x64xf32, #tpu.memory_space<vmem>>
      tpu.enqueue_dma source(%dma_start3A_118 : memref<25x64xf32, #tpu.memory_space<vmem>>) target(%dma_start3A_115 : memref<25x64xf32, #tpu.memory_space<hbm>>) target_semaphore(%run_scoped3A : memref<!tpu.dma_semaphore, #tpu.memory_space<semaphore_mem>>)
      %dma_wait3A_119 = arith.constant 0 : i32
      %dma_wait3A_120 = arith.constant 0 : i32
      %dma_wait3A_121 = tpu.memref_slice %arg11[%dma_wait3A_119, %dma_wait3A_120] : memref<200x64xf32, #tpu.memory_space<vmem>> -> memref<25x64xf32, #tpu.memory_space<vmem>>
      %dma_wait3A_122 = tpu.memref_slice %arg4[%add3A_108, %mul3A_110] : memref<10000x128xf32, #tpu.memory_space<hbm>> -> memref<25x64xf32, #tpu.memory_space<hbm>>
      %dma_wait3A_123 = tpu.memref_slice %arg4[%add3A_108, %mul3A_110] : memref<10000x128xf32, #tpu.memory_space<hbm>> -> memref<25x64xf32, #tpu.memory_space<hbm>>
      %dma_wait3A_124 = arith.constant 0 : i32
      %dma_wait3A_125 = arith.constant 0 : i32
      %dma_wait3A_126 = tpu.memref_slice %arg11[%dma_wait3A_124, %dma_wait3A_125] : memref<200x64xf32, #tpu.memory_space<vmem>> -> memref<25x64xf32, #tpu.memory_space<vmem>>
      tpu.wait_dma2 semaphore(%run_scoped3A : memref<!tpu.dma_semaphore, #tpu.memory_space<semaphore_mem>>) src(%dma_wait3A_126 : memref<25x64xf32, #tpu.memory_space<vmem>>) dst(%dma_wait3A_123 : memref<25x64xf32, #tpu.memory_space<hbm>>)
      tpu.yield
    }) : () -> ()
    return
  }
}

module attributes {stable_mosaic.version = 14 : i64} {
  func.func @_dense_body(%arg0: memref<10000x128xf32, #tpu.memory_space<vmem>>, %arg1: memref<2x10000xf32, #tpu.memory_space<vmem>>, %arg2: memref<10000x128xf32, #tpu.memory_space<vmem>>, %arg3: memref<128x128xf32, #tpu.memory_space<vmem>>, %arg4: memref<1x128xf32, #tpu.memory_space<vmem>>, %arg5: memref<128x128xf32, #tpu.memory_space<vmem>>, %arg6: memref<10000x128xf32, #tpu.memory_space<vmem>>) attributes {dimension_semantics = [], scalar_prefetch = 0 : i64, scratch_operands = 0 : i64, tpu.core_type = #tpu.core_type<tc>} {
    %get3A = arith.constant 0 : index
    %get3A_0 = arith.constant 0 : index
    %get3A_1 = vector.load %arg1[%get3A, %get3A_0] : memref<2x10000xf32, #tpu.memory_space<vmem>>, vector<2x10000xf32>
    %broadcast_in_dim3A = arith.constant 1.000000e+00 : f32
    %broadcast_in_dim3A_2 = vector.broadcast %broadcast_in_dim3A : f32 to vector<2x1xf32>
    %dot_general3A = arith.constant dense<0.000000e+00> : vector<10000x1xf32>
    %dot_general3A_3 = tpu.matmul %get3A_1, %broadcast_in_dim3A_2, %dot_general3A {dimension_numbers = #tpu.dot_dimension_numbers<[0], [0], [1], [1], [0, 1, 1, 1], [], []>, precision = #tpu.contract_precision<fp32>, transpose_lhs_hint = false} : vector<2x10000xf32>, vector<2x1xf32>, vector<10000x1xf32> -> vector<10000x1xf32>
    %get3A_4 = arith.constant 0 : index
    %get3A_5 = arith.constant 0 : index
    %get3A_6 = vector.load %arg0[%get3A_4, %get3A_5] : memref<10000x128xf32, #tpu.memory_space<vmem>>, vector<10000x128xf32>
    %max3A = arith.constant 1.000000e+00 : f32
    %max3A_7 = vector.broadcast %max3A : f32 to vector<10000x1xf32>
    %max3A_8 = arith.maximumf %dot_general3A_3, %max3A_7 : vector<10000x1xf32>
    %div3A = vector.broadcast %max3A_8 : vector<10000x1xf32> to vector<10000x128xf32>
    %div3A_9 = arith.divf %get3A_6, %div3A : vector<10000x128xf32>
    %get3A_10 = arith.constant 0 : index
    %get3A_11 = arith.constant 0 : index
    %get3A_12 = vector.load %arg3[%get3A_10, %get3A_11] : memref<128x128xf32, #tpu.memory_space<vmem>>, vector<128x128xf32>
    %dot_general3A_13 = arith.constant dense<0.000000e+00> : vector<10000x128xf32>
    %dot_general3A_14 = tpu.matmul %div3A_9, %get3A_12, %dot_general3A_13 {dimension_numbers = #tpu.dot_dimension_numbers<[1], [1], [0], [0], [0, 0, 1, 0], [], []>, transpose_lhs_hint = false} : vector<10000x128xf32>, vector<128x128xf32>, vector<10000x128xf32> -> vector<10000x128xf32>
    %get3A_15 = arith.constant 0 : index
    %get3A_16 = arith.constant 0 : index
    %get3A_17 = vector.load %arg2[%get3A_15, %get3A_16] : memref<10000x128xf32, #tpu.memory_space<vmem>>, vector<10000x128xf32>
    %get3A_18 = arith.constant 0 : index
    %get3A_19 = arith.constant 0 : index
    %get3A_20 = vector.load %arg5[%get3A_18, %get3A_19] : memref<128x128xf32, #tpu.memory_space<vmem>>, vector<128x128xf32>
    %dot_general3A_21 = arith.constant dense<0.000000e+00> : vector<10000x128xf32>
    %dot_general3A_22 = tpu.matmul %get3A_17, %get3A_20, %dot_general3A_21 {dimension_numbers = #tpu.dot_dimension_numbers<[1], [1], [0], [0], [0, 0, 1, 0], [], []>, transpose_lhs_hint = false} : vector<10000x128xf32>, vector<128x128xf32>, vector<10000x128xf32> -> vector<10000x128xf32>
    %add3A = arith.addf %dot_general3A_14, %dot_general3A_22 : vector<10000x128xf32>
    %get3A_23 = arith.constant 0 : index
    %get3A_24 = arith.constant 0 : index
    %get3A_25 = vector.load %arg4[%get3A_23, %get3A_24] : memref<1x128xf32, #tpu.memory_space<vmem>>, vector<1x128xf32>
    %add3A_26 = vector.broadcast %get3A_25 : vector<1x128xf32> to vector<10000x128xf32>
    %add3A_27 = arith.addf %add3A, %add3A_26 : vector<10000x128xf32>
    %max3A_28 = arith.constant 0.000000e+00 : f32
    %max3A_29 = vector.broadcast %max3A_28 : f32 to vector<10000x128xf32>
    %max3A_30 = arith.maximumf %add3A_27, %max3A_29 : vector<10000x128xf32>
    %swap3A = arith.constant 0 : index
    %swap3A_31 = arith.constant 0 : index
    %swap3A_32 = vector.load %arg6[%swap3A, %swap3A_31] : memref<10000x128xf32, #tpu.memory_space<vmem>>, vector<10000x128xf32>
    tpu.vector_store %arg6[%swap3A, %swap3A_31], %max3A_30 {strides = array<i32>} : memref<10000x128xf32, #tpu.memory_space<vmem>>, vector<10000x128xf32>,
    return
  }
}

module attributes {stable_mosaic.version = 14 : i64} {
  func.func @_dense_body(%arg0: memref<10000x128xf32, #tpu.memory_space<vmem>>, %arg1: memref<2x10000xf32, #tpu.memory_space<vmem>>, %arg2: memref<10000x128xf32, #tpu.memory_space<vmem>>, %arg3: memref<128x128xf32, #tpu.memory_space<vmem>>, %arg4: memref<1x128xf32, #tpu.memory_space<vmem>>, %arg5: memref<128x128xf32, #tpu.memory_space<vmem>>, %arg6: memref<10000x128xf32, #tpu.memory_space<vmem>>) attributes {dimension_semantics = [], scalar_prefetch = 0 : i64, scratch_operands = 0 : i64, tpu.core_type = #tpu.core_type<tc>} {
    %get3A = arith.constant 0 : index
    %get3A_0 = arith.constant 0 : index
    %get3A_1 = vector.load %arg1[%get3A, %get3A_0] : memref<2x10000xf32, #tpu.memory_space<vmem>>, vector<2x10000xf32>
    %broadcast_in_dim3A = arith.constant 1.000000e+00 : f32
    %broadcast_in_dim3A_2 = vector.broadcast %broadcast_in_dim3A : f32 to vector<2x1xf32>
    %dot_general3A = arith.constant dense<0.000000e+00> : vector<10000x1xf32>
    %dot_general3A_3 = tpu.matmul %get3A_1, %broadcast_in_dim3A_2, %dot_general3A {dimension_numbers = #tpu.dot_dimension_numbers<[0], [0], [1], [1], [0, 1, 1, 1], [], []>, precision = #tpu.contract_precision<fp32>, transpose_lhs_hint = false} : vector<2x10000xf32>, vector<2x1xf32>, vector<10000x1xf32> -> vector<10000x1xf32>
    %get3A_4 = arith.constant 0 : index
    %get3A_5 = arith.constant 0 : index
    %get3A_6 = vector.load %arg0[%get3A_4, %get3A_5] : memref<10000x128xf32, #tpu.memory_space<vmem>>, vector<10000x128xf32>
    %max3A = arith.constant 1.000000e+00 : f32
    %max3A_7 = vector.broadcast %max3A : f32 to vector<10000x1xf32>
    %max3A_8 = arith.maximumf %dot_general3A_3, %max3A_7 : vector<10000x1xf32>
    %div3A = vector.broadcast %max3A_8 : vector<10000x1xf32> to vector<10000x128xf32>
    %div3A_9 = arith.divf %get3A_6, %div3A : vector<10000x128xf32>
    %get3A_10 = arith.constant 0 : index
    %get3A_11 = arith.constant 0 : index
    %get3A_12 = vector.load %arg3[%get3A_10, %get3A_11] : memref<128x128xf32, #tpu.memory_space<vmem>>, vector<128x128xf32>
    %dot_general3A_13 = arith.constant dense<0.000000e+00> : vector<10000x128xf32>
    %dot_general3A_14 = tpu.matmul %div3A_9, %get3A_12, %dot_general3A_13 {dimension_numbers = #tpu.dot_dimension_numbers<[1], [1], [0], [0], [0, 0, 1, 0], [], []>, transpose_lhs_hint = false} : vector<10000x128xf32>, vector<128x128xf32>, vector<10000x128xf32> -> vector<10000x128xf32>
    %get3A_15 = arith.constant 0 : index
    %get3A_16 = arith.constant 0 : index
    %get3A_17 = vector.load %arg2[%get3A_15, %get3A_16] : memref<10000x128xf32, #tpu.memory_space<vmem>>, vector<10000x128xf32>
    %get3A_18 = arith.constant 0 : index
    %get3A_19 = arith.constant 0 : index
    %get3A_20 = vector.load %arg5[%get3A_18, %get3A_19] : memref<128x128xf32, #tpu.memory_space<vmem>>, vector<128x128xf32>
    %dot_general3A_21 = arith.constant dense<0.000000e+00> : vector<10000x128xf32>
    %dot_general3A_22 = tpu.matmul %get3A_17, %get3A_20, %dot_general3A_21 {dimension_numbers = #tpu.dot_dimension_numbers<[1], [1], [0], [0], [0, 0, 1, 0], [], []>, transpose_lhs_hint = false} : vector<10000x128xf32>, vector<128x128xf32>, vector<10000x128xf32> -> vector<10000x128xf32>
    %add3A = arith.addf %dot_general3A_14, %dot_general3A_22 : vector<10000x128xf32>
    %get3A_23 = arith.constant 0 : index
    %get3A_24 = arith.constant 0 : index
    %get3A_25 = vector.load %arg4[%get3A_23, %get3A_24] : memref<1x128xf32, #tpu.memory_space<vmem>>, vector<1x128xf32>
    %add3A_26 = vector.broadcast %get3A_25 : vector<1x128xf32> to vector<10000x128xf32>
    %add3A_27 = arith.addf %add3A, %add3A_26 : vector<10000x128xf32>
    %max3A_28 = arith.constant 0.000000e+00 : f32
    %max3A_29 = vector.broadcast %max3A_28 : f32 to vector<10000x128xf32>
    %max3A_30 = arith.maximumf %add3A_27, %max3A_29 : vector<10000x128xf32>
    %swap3A = arith.constant 0 : index
    %swap3A_31 = arith.constant 0 : index
    %swap3A_32 = vector.load %arg6[%swap3A, %swap3A_31] : memref<10000x128xf32, #tpu.memory_space<vmem>>, vector<10000x128xf32>
    tpu.vector_store %arg6[%swap3A, %swap3A_31], %max3A_30 {strides = array<i32>} : memref<10000x128xf32, #tpu.memory_space<vmem>>, vector<10000x128xf32>,
    return
  }
}

</mosaic_0001>

<sc_bundles>
// kernel: kernel.6.cloned.1.call-start
scs
__scs_entry_jumppad:
0x0: {  	(pc) =	sbr.rel $0x88, $3  }
0x1: {  	(tag) =	ssettag $0x0;
	lr =	simm.s32 $0x1  }
0x2: {  	[smem:$0x3F99] =	sst lr;
	_ =	strace $0xD0000000  }
0x3: {  	_ = 	snop  }
0x4: {  	_ = 	snop  }
0x5: {  	_ = 	snop  }
0x6: {  	_ = 	snop  }
0x7: {  	_ = 	snop  }
__scs_overlays_trampoline_lowered:
0x8: {  	[smem:$0x3FA8] =	sst s0  }
0x9: {  	[smem:$0x3FA9] =	sst s1  }
0xa: {  	[smem:$0x3FAA] =	sst s2  }
0xb: {  	[smem:$0x3FAB] =	sst s3  }
0xc: {  	[smem:$0x3FAC] =	sst s4  }
0xd: {  	[smem:$0x3FAD] =	sst s5  }
0xe: {  	[smem:$0x3FAE] =	sst s6  }
0xf: {  	[smem:$0x3FAF] =	sst s7  }
0x10: {  	[smem:$0x3FB0] =	sst s8  }
0x11: {  	[smem:$0x3FB1] =	sst s9;
	s0 =	simm.s32 @!p0 $0x0  }
0x12: {  	s1 =	sld [smem:$0x3F97];
	s0 =	simm.s32 @p0 $0x1  }
0x13: {  	[smem:$0x3FB2] =	sst s0;
	s0 =	simm.s32 @!p1 $0x0  }
0x14: {  	s2 =	sld [smem:$0x3F96];
	s0 =	simm.s32 @p1 $0x1  }
0x15: {  	[smem:$0x3FB3] =	sst s0;
	s0 =	simm.s32 @!p2 $0x0  }
0x16: {  	s3 =	sld [smem:$0x3FDB];
	s0 =	simm.s32 @p2 $0x1  }
0x17: {  	s4 =	simm.s32 $0x1BF5;
	[smem:$0x3FB5] =	sst s0  }
0x18: {  	s0 =	sld [smem:$0x3F98];
	_ =	swait.ge [sflag:s4], $0x0  }
0x19: {  	s7 =	sld [smem:$0x3F99]  }
0x1a: {  	s8 =	sadd.s32 $0xFFFFE003, lr  }
0x1b: {  	s9 =	sadd.s32 $0xFFFFFEF7, lr;
	s5 =	simm.s32 $0xFFFFFFFF;
	p2 =	slt.u32 s8, $0xFFFFF086  }
0x1c: {  	p1 =	slt.u32 s9, $0xF7A;
	s5 =	simm.s32 @!p2 $0x0  }
0x1d: {  	s5 =	simm.s32 @p1 $0x1;
	p0 =	seq.s32 s7, s2  }
0x1e: {  	s7 =	smul.u32 @!p0 $0xF7A, s2;
	p2 =	seq.s32 @!p0 s5, $0x0  }
0x1f: {  	s9 =	smul.u32 $0xF7A, s1;
	s8 =	simm.s32 @!p0 $0x1BF5;
	p2 =	por !p2, p0  }
0x20: {  	[sflag:s8] =	ssyncset.s32 @!p0 $0xFFFFF086;
	s6 =	sadd.s32 @!p0 s3, s7;
	s7 =	simm.s32 @!p0 $0x108  }
0x21: {  	s3 =	sadd.s32 s3, s9;
	s6 =	sadd.s32 @!p0 $0x88, s6;
	s7 =	simm.s32 @p2 $0x1082  }
0x22: {  	[simem:s7], [sflag:s8] =	dma.local @!p0 [hbm:s6], $0xF7A  }
0x23: {  	s9 =	sor.u32 $0xD0000000, s2;
	s6 =	simm.s32 $0x108;
	_ =	swait.ge @!p0 [sflag:s8], $0x0  }
0x24: {  	s3 =	sadd.s32 $0x88, s3;
	s6 =	simm.s32 @!p1 $0x1082;
	[sflag:s4] =	ssyncset.s32 $0xFFFFF086  }
0x25: {  	[simem:s6], [sflag:s4] =	dma.local [hbm:s3], $0xF7A  }
0x26: {  	[smem:$0x3F99] =	sst s1;
	(tag) =	ssettag s2;
	_ =	strace s9  }
0x27: {  	s1 =	sld [smem:$0x3FA9]  }
0x28: {  	s2 =	sld [smem:$0x3FAA]  }
0x29: {  	s4 =	sld [smem:$0x3FAC]  }
0x2a: {  	p0 =	seq.s32 s5, $0x0;
	s5 =	sld [smem:$0x3FAD]  }
0x2b: {  	s6 =	sld [smem:$0x3FAE]  }
0x2c: {  	s7 =	sld [smem:$0x3FAF]  }
0x2d: {  	s3 =	simm.s32 $0x108;
	s8 =	sld [smem:$0x3FB0]  }
0x2e: {  	s3 =	simm.s32 @!p0 $0x1082;
	s9 =	sld [smem:$0x3FB1]  }
0x2f: {  	lr =	sadd.s32 s0, s3;
	s0 =	sld [smem:$0x3FA8]  }
0x30: {  	s3 =	sld [smem:$0x3FAB]  }
0x31: {  	[smem:$0x3FB4] =	sst s10  }
0x32: {  	s10 =	sld [smem:$0x3FB2];
	_ =	sdelay $0x3  }
0x33: {  	p0 =	seq.s32 s10, $0x1;
	s10 =	sld [smem:$0x3FB4];
	_ =	sdelay $0x3  }
0x34: {  	[smem:$0x3FB4] =	sst s10  }
0x35: {  	s10 =	sld [smem:$0x3FB3];
	_ =	sdelay $0x3  }
0x36: {  	p1 =	seq.s32 s10, $0x1;
	s10 =	sld [smem:$0x3FB4];
	_ =	sdelay $0x3  }
0x37: {  	[smem:$0x3FB4] =	sst s10  }
0x38: {  	s10 =	sld [smem:$0x3FB5]  }
0x39: {  	_ = 	snop;
	(pc) =	sbr.ind lr, $3  }
0x3a: {  	_ = 	snop  }
0x3b: {  	_ = 	snop  }
0x3c: {  	p2 =	seq.s32 s10, $0x1;
	s10 =	sld [smem:$0x3FB4]  }
0x3d: {  	_ =	shalt  }
0x3e: {  	_ =	shalt  }
0x3f: {  	_ =	shalt  }
0x40: {  	_ =	shalt  }
0x41: {  	_ =	shalt  }
0x42: {  	_ =	shalt  }
0x43: {  	_ =	shalt  }
0x44: {  	_ =	shalt  }
0x45: {  	_ =	shalt  }
0x46: {  	_ =	shalt  }
0x47: {  	_ =	shalt  }
0x48: {  	_ =	shalt  }
0x49: {  	_ =	shalt  }
0x4a: {  	_ =	shalt  }
0x4b: {  	_ =	shalt  }
0x4c: {  	_ =	shalt  }
0x4d: {  	_ =	shalt  }
0x4e: {  	_ =	shalt  }
0x4f: {  	_ =	shalt  }
0x50: {  	_ =	shalt  }
0x51: {  	_ =	shalt  }
0x52: {  	_ =	shalt  }
0x53: {  	_ =	shalt  }
0x54: {  	_ =	shalt  }
0x55: {  	_ =	shalt  }
0x56: {  	_ =	shalt  }
0x57: {  	_ =	shalt  }
0x58: {  	_ =	shalt  }
0x59: {  	_ =	shalt  }
0x5a: {  	_ =	shalt  }
0x5b: {  	_ =	shalt  }
0x5c: {  	_ =	shalt  }
0x5d: {  	_ =	shalt  }
0x5e: {  	_ =	shalt  }
0x5f: {  	_ =	shalt  }
0x60: {  	_ =	shalt  }
0x61: {  	_ =	shalt  }
0x62: {  	_ =	shalt  }
0x63: {  	_ =	shalt  }
0x64: {  	_ =	shalt  }
0x65: {  	_ =	shalt  }
0x66: {  	_ =	shalt  }
0x67: {  	_ =	shalt  }
0x68: {  	_ =	shalt  }
0x69: {  	_ =	shalt  }
0x6a: {  	_ =	shalt  }
0x6b: {  	_ =	shalt  }
0x6c: {  	_ =	shalt  }
0x6d: {  	_ =	shalt  }
0x6e: {  	_ =	shalt  }
0x6f: {  	_ =	shalt  }
0x70: {  	_ =	shalt  }
0x71: {  	_ =	shalt  }
0x72: {  	_ =	shalt  }
0x73: {  	_ =	shalt  }
0x74: {  	_ =	shalt  }
0x75: {  	_ =	shalt  }
0x76: {  	_ =	shalt  }
0x77: {  	_ =	shalt  }
0x78: {  	_ =	shalt  }
0x79: {  	_ =	shalt  }
0x7a: {  	_ =	shalt  }
0x7b: {  	_ =	shalt  }
0x7c: {  	_ =	shalt  }
0x7d: {  	_ =	shalt  }
0x7e: {  	_ =	shalt  }
0x7f: {  	_ =	shalt  }
0x80: {  	_ =	shalt  }
0x81: {  	_ =	shalt  }
0x82: {  	_ =	shalt  }
0x83: {  	_ =	shalt  }
0x84: {  	_ =	shalt  }
0x85: {  	_ =	shalt  }
0x86: {  	_ =	shalt  }
0x87: {  	_ =	shalt  }
.Lfunc_end0:
.L_simem_size_0:
called_computation_lowered:
.L_overlay_start_0:
0x88: {  	s2 =	sld [smem:$0x3FD9]  }
0x89: {  	s3 =	sld [smem:$0x3FFE];
	_ =	sdelay $0x1  }
0x8a: {  	s1 =	srdreg.scid  }
0x8b: {  	s0 =	sand.u32 $0x1, s1  }
0x8c: {  	s17 =	sshll.u32 s0, $0xA;
	s2 =	sadd.s32 s3, s2  }
0x8d: {  	s2 =	sadd.s32 s2, s17  }
0x8e: {  	[smem:$0x3FC0] =	sst s2  }
0x8f: {  	_ = 	snop  }
0x90: {  	s2 =	sld [smem:$0x3FC9]  }
0x91: {  	s18 =	sld [smem:$0x3FD0];
	(tm) =	ssettm $0x1  }
0x92: {  	s4 =	sld [smem:$0x3FFB];
	_ =	sdelay $0x3  }
0x93: {  	_ =	strace s4  }
0x94: {  	s4 =	sld [smem:$0x3FFC];
	_ =	sdelay $0x3  }
0x95: {  	_ =	strace s4  }
0x96: {  	s4 =	sld [smem:$0x3FFD];
	_ =	sdelay $0x3  }
0x97: {  	_ =	strace s4  }
0x98: {  	_ =	strace $0x8FFFFFFF  }
0x99: {  	s19 =	sld [smem:$0x3FDB];
	_ =	sdelay $0x1  }
0x9a: {  	s5 =	simm.s32 $_scs_section_size  }
0x9b: {  	s6 =	simm.s32 $_size__tile_overlayer_lowered;
	s7 =	simm.s32 $_tile_overlayer_lowered  }
0x9c: {  	s22 =	simm.s32 $0x1BFF;
	s21 =	sshll.u32 s7, $0x1;
	s4 =	sadd.s32 s5, s19  }
0x9d: {  	s8 =	simm.s32 $0x0;
	s20 =	sshll.u32 s6, $0x1;
	s6 =	sadd.s32 s21, s4  }
0x9e: {  	[timem:s8], [sflag:s22] =	dma.local [hbm:s6], s20  }
0x9f: {  	_ =	swait.ge [sflag:s22], s20  }
0xa0: {  	s5 =	ssub.s32 $0x0, s20;
	[sflag:s22] =	ssyncset.done $0x0  }
0xa1: {  	[sflag:s22] =	ssyncadd.s32 s5;
	_ =	sdelay $0x1  }
0xa2: {  	s23 =	simm.s32 $0x1B8B  }
0xa3: {  	_ =	swait.ge [sflag:s23], $0x1  }
0xa4: {  	[sflag:s23] =	ssyncset.done $0x0  }
0xa5: {  	s25 =	simm.s32 $0x1B8E;
	s24 =	sld [smem:$0x3FFE];
	[sflag:s23] =	ssyncadd.s32 $0xFFFFFFFF  }
0xa6: {  	s26 =	simm.s32 $execute0_lowered;
	[smem:$0x3FD2] =	sst s25  }
0xa7: {  	s6 =	sshll.u32 s26, $0x1;
	_ =	strace $0x80000046;
	[dreg:$0x1] =	wrdreg $0xFFFFFFFF  }
0xa8: {  	s28 =	simm.s32 $_size_execute0_lowered;
	s4 =	sadd.s32 s4, s6;
	[dreg:$0x0] =	wrdreg $0x0  }
0xa9: {  	s6 =	sshll.u32 s28, $0x1;
	[dreg:$0x2] =	wrdreg s4  }
0xaa: {  	[dreg:$0x3] =	wrdreg s6  }
0xab: {  	[dreg:$0x4] =	wrdreg $0xC0  }
0xac: {  	_ =	task [dreg:s8], $0x5FFFF  }
0xad: {  	[dreg:$0x1] =	wrdreg $0xFFFFFFFF  }
0xae: {  	[dreg:$0x0] =	wrdreg $0x60  }
0xaf: {  	[dreg:$0x2] =	wrdreg s2  }
0xb0: {  	[dreg:$0x3] =	wrdreg s24  }
0xb1: {  	[dreg:$0x4] =	wrdreg s18  }
0xb2: {  	[dreg:$0x5] =	wrdreg $0x14F000  }
0xb3: {  	[dreg:$0x6] =	wrdreg $0x1EFB00  }
0xb4: {  	[dreg:$0x7] =	wrdreg $0x9  }
0xb5: {  	_ =	task.clear_ibuf [dreg:s8], $0x8FFFF;
	_ =	strace $0x90000046  }
0xb6: {  	s29 =	simm.s32 $0x9;
	_ =	strace $0x80000048  }
0xb7: {  	_ =	swait.ge [sflag:s29], $0x1  }
0xb8: {  	[sflag:s29] =	ssyncadd.s32 $0xFFFFFFFF  }
0xb9: {  	_ =	strace $0x90000048  }
0xba: {  	_ =	sfence  }
0xbb: {  	s30 =	sld [smem:$0x0];
	_ =	sdelay $0x2  }
0xbc: {  	s31 =	sshll.u32 s1, $0xD;
	s1 =	sshrl.u32 s1, $0x2  }
0xbd: {  	s3 =	sand.u32 $0x4000, s31;
	s1 =	sadd.s32 s1, s30  }
0xbe: {  	s0 =	sor.u32 s3, s0;
	s1 =	sshll.u32 s1, $0x11  }
0xbf: {  	s0 =	sor.u32 s1, s0  }
0xc0: {  	s0 =	sadd.s32 $0x8F2B, s0  }
0xc1: {  	[sflag:s0] =	ssyncadd.remote.s32 $0x1  }
0xc2: {  	_ =	sfence.sel $0xFFFF  }
0xc3: {  	[dreg:$0x0] =	wrdreg $0xFFFFFFFF;
	(pc) =	sbr.abs _section_cstart, $3  }
0xc4: {  	[dreg:$0x1] =	wrdreg $0xFFFFFFFF  }
0xc5: {  	_ =	task.clear_ibuf [dreg:s8], $0x2FFFF;
	_ =	strace $0x9FFFFFFF  }
0xc6: {  	(tm) =	ssettm $0x7FFFFFFF  }
0xc7: {  	_ =	shalt  }
tec
execute0_lowered:
.L_overlay_start_1:
0x0: {  	(tag) =	ssettag $0x1  }
0x1: {  	s0 =	rddreg [dreg:$0x0]  }
0x2: {  	s2 =	rddreg [dreg:$0x1];
	s19 =	stileid.u32  }
0x3: {  	s5 =	rddreg [dreg:$0x2];
	s6 =	smul.u32 $0x3E8, s19  }
0x4: {  	s3 =	rddreg [dreg:$0x3];
	s10 =	smul.u32 $0x5000, s19  }
0x5: {  	s1 =	srdreg.scid;
	s26 =	smul.u32 $0x27100, s19  }
0x6: {  	s4 =	rddreg [dreg:$0x4];
	s8 =	simm.s32 $0x0;
	s12 =	smul.u32 $0x271, s19  }
0x7: {  	s1 =	sand.u32 $0x1, s1;
	[smem:$0x7FF] =	sst s8;
	s15 =	smul.u32 $0x13880, s19  }
0x8: {  	s11 =	sadd.s32 $0x3000, s2;
	p2 =	sgt.u32 s19, $0x9;
	s7 =	smul.u32 $0x2710, s1  }
0x9: {  	_ =	strace $0x80000047;
	s24 =	smul.u32 $0x50000, s1;
	s9 =	ssub.s32 $0x2, s1  }
0xa: {  	s16 =	sshll.u32 s1, $0x6;
	p1 =	seq.s32 s1, $0x0;
	s1 =	simm.s32 @!p2 $0x0  }
0xb: {  	s25 =	sshrl.u32 s9, $0x1;
	s13 =	sadd.s32 $0xC8, s12;
	s14 =	sadd.s32 $0x190, s12  }
0xc: {  	s12 =	sadd.s32 $0x258, s12;
	s15 =	sor.u32 s16, s15;
	s23 =	sadd.s32 s6, s4  }
0xd: {  	s1 =	simm.s32 @p2 $0x1;
	s7 =	sadd.s32 s6, s7;
	s8 =	sadd.s32 s10, s24  }
0xe: {  	s10 =	sshrl.u32 s10, $0x3;
	s31 =	sshll.u32 s13, $0x6;
	s17 =	sshll.u32 s14, $0x6  }
0xf: {  	s15 =	sshrl.u32 s15, $0x3;
	s13 =	sshll.u32 s13, $0x7;
	[dreg:$0x10] =	wrdreg s23  }
0x10: {  	s14 =	sshll.u32 s14, $0x7;
	s23 =	simm.s32 $0x1;
	[smem:$0x7FD] =	sst s1  }
0x11: {  	s7 =	sshrl.u32 s7, $0x3;
	s8 =	sshrl.u32 s8, $0x3;
	s30 =	sadd.s32 s11, s10  }
0x12: {  	s28 =	sadd.s32 s31, s3;
	s29 =	sadd.s32 s17, s3;
	s17 =	sshll.u32 s12, $0x6  }
0x13: {  	s20 =	sadd.s32 s5, s15;
	s13 =	sor.u32 s16, s13;
	s14 =	sor.u32 s16, s14  }
0x14: {  	s12 =	sshll.u32 s12, $0x7;
	s31 =	simm.s32 $0xDE80;
	s2 =	sadd.s32 s7, s2  }
0x15: {  	s7 =	ssub.s32 s9, s25;
	s8 =	sadd.s32 s11, s8;
	s9 =	sshrl.u32 s26, $0x2  }
0x16: {  	s17 =	sadd.s32 s17, s3;
	[dreg:$0xc] =	wrdreg s20;
	s13 =	sshrl.u32 s13, $0x3  }
0x17: {  	s14 =	sshrl.u32 s14, $0x3;
	s12 =	sor.u32 s16, s12;
	[dreg:$0x8] =	wrdreg s31  }
0x18: {  	s26 =	simm.s32 $0xFDC0;
	s20 =	simm.s32 $0x80;
	[dreg:$0x9] =	wrdreg s8  }
0x19: {  	s8 =	sadd.s32 $0x14000, s30;
	s24 =	sadd.s32 s9, s3;
	[dreg:$0x6] =	wrdreg s26  }
0x1a: {  	s21 =	sadd.s32 s5, s13;
	s22 =	sadd.s32 s5, s14;
	[dreg:$0xa] =	wrdreg s8  }
0x1b: {  	s12 =	sshrl.u32 s12, $0x3;
	s2 =	sadd.s32 $0x21000, s2;
	[dreg:$0xd] =	wrdreg s21  }
0x1c: {  	s25 =	smax.u32 s7, $0x1;
	s30 =	simm.s32 $0xA000;
	[dreg:$0xe] =	wrdreg s22  }
0x1d: {  	s26 =	simm.s32 $0x3;
	s8 =	smul.u32 $0xFA0, s19;
	[dreg:$0x11] =	wrdreg s2  }
0x1e: {  	s5 =	sadd.s32 s5, s12;
	[dreg:$0x12] =	wrdreg s25;
	s21 =	simm.s32 $0x11D00  }
0x1f: {  	s22 =	simm.s32 $0xA;
	[dreg:$0x7] =	wrdreg s30;
	s18 =	sshrl.u32 s8, $0x2  }
0x20: {  	s25 =	simm.s32 $0x7D;
	[dreg:$0xf] =	wrdreg s5;
	s18 =	sadd.s32 s18, s4  }
0x21: {  	v0 =	vimm.f32 $0.0e+00;
	v1 =	vimm.f32 $1.000000000e+00;
	s2 =	simm.s32 $0x9;
	s5 =	simm.s32 $0x0;
	[dreg:$0xb] =	wrdreg s18  }
.LBB2_1:
0x22: {  	s6 =	simm.s32 $0x0;
	s7 =	rddreg [dreg:$0x9]  }
0x23: {  	[tilespmem:s6], [sflag:$0x1] =	stream.linear.gather [hbm4b:s7+s6], $0x5000, $0x38;
	[tilespmem:$0x1F228] =	vst v63  }
0x24: {  	s31 =	rddreg [dreg:$0xa];
	s1 =	simm.s32 $0x5000  }
0x25: {  	[tilespmem:s1], [sflag:$0x2] =	stream.linear.gather [hbm4b:s31+s6], $0x5000, $0x38;
	[tilespmem:$0x1F228] =	vst v63  }
0x26: {  	s7 =	simm.s32 $0x100;
	s6 =	simm.s32 $0x0  }
.LBB2_2:
0x27: {  	p0 =	sne.s32 s7, $0xC700;
	[tilespmem:s6+$0x11D30] =	vst v0;
	s12 =	smov.u32 s7;
	s7 =	sadd.s32 $0x100, s7  }
.Ltmp0:
0x28: {  	[tilespmem:s6+$0x11D20] =	vst v0;
	(pc) =	sbr.rel @p0 .LBB2_2-.Ltmp0, $3  }
0x29: {  	[tilespmem:s6+$0x11D00] =	vst v0  }
0x2a: {  	[tilespmem:s6+$0x11D10] =	vst v0;
	_ =	sdelay $0x1  }
0x2b: {  	s6 =	sshra.s32 s12, $0x2  }
0x2c: {  	[tilespmem:s6+$0x11D30] =	vst v0  }
0x2d: {  	[tilespmem:s6+$0x11D20] =	vst v0  }
0x2e: {  	[tilespmem:s6+$0x11D00] =	vst v0  }
0x2f: {  	[tilespmem:s6+$0x11D10] =	vst v0  }
0x30: {  	[spmem:s24] =	stream.linear.scatter [tilespmem:s21], [sflag:$0xA], $0x3200, $0x38;
	[tilespmem:$0x1F228] =	vst v63  }
0x31: {  	_ =	swait.ge [sflag:s22], $0x3200  }
0x32: {  	[sflag:s22] =	ssyncset.done $0x0  }
0x33: {  	[sflag:s22] =	ssyncadd.s32 $0xFFFFCE00  }
0x34: {  	[spmem:s28] =	stream.linear.scatter [tilespmem:s21], [sflag:$0xA], $0x3200, $0x38;
	[tilespmem:$0x1F228] =	vst v63  }
0x35: {  	_ =	swait.ge [sflag:s22], $0x3200  }
0x36: {  	[sflag:s22] =	ssyncset.done $0x0  }
0x37: {  	[sflag:s22] =	ssyncadd.s32 $0xFFFFCE00  }
0x38: {  	[spmem:s29] =	stream.linear.scatter [tilespmem:s21], [sflag:$0xA], $0x3200, $0x38;
	[tilespmem:$0x1F228] =	vst v63  }
0x39: {  	_ =	swait.ge [sflag:s22], $0x3200  }
0x3a: {  	[sflag:s22] =	ssyncset.done $0x0  }
0x3b: {  	[sflag:s22] =	ssyncadd.s32 $0xFFFFCE00  }
0x3c: {  	[spmem:s17] =	stream.linear.scatter [tilespmem:s21], [sflag:$0xA], $0x640, $0x38;
	[tilespmem:$0x1F228] =	vst v63  }
0x3d: {  	_ =	swait.ge [sflag:s22], $0x640  }
0x3e: {  	[sflag:s22] =	ssyncset.done $0x0  }
0x3f: {  	[sflag:s22] =	ssyncadd.s32 $0xFFFFF9C0  }
0x40: {  	[tilespmem:$0x1EB40] =	vst v1  }
0x41: {  	[tilespmem:$0x1EB50] =	vst v1  }
0x42: {  	[tilespmem:$0x1EB60] =	vst v1  }
0x43: {  	[tilespmem:$0x1EB70] =	vst v1  }
0x44: {  	[tilespmem:$0x1EB80] =	vst v1  }
0x45: {  	[tilespmem:$0x1EB90] =	vst v1  }
0x46: {  	[tilespmem:$0x1EBA0] =	vst v1  }
0x47: {  	[tilespmem:$0x1EBB0] =	vst v1  }
0x48: {  	[tilespmem:$0x1EBC0] =	vst v0  }
0x49: {  	[tilespmem:$0x1EBD0] =	vst v0  }
0x4a: {  	[tilespmem:$0x1EBE0] =	vst v0  }
0x4b: {  	[tilespmem:$0x1EBF0] =	vst v0  }
0x4c: {  	[tilespmem:$0x1EC00] =	vst v0  }
0x4d: {  	[tilespmem:$0x1EC10] =	vst v0  }
0x4e: {  	[tilespmem:$0x1EC20] =	vst v0  }
0x4f: {  	[tilespmem:$0x1EC30] =	vst v0  }
0x50: {  	[tilespmem:$0x1EC40] =	vst v0  }
0x51: {  	[tilespmem:$0x1EC50] =	vst v0  }
0x52: {  	[tilespmem:$0x1EC60] =	vst v0  }
0x53: {  	[tilespmem:$0x1EC70] =	vst v0  }
0x54: {  	[tilespmem:$0x1EC80] =	vst v0  }
0x55: {  	[tilespmem:$0x1EC90] =	vst v0  }
0x56: {  	[tilespmem:$0x1ECA0] =	vst v0  }
0x57: {  	[tilespmem:$0x1ECB0] =	vst v0  }
0x58: {  	[tilespmem:$0x1ECC0] =	vst v0  }
0x59: {  	[tilespmem:$0x1ECD0] =	vst v0  }
0x5a: {  	[tilespmem:$0x1ECE0] =	vst v0  }
0x5b: {  	[tilespmem:$0x1ECF0] =	vst v0  }
0x5c: {  	[tilespmem:$0x1ED00] =	vst v0  }
0x5d: {  	[tilespmem:$0x1ED10] =	vst v0  }
0x5e: {  	[tilespmem:$0x1ED20] =	vst v0  }
0x5f: {  	[tilespmem:$0x1ED30] =	vst v0  }
0x60: {  	[tilespmem:$0x1ED40] =	vst v0  }
0x61: {  	[tilespmem:$0x1ED50] =	vst v0  }
0x62: {  	[tilespmem:$0x1ED60] =	vst v0  }
0x63: {  	[tilespmem:$0x1ED70] =	vst v0  }
0x64: {  	[tilespmem:$0x1ED80] =	vst v0  }
0x65: {  	[tilespmem:$0x1ED90] =	vst v0  }
0x66: {  	[tilespmem:$0x1EDA0] =	vst v0  }
0x67: {  	[tilespmem:$0x1EDB0] =	vst v0  }
0x68: {  	[tilespmem:$0x1EDC0] =	vst v0  }
0x69: {  	[tilespmem:$0x1EDD0] =	vst v0  }
0x6a: {  	[tilespmem:$0x1EDE0] =	vst v0  }
0x6b: {  	[tilespmem:$0x1EDF0] =	vst v0  }
0x6c: {  	[tilespmem:$0x1EE00] =	vst v0  }
0x6d: {  	[tilespmem:$0x1EE10] =	vst v0  }
0x6e: {  	[tilespmem:$0x1EE20] =	vst v0  }
0x6f: {  	[tilespmem:$0x1EE30] =	vst v0  }
0x70: {  	[tilespmem:$0x1EE40] =	vst v0  }
0x71: {  	[tilespmem:$0x1EE50] =	vst v0  }
0x72: {  	[tilespmem:$0x1EE60] =	vst v0  }
0x73: {  	[tilespmem:$0x1EE70] =	vst v0  }
0x74: {  	[tilespmem:$0x1EE80] =	vst v0  }
0x75: {  	[tilespmem:$0x1EE90] =	vst v0  }
0x76: {  	[tilespmem:$0x1EEA0] =	vst v0  }
0x77: {  	[tilespmem:$0x1EEB0] =	vst v0  }
0x78: {  	[tilespmem:$0x1EEC0] =	vst v0  }
0x79: {  	[tilespmem:$0x1EED0] =	vst v0  }
0x7a: {  	[tilespmem:$0x1EEE0] =	vst v0  }
0x7b: {  	[tilespmem:$0x1EEF0] =	vst v0  }
0x7c: {  	[tilespmem:$0x1EF00] =	vst v0  }
0x7d: {  	[tilespmem:$0x1EF10] =	vst v0  }
0x7e: {  	[tilespmem:$0x1EF20] =	vst v0  }
0x7f: {  	[tilespmem:$0x1EF30] =	vst v0  }
0x80: {  	[tilespmem:$0x1EF40] =	vst v0  }
0x81: {  	[tilespmem:$0x1EF50] =	vst v0  }
0x82: {  	[tilespmem:$0x1EF60] =	vst v0  }
0x83: {  	[tilespmem:$0x1EF70] =	vst v0  }
0x84: {  	[tilespmem:$0x1EF80] =	vst v0  }
0x85: {  	[tilespmem:$0x1EF90] =	vst v0  }
0x86: {  	s6 =	simm.s32 @!p2 $0x1EBC0;
	s7 =	rddreg [dreg:$0xb];
	[tilespmem:$0x1EFA0] =	vst v0  }
0x87: {  	[spmem:s7] =	stream.linear.scatter @!p2 [tilespmem:s6], [sflag:$0xA], $0x3E8, $0x38;
	[tilespmem:$0x1F228] =	vst v63  }
0x88: {  	s6 =	simm.s32 @!p2 $0xA  }
0x89: {  	_ =	swait.ge @!p2 [sflag:s6], $0x3E8  }
0x8a: {  	[sflag:s6] =	ssyncset.done @!p2 $0x0  }
0x8b: {  	[sflag:s6] =	ssyncadd.s32 @!p2 $0xFFFFFC18  }
0x8c: {  	_ =	swait.ge [sflag:s23], $0x5000  }
0x8d: {  	[sflag:s23] =	ssyncset.done $0x0  }
0x8e: {  	s11 =	smov.u32 s29;
	s29 =	simm.s32 $0x2;
	[sflag:s23] =	ssyncadd.s32 $0xFFFFB000  }
0x8f: {  	_ =	swait.ge [sflag:s29], $0x5000  }
0x90: {  	p2 =	por $0x0, $0x0;
	[sflag:s29] =	ssyncset.done $0x0  }
0x91: {  	p3 =	por p2, p2;
	[sflag:s29] =	ssyncadd.s32 $0xFFFFB000  }
0x92: {  	s6 =	simm.s32 @p3 $0x5;
	[bflag:$0x0] =	sbarrier.arrive $0xFFFF  }
0x93: {  	_ =	swait.ge @p3 [sflag:s6], $0x1F40  }
0x94: {  	s7 =	simm.s32 @p3 $0xA000;
	s12 =	simm.s32 @p3 $0x6;
	[sflag:s6] =	ssyncset.done @p3 $0x0  }
0x95: {  	s13 =	simm.s32 @p3 $0x7D;
	[sflag:s6] =	ssyncadd.s32 @p3 $0xFFFFE0C0;
	s6 =	simm.s32 @p3 $0x0  }
0x96: {  	[tilespmem:s7], [sflag:$0x1] =	stream.indirect.gather @p3 [hbm4b:s0+s13], $0x40, s6, s13, $0xb8;
	[tilespmem:$0x1F228] =	vst v63  }
0x97: {  	_ =	swait.ge @p3 [sflag:s12], $0x1F40  }
0x98: {  	s6 =	simm.s32 @p3 $0x7;
	[sflag:s12] =	ssyncset.done @p3 $0x0  }
0x99: {  	s7 =	simm.s32 @p3 $0x80;
	[sflag:s12] =	ssyncadd.s32 @p3 $0xFFFFE0C0;
	s12 =	simm.s32 @p3 $0xBF40  }
0x9a: {  	[tilespmem:s12], [sflag:$0x2] =	stream.indirect.gather @p3 [hbm4b:s0+s13], $0x40, s7, s13, $0xb8;
	[tilespmem:$0x1F228] =	vst v63  }
0x9b: {  	_ =	swait.ge @p3 [sflag:s6], $0x1F40  }
0x9c: {  	s7 =	simm.s32 $0x100;
	[sflag:s6] =	ssyncset.done @p3 $0x0  }
0x9d: {  	s12 =	simm.s32 @p3 $0x8;
	[sflag:s6] =	ssyncadd.s32 @p3 $0xFFFFE0C0;
	s6 =	simm.s32 @p3 $0xDE80  }
0x9e: {  	[tilespmem:s6], [sflag:$0x3] =	stream.indirect.gather @p3 [hbm4b:s0+s13], $0x40, s7, s13, $0xb8;
	[tilespmem:$0x1F228] =	vst v63  }
0x9f: {  	_ =	swait.ge @p3 [sflag:s12], $0x1F40  }
0xa0: {  	s6 =	simm.s32 @!p3 $0xA000;
	[sflag:s12] =	ssyncset.done @p3 $0x0  }
0xa1: {  	s13 =	simm.s32 @!p3 $0x0;
	[sflag:s12] =	ssyncadd.s32 @p3 $0xFFFFE0C0;
	s12 =	simm.s32 @!p3 $0x7D  }
0xa2: {  	[tilespmem:s6], [sflag:$0x1] =	stream.indirect.gather @!p3 [hbm4b:s0+s12], $0x40, s13, s12, $0xb8;
	[tilespmem:$0x1F228] =	vst v63  }
0xa3: {  	s7 =	simm.s32 @p2 $0x0;
	s6 =	simm.s32 @!p3 $0x80;
	s13 =	simm.s32 @!p3 $0xBF40  }
0xa4: {  	[tilespmem:s13], [sflag:$0x2] =	stream.indirect.gather @!p3 [hbm4b:s0+s12], $0x40, s6, s12, $0xb8;
	[tilespmem:$0x1F228] =	vst v63  }
0xa5: {  	s7 =	simm.s32 @!p2 $0x0;
	s6 =	simm.s32 @!p3 $0x100;
	s13 =	simm.s32 @!p3 $0xDE80  }
0xa6: {  	[tilespmem:s13], [sflag:$0x3] =	stream.indirect.gather @!p3 [hbm4b:s0+s12], $0x40, s6, s12, $0xb8;
	[tilespmem:$0x1F228] =	vst v63  }
0xa7: {  	s14 =	rddreg [dreg:$0x6];
	s12 =	sor.u32 $0x180, s7  }
0xa8: {  	[tilespmem:s14], [sflag:$0x4] =	stream.indirect.gather [hbm4b:s0+s25], $0x40, s12, s25, $0xb8;
	[tilespmem:$0x1F228] =	vst v63  }
0xa9: {  	p0 =	por $0x0, $0x0;
	s6 =	simm.s32 $0x1;
	s14 =	simm.s32 $0x1  }
0xaa: {  	s6 =	simm.s32 @!p1 $0x0;
	_ =	swait.ge [sflag:s23], $0x1F40;
	s14 =	simm.s32 @!p0 $0x0  }
0xab: {  	s7 =	sadd.s32 $0x5000, s7;
	[sflag:s23] =	ssyncset.done $0x0;
	p4 =	seq.s32 s6, s14  }
0xac: {  	s30 =	rddreg [dreg:$0x7];
	[sflag:s23] =	ssyncadd.s32 $0xFFFFE0C0;
	s13 =	simm.s32 @p4 $0x2  }
0xad: {  	[spmem:s3] =	stream.indirect.scatter.add.f32 [tilespmem:s30], [sflag:$0x5], $0x40, s7, s25, $0xb8;
	[tilespmem:$0x1F228] =	vst v63  }
0xae: {  	s1 =	smov.u32 s17;
	s14 =	simm.s32 @p2 $0x80;
	_ =	swait.ge @p4 [sflag:s13], $0x1F40  }
0xaf: {  	s14 =	simm.s32 @!p3 $0x80;
	s15 =	simm.s32 @p4 $0xBF40;
	[sflag:s13] =	ssyncset.done @p4 $0x0  }
0xb0: {  	s17 =	simm.s32 @p4 $0x7D;
	s16 =	sadd.s32 @p4 $0x5000, s14;
	[sflag:s13] =	ssyncadd.s32 @p4 $0xFFFFE0C0  }
0xb1: {  	[spmem:s3] =	stream.indirect.scatter.add.f32 @p4 [tilespmem:s15], [sflag:$0x6], $0x40, s16, s17, $0xb8;
	[tilespmem:$0x1F228] =	vst v63  }
0xb2: {  	s13 =	simm.s32 @!p4 $0x7D;
	s15 =	simm.s32 @!p4 $0x1EB40;
	s16 =	simm.s32 @!p4 $0x2  }
0xb3: {  	[spmem:s4] =	stream.indirect.scatter.add.f32 @!p4 [tilespmem:s15], [sflag:$0x9], $0x1, s7, s13, $0xb8;
	[tilespmem:$0x1F228] =	vst v63  }
0xb4: {  	_ =	swait.ge @!p4 [sflag:s16], $0x1F40  }
0xb5: {  	[sflag:s16] =	ssyncset.done @!p4 $0x0  }
0xb6: {  	s7 =	sadd.s32 @!p4 $0x5000, s14;
	s14 =	simm.s32 @!p4 $0xBF40;
	[sflag:s16] =	ssyncadd.s32 @!p4 $0xFFFFE0C0  }
0xb7: {  	[spmem:s3] =	stream.indirect.scatter.add.f32 @!p4 [tilespmem:s14], [sflag:$0x6], $0x40, s7, s13, $0xb8;
	[tilespmem:$0x1F228] =	vst v63  }
0xb8: {  	_ = 	snop  }
0xb9: {  	[spmem:s4] =	stream.indirect.scatter.add.f32 @!p4 [tilespmem:s15], [sflag:$0x9], $0x1, s7, s13, $0xb8;
	[tilespmem:$0x1F228] =	vst v63  }
0xba: {  	s9 =	smov.u32 s24;
	s10 =	smov.u32 s28;
	s7 =	simm.s32 $0x100  }
0xbb: {  	p4 =	por !p0, !p0;
	_ =	swait.ge [sflag:s26], $0x1F40;
	s7 =	simm.s32 @!p2 $0x100  }
0xbc: {  	p4 =	por @!p1 p0, p0;
	s31 =	rddreg [dreg:$0x8];
	[sflag:s26] =	ssyncset.done $0x0  }
0xbd: {  	s7 =	sadd.s32 $0x5000, s7;
	s14 =	simm.s32 @!p4 $0x4;
	[sflag:s26] =	ssyncadd.s32 $0xFFFFE0C0  }
0xbe: {  	[spmem:s3] =	stream.indirect.scatter.add.f32 [tilespmem:s31], [sflag:$0x7], $0x40, s7, s25, $0xb8;
	[tilespmem:$0x1F228] =	vst v63  }
0xbf: {  	p0 =	por $0x1, $0x1;
	s13 =	sadd.s32 @!p4 $0x5000, s12;
	_ =	swait.ge @!p4 [sflag:s14], $0x1F40  }
0xc0: {  	s15 =	simm.s32 @!p4 $0x7D;
	s16 =	simm.s32 @!p4 $0xFDC0;
	[sflag:s14] =	ssyncset.done @!p4 $0x0  }
0xc1: {  	s18 =	simm.s32 @p4 $0x7D;
	s24 =	simm.s32 @p4 $0x1EB40;
	[sflag:s14] =	ssyncadd.s32 @!p4 $0xFFFFE0C0  }
0xc2: {  	[spmem:s3] =	stream.indirect.scatter.add.f32 @!p4 [tilespmem:s16], [sflag:$0x8], $0x40, s13, s15, $0xb8;
	[tilespmem:$0x1F228] =	vst v63  }
0xc3: {  	s19 =	sadd.s32 @p4 $0x5000, s12;
	s12 =	simm.s32 @p4 $0xFDC0;
	s13 =	simm.s32 @p4 $0x4  }
0xc4: {  	[spmem:s4] =	stream.indirect.scatter.add.f32 @p4 [tilespmem:s24], [sflag:$0x9], $0x1, s7, s18, $0xb8;
	[tilespmem:$0x1F228] =	vst v63  }
0xc5: {  	p2 =	por p0, p0;
	s14 =	simm.s32 $0x1;
	_ =	swait.ge @p4 [sflag:s13], $0x1F40  }
0xc6: {  	s15 =	simm.s32 $0x300;
	s16 =	simm.s32 $0x500;
	[sflag:s13] =	ssyncset.done @p4 $0x0  }
0xc7: {  	s7 =	simm.s32 $0x300;
	[sflag:s13] =	ssyncadd.s32 @p4 $0xFFFFE0C0;
	s13 =	simm.s32 @p0 $0x200  }
0xc8: {  	[spmem:s3] =	stream.indirect.scatter.add.f32 @p4 [tilespmem:s12], [sflag:$0x8], $0x40, s19, s18, $0xb8;
	[tilespmem:$0x1F228] =	vst v63  }
0xc9: {  	s7 =	simm.s32 @!p0 $0x100;
	s12 =	simm.s32 @p0 $0x280;
	s13 =	simm.s32 @!p0 $0x0  }
.LBB2_4:
0xca: {  	s28 =	simm.s32 @p2 $0x5  }
0xcb: {  	[spmem:s4] =	stream.indirect.scatter.add.f32 @p4 [tilespmem:s24], [sflag:$0x9], $0x1, s19, s18, $0xb8;
	[tilespmem:$0x1F228] =	vst v63  }
0xcc: {  	_ =	swait.ge @p2 [sflag:s28], $0x1F40  }
0xcd: {  	s19 =	simm.s32 @p2 $0xA000;
	s29 =	simm.s32 @p2 $0x6;
	[sflag:s28] =	ssyncset.done @p2 $0x0  }
0xce: {  	s30 =	simm.s32 @p2 $0x7D;
	[sflag:s28] =	ssyncadd.s32 @p2 $0xFFFFE0C0;
	s28 =	sadd.s32 @p2 $0xFFFFFF00, s15  }
0xcf: {  	[tilespmem:s19], [sflag:$0x1] =	stream.indirect.gather @p2 [hbm4b:s0+s30], $0x40, s28, s30, $0xb8;
	[tilespmem:$0x1F228] =	vst v63  }
0xd0: {  	_ =	swait.ge @p2 [sflag:s29], $0x1F40  }
0xd1: {  	s19 =	simm.s32 @p2 $0x7;
	[sflag:s29] =	ssyncset.done @p2 $0x0  }
0xd2: {  	s28 =	sadd.s32 @p2 $0xFFFFFF80, s15;
	[sflag:s29] =	ssyncadd.s32 @p2 $0xFFFFE0C0;
	s29 =	simm.s32 @p2 $0xBF40  }
0xd3: {  	[tilespmem:s29], [sflag:$0x2] =	stream.indirect.gather @p2 [hbm4b:s0+s30], $0x40, s28, s30, $0xb8;
	[tilespmem:$0x1F228] =	vst v63  }
0xd4: {  	_ =	swait.ge @p2 [sflag:s19], $0x1F40  }
0xd5: {  	[sflag:s19] =	ssyncset.done @p2 $0x0  }
0xd6: {  	s28 =	simm.s32 @p2 $0x8;
	[sflag:s19] =	ssyncadd.s32 @p2 $0xFFFFE0C0;
	s19 =	simm.s32 @p2 $0xDE80  }
0xd7: {  	[tilespmem:s19], [sflag:$0x3] =	stream.indirect.gather @p2 [hbm4b:s0+s30], $0x40, s15, s30, $0xb8;
	[tilespmem:$0x1F228] =	vst v63  }
0xd8: {  	p5 =	sne.s32 s16, $0x100;
	_ =	swait.ge @p2 [sflag:s28], $0x1F40  }
0xd9: {  	s17 =	smov.u32 s16;
	s29 =	simm.s32 @!p2 $0x0;
	[sflag:s28] =	ssyncset.done @p2 $0x0  }
0xda: {  	s19 =	simm.s32 @!p2 $0xA000;
	[sflag:s28] =	ssyncadd.s32 @p2 $0xFFFFE0C0;
	s28 =	simm.s32 @!p2 $0x7D  }
0xdb: {  	[tilespmem:s19], [sflag:$0x1] =	stream.indirect.gather @!p2 [hbm4b:s0+s28], $0x40, s29, s28, $0xb8;
	[tilespmem:$0x1F228] =	vst v63  }
0xdc: {  	p6 =	sgt.u32 s14, $0x13;
	s19 =	simm.s32 @!p2 $0x80;
	s29 =	simm.s32 @!p2 $0xBF40  }
0xdd: {  	[tilespmem:s29], [sflag:$0x2] =	stream.indirect.gather @!p2 [hbm4b:s0+s28], $0x40, s19, s28, $0xb8;
	[tilespmem:$0x1F228] =	vst v63  }
0xde: {  	s24 =	sadd.s32 @p5 $0xFFFFFF00, s17;
	s19 =	simm.s32 @!p2 $0x100;
	s29 =	simm.s32 @!p2 $0xDE80  }
0xdf: {  	[tilespmem:s29], [sflag:$0x3] =	stream.indirect.gather @!p2 [hbm4b:s0+s28], $0x40, s19, s28, $0xb8;
	[tilespmem:$0x1F228] =	vst v63  }
0xe0: {  	s31 =	rddreg [dreg:$0x6];
	s19 =	sor.u32 $0x180, s13;
	s29 =	simm.s32 $0x1  }
0xe1: {  	[tilespmem:s31], [sflag:$0x4] =	stream.indirect.gather [hbm4b:s0+s25], $0x40, s19, s25, $0xb8;
	[tilespmem:$0x1F228] =	vst v63  }
0xe2: {  	s24 =	simm.s32 @!p5 $0x0;
	s29 =	simm.s32 @!p6 $0x0;
	_ =	swait.ge [sflag:s23], $0x1F40  }
0xe3: {  	s30 =	sadd.s32 $0x5000, s13;
	p0 =	seq.s32 s6, s29;
	[sflag:s23] =	ssyncset.done $0x0  }
0xe4: {  	s28 =	simm.s32 @p0 $0x2;
	s8 =	rddreg [dreg:$0x7];
	[sflag:s23] =	ssyncadd.s32 $0xFFFFE0C0  }
0xe5: {  	[spmem:s3] =	stream.indirect.scatter.add.f32 [tilespmem:s8], [sflag:$0x5], $0x40, s30, s25, $0xb8;
	[tilespmem:$0x1F228] =	vst v63  }
0xe6: {  	s13 =	smov.u32 s24;
	s24 =	smov.u32 s12;
	_ =	swait.ge @p0 [sflag:s28], $0x1F40  }
0xe7: {  	s24 =	simm.s32 @!p2 $0x80;
	s12 =	simm.s32 @p0 $0xBF40;
	[sflag:s28] =	ssyncset.done @p0 $0x0  }
0xe8: {  	s29 =	sadd.s32 @p0 $0x5000, s24;
	s31 =	simm.s32 @p0 $0x7D;
	[sflag:s28] =	ssyncadd.s32 @p0 $0xFFFFE0C0  }
0xe9: {  	[spmem:s3] =	stream.indirect.scatter.add.f32 @p0 [tilespmem:s12], [sflag:$0x6], $0x40, s29, s31, $0xb8;
	[tilespmem:$0x1F228] =	vst v63  }
0xea: {  	s8 =	simm.s32 @!p0 $0x1EB40;
	s28 =	simm.s32 @!p0 $0x7D;
	s29 =	simm.s32 @!p0 $0x2  }
0xeb: {  	[spmem:s4] =	stream.indirect.scatter.add.f32 @!p0 [tilespmem:s8], [sflag:$0x9], $0x1, s30, s28, $0xb8;
	[tilespmem:$0x1F228] =	vst v63  }
0xec: {  	s18 =	sadd.s32 @p5 $0xFFFFFF80, s17;
	_ =	swait.ge @!p0 [sflag:s29], $0x1F40  }
0xed: {  	s12 =	smov.u32 s18;
	[sflag:s29] =	ssyncset.done @!p0 $0x0  }
0xee: {  	s18 =	sadd.s32 @!p0 $0x5000, s24;
	s24 =	simm.s32 @!p0 $0xBF40;
	[sflag:s29] =	ssyncadd.s32 @!p0 $0xFFFFE0C0  }
0xef: {  	[spmem:s3] =	stream.indirect.scatter.add.f32 @!p0 [tilespmem:s24], [sflag:$0x6], $0x40, s18, s28, $0xb8;
	[tilespmem:$0x1F228] =	vst v63  }
0xf0: {  	_ = 	snop  }
0xf1: {  	[spmem:s4] =	stream.indirect.scatter.add.f32 @!p0 [tilespmem:s8], [sflag:$0x9], $0x1, s18, s28, $0xb8;
	[tilespmem:$0x1F228] =	vst v63  }
0xf2: {  	p4 =	por !p6, !p6;
	_ =	swait.ge [sflag:s26], $0x1F40  }
0xf3: {  	p4 =	por @!p1 p6, p6;
	s28 =	sadd.s32 $0x5000, s7;
	[sflag:s26] =	ssyncset.done $0x0  }
0xf4: {  	s18 =	simm.s32 @!p4 $0x4;
	s31 =	rddreg [dreg:$0x8];
	[sflag:s26] =	ssyncadd.s32 $0xFFFFE0C0  }
0xf5: {  	[spmem:s3] =	stream.indirect.scatter.add.f32 [tilespmem:s31], [sflag:$0x7], $0x40, s28, s25, $0xb8;
	[tilespmem:$0x1F228] =	vst v63  }
0xf6: {  	s16 =	sadd.s32 $0x200, s16;
	s17 =	simm.s32 @!p5 $0x100;
	_ =	swait.ge @!p4 [sflag:s18], $0x1F40  }
0xf7: {  	s29 =	sadd.s32 @!p4 $0x5000, s19;
	s7 =	smov.u32 s17;
	[sflag:s18] =	ssyncset.done @!p4 $0x0  }
0xf8: {  	s8 =	simm.s32 @!p4 $0x7D;
	s17 =	simm.s32 @!p4 $0xFDC0;
	[sflag:s18] =	ssyncadd.s32 @!p4 $0xFFFFE0C0  }
0xf9: {  	[spmem:s3] =	stream.indirect.scatter.add.f32 @!p4 [tilespmem:s17], [sflag:$0x8], $0x40, s29, s8, $0xb8;
	[tilespmem:$0x1F228] =	vst v63  }
0xfa: {  	p3 =	sne.s32 s16, $0x5100;
	s24 =	simm.s32 @p4 $0x1EB40;
	s18 =	simm.s32 @p4 $0x7D  }
0xfb: {  	[spmem:s4] =	stream.indirect.scatter.add.f32 @p4 [tilespmem:s24], [sflag:$0x9], $0x1, s28, s18, $0xb8;
	[tilespmem:$0x1F228] =	vst v63  }
.Ltmp1:
0xfc: {  	s8 =	simm.s32 @p4 $0x4;
	(pc) =	sbr.rel @p3 .LBB2_4-.Ltmp1, $4  }
0xfd: {  	s14 =	sadd.s32 $0x1, s14;
	_ =	swait.ge @p4 [sflag:s8], $0x1F40  }
0xfe: {  	s15 =	sadd.s32 $0x200, s15;
	p2 =	por p5, p5;
	[sflag:s8] =	ssyncset.done @p4 $0x0  }
0xff: {  	s19 =	sadd.s32 @p4 $0x5000, s19;
	s17 =	simm.s32 @p4 $0xFDC0;
	[sflag:s8] =	ssyncadd.s32 @p4 $0xFFFFE0C0  }
0x100: {  	[spmem:s3] =	stream.indirect.scatter.add.f32 @p4 [tilespmem:s17], [sflag:$0x8], $0x40, s19, s18, $0xb8;
	[tilespmem:$0x1F228] =	vst v63  }
0x101: {  	s8 =	simm.s32 @p2 $0x5  }
0x102: {  	[spmem:s4] =	stream.indirect.scatter.add.f32 @p4 [tilespmem:s24], [sflag:$0x9], $0x1, s19, s18, $0xb8;
	[tilespmem:$0x1F228] =	vst v63  }
0x103: {  	_ =	swait.ge @p2 [sflag:s8], $0x1F40  }
0x104: {  	s16 =	simm.s32 @p2 $0xA000;
	s17 =	simm.s32 @p2 $0x6;
	[sflag:s8] =	ssyncset.done @p2 $0x0  }
0x105: {  	s18 =	simm.s32 @p2 $0x7D;
	[sflag:s8] =	ssyncadd.s32 @p2 $0xFFFFE0C0;
	s8 =	sadd.s32 @p2 $0xFFFFFF00, s15  }
0x106: {  	[tilespmem:s16], [sflag:$0x1] =	stream.indirect.gather @p2 [hbm4b:s0+s18], $0x40, s8, s18, $0xb8;
	[tilespmem:$0x1F228] =	vst v63  }
0x107: {  	_ =	swait.ge @p2 [sflag:s17], $0x1F40  }
0x108: {  	s8 =	simm.s32 @p2 $0x7;
	[sflag:s17] =	ssyncset.done @p2 $0x0  }
0x109: {  	s16 =	sadd.s32 @p2 $0xFFFFFF80, s15;
	[sflag:s17] =	ssyncadd.s32 @p2 $0xFFFFE0C0;
	s17 =	simm.s32 @p2 $0xBF40  }
0x10a: {  	[tilespmem:s17], [sflag:$0x2] =	stream.indirect.gather @p2 [hbm4b:s0+s18], $0x40, s16, s18, $0xb8;
	[tilespmem:$0x1F228] =	vst v63  }
0x10b: {  	_ =	swait.ge @p2 [sflag:s8], $0x1F40  }
0x10c: {  	[sflag:s8] =	ssyncset.done @p2 $0x0  }
0x10d: {  	s16 =	simm.s32 @p2 $0x8;
	[sflag:s8] =	ssyncadd.s32 @p2 $0xFFFFE0C0;
	s8 =	simm.s32 @p2 $0xDE80  }
0x10e: {  	[tilespmem:s8], [sflag:$0x3] =	stream.indirect.gather @p2 [hbm4b:s0+s18], $0x40, s15, s18, $0xb8;
	[tilespmem:$0x1F228] =	vst v63  }
0x10f: {  	_ =	swait.ge @p2 [sflag:s16], $0x1F40  }
0x110: {  	s8 =	simm.s32 @!p2 $0xA000;
	[sflag:s16] =	ssyncset.done @p2 $0x0  }
0x111: {  	s15 =	simm.s32 @!p2 $0x7D;
	[sflag:s16] =	ssyncadd.s32 @p2 $0xFFFFE0C0;
	s16 =	simm.s32 @!p2 $0x0  }
0x112: {  	[tilespmem:s8], [sflag:$0x1] =	stream.indirect.gather @!p2 [hbm4b:s0+s15], $0x40, s16, s15, $0xb8;
	[tilespmem:$0x1F228] =	vst v63  }
0x113: {  	p0 =	sgt.u32 s14, $0x13;
	s8 =	simm.s32 @!p2 $0x80;
	s16 =	simm.s32 @!p2 $0xBF40  }
0x114: {  	[tilespmem:s16], [sflag:$0x2] =	stream.indirect.gather @!p2 [hbm4b:s0+s15], $0x40, s8, s15, $0xb8;
	[tilespmem:$0x1F228] =	vst v63  }
0x115: {  	s14 =	simm.s32 $0x1;
	s8 =	simm.s32 @!p2 $0x100;
	s16 =	simm.s32 @!p2 $0xDE80  }
0x116: {  	[tilespmem:s16], [sflag:$0x3] =	stream.indirect.gather @!p2 [hbm4b:s0+s15], $0x40, s8, s15, $0xb8;
	[tilespmem:$0x1F228] =	vst v63  }
0x117: {  	s14 =	simm.s32 @!p0 $0x0;
	s18 =	rddreg [dreg:$0x6];
	s8 =	sor.u32 $0x180, s13  }
0x118: {  	[tilespmem:s18], [sflag:$0x4] =	stream.indirect.gather [hbm4b:s0+s25], $0x40, s8, s25, $0xb8;
	[tilespmem:$0x1F228] =	vst v63  }
0x119: {  	p3 =	seq.s32 s6, s14;
	_ =	swait.ge [sflag:s23], $0x1F40  }
0x11a: {  	s6 =	simm.s32 @p3 $0x2;
	[sflag:s23] =	ssyncset.done $0x0  }
0x11b: {  	s13 =	sadd.s32 $0x5000, s13;
	s19 =	rddreg [dreg:$0x7];
	[sflag:s23] =	ssyncadd.s32 $0xFFFFE0C0  }
0x11c: {  	[spmem:s3] =	stream.indirect.scatter.add.f32 [tilespmem:s19], [sflag:$0x5], $0x40, s13, s25, $0xb8;
	[tilespmem:$0x1F228] =	vst v63  }
0x11d: {  	_ =	swait.ge @p3 [sflag:s6], $0x1F40  }
0x11e: {  	s12 =	simm.s32 @!p2 $0x80;
	s14 =	simm.s32 @p3 $0xBF40;
	[sflag:s6] =	ssyncset.done @p3 $0x0  }
0x11f: {  	s15 =	sadd.s32 @p3 $0x5000, s12;
	s16 =	simm.s32 @p3 $0x7D;
	[sflag:s6] =	ssyncadd.s32 @p3 $0xFFFFE0C0  }
0x120: {  	[spmem:s3] =	stream.indirect.scatter.add.f32 @p3 [tilespmem:s14], [sflag:$0x6], $0x40, s15, s16, $0xb8;
	[tilespmem:$0x1F228] =	vst v63  }
0x121: {  	s6 =	simm.s32 @!p3 $0x7D;
	s14 =	simm.s32 @!p3 $0x1EB40;
	s15 =	simm.s32 @!p3 $0x2  }
0x122: {  	[spmem:s4] =	stream.indirect.scatter.add.f32 @!p3 [tilespmem:s14], [sflag:$0x9], $0x1, s13, s6, $0xb8;
	[tilespmem:$0x1F228] =	vst v63  }
0x123: {  	_ =	swait.ge @!p3 [sflag:s15], $0x1F40  }
0x124: {  	[sflag:s15] =	ssyncset.done @!p3 $0x0  }
0x125: {  	s12 =	sadd.s32 @!p3 $0x5000, s12;
	s13 =	simm.s32 @!p3 $0xBF40;
	[sflag:s15] =	ssyncadd.s32 @!p3 $0xFFFFE0C0  }
0x126: {  	[spmem:s3] =	stream.indirect.scatter.add.f32 @!p3 [tilespmem:s13], [sflag:$0x6], $0x40, s12, s6, $0xb8;
	[tilespmem:$0x1F228] =	vst v63  }
0x127: {  	_ = 	snop  }
0x128: {  	[spmem:s4] =	stream.indirect.scatter.add.f32 @!p3 [tilespmem:s14], [sflag:$0x9], $0x1, s12, s6, $0xb8;
	[tilespmem:$0x1F228] =	vst v63  }
0x129: {  	p2 =	por !p0, !p0;
	_ =	swait.ge [sflag:s26], $0x1F40  }
0x12a: {  	s7 =	sadd.s32 $0x5000, s7;
	p2 =	por @!p1 p0, p0;
	[sflag:s26] =	ssyncset.done $0x0  }
0x12b: {  	s12 =	simm.s32 @!p2 $0x4;
	s24 =	rddreg [dreg:$0x8];
	[sflag:s26] =	ssyncadd.s32 $0xFFFFE0C0  }
0x12c: {  	[spmem:s3] =	stream.indirect.scatter.add.f32 [tilespmem:s24], [sflag:$0x7], $0x40, s7, s25, $0xb8;
	[tilespmem:$0x1F228] =	vst v63  }
0x12d: {  	_ =	swait.ge @!p2 [sflag:s12], $0x1F40  }
0x12e: {  	s13 =	simm.s32 @!p2 $0x7D;
	[sflag:s12] =	ssyncset.done @!p2 $0x0  }
0x12f: {  	s6 =	sadd.s32 @!p2 $0x5000, s8;
	s14 =	simm.s32 @!p2 $0xFDC0;
	[sflag:s12] =	ssyncadd.s32 @!p2 $0xFFFFE0C0  }
0x130: {  	[spmem:s3] =	stream.indirect.scatter.add.f32 @!p2 [tilespmem:s14], [sflag:$0x8], $0x40, s6, s13, $0xb8;
	[tilespmem:$0x1F228] =	vst v63  }
0x131: {  	s12 =	simm.s32 @p2 $0x1EB40;
	s6 =	simm.s32 @p2 $0x7D;
	s13 =	simm.s32 @p2 $0x4  }
0x132: {  	[spmem:s4] =	stream.indirect.scatter.add.f32 @p2 [tilespmem:s12], [sflag:$0x9], $0x1, s7, s6, $0xb8;
	[tilespmem:$0x1F228] =	vst v63  }
0x133: {  	_ =	swait.ge @p2 [sflag:s13], $0x1F40  }
0x134: {  	[sflag:s13] =	ssyncset.done @p2 $0x0  }
0x135: {  	s7 =	sadd.s32 @p2 $0x5000, s8;
	s8 =	simm.s32 @p2 $0xFDC0;
	[sflag:s13] =	ssyncadd.s32 @p2 $0xFFFFE0C0  }
0x136: {  	[spmem:s3] =	stream.indirect.scatter.add.f32 @p2 [tilespmem:s8], [sflag:$0x8], $0x40, s7, s6, $0xb8;
	[tilespmem:$0x1F228] =	vst v63  }
0x137: {  	s28 =	simm.s32 $0x5  }
0x138: {  	[spmem:s4] =	stream.indirect.scatter.add.f32 @p2 [tilespmem:s12], [sflag:$0x9], $0x1, s7, s6, $0xb8;
	[tilespmem:$0x1F228] =	vst v63  }
0x139: {  	_ =	swait.ge [sflag:s28], $0x1F40  }
0x13a: {  	[sflag:s28] =	ssyncset.done $0x0  }
0x13b: {  	s29 =	simm.s32 $0x6;
	[sflag:s28] =	ssyncadd.s32 $0xFFFFE0C0  }
0x13c: {  	_ =	swait.ge [sflag:s29], $0x1F40  }
0x13d: {  	[sflag:s29] =	ssyncset.done $0x0  }
0x13e: {  	s30 =	simm.s32 $0x7;
	[sflag:s29] =	ssyncadd.s32 $0xFFFFE0C0  }
0x13f: {  	_ =	swait.ge [sflag:s30], $0x1F40  }
0x140: {  	[sflag:s30] =	ssyncset.done $0x0  }
0x141: {  	s31 =	simm.s32 $0x8;
	[sflag:s30] =	ssyncadd.s32 $0xFFFFE0C0  }
0x142: {  	_ =	swait.ge [sflag:s31], $0x1F40  }
0x143: {  	[sflag:s31] =	ssyncset.done $0x0  }
0x144: {  	[sflag:s31] =	ssyncadd.s32 $0xFFFFE0C0  }
0x145: {  	_ =	swait.ge [sflag:s2], $0x7D  }
0x146: {  	s6 =	simm.s32 $0x4F;
	[sflag:s2] =	ssyncset.done $0x0  }
.LBB2_6:
0x147: {  	p0 =	sne.s32 s6, $0x1;
	s6 =	sadd.s32 $0xFFFFFFFF, s6;
	[sflag:s2] =	ssyncadd.s32 $0xFFFFFF83  }
.Ltmp2:
0x148: {  	(pc) =	sbr.rel @p0 .LBB2_6-.Ltmp2, $3  }
0x149: {  	_ =	sdelay $0x1  }
0x14a: {  	_ =	swait.ge [sflag:s2], $0x7D  }
0x14b: {  	[sflag:s2] =	ssyncset.done $0x0  }
0x14c: {  	[sflag:s2] =	ssyncadd.s32 $0xFFFFFF83  }
0x14d: {  	[bflag:$0x0] =	sbarrier.arrive $0xFFFF  }
0x14e: {  	[tilespmem:s21], [sflag:$0xA] =	stream.linear.gather [spmem:s9], $0x3200, $0x38;
	[tilespmem:$0x1F228] =	vst v63  }
0x14f: {  	_ =	swait.ge [sflag:s22], $0x3200  }
0x150: {  	[sflag:s22] =	ssyncset.done $0x0  }
0x151: {  	s7 =	simm.s32 $0x40;
	s6 =	rddreg [dreg:$0xc];
	[sflag:s22] =	ssyncadd.s32 $0xFFFFCE00  }
0x152: {  	[hbm4b:s6+s7] =	stream.strided.scatter [tilespmem:s21], [sflag:$0xA], $0x3200, s20, s7, $0x38;
	[tilespmem:$0x1F228] =	vst v63  }
0x153: {  	_ =	swait.ge [sflag:s22], $0x3200  }
0x154: {  	[sflag:s22] =	ssyncset.done $0x0  }
0x155: {  	[sflag:s22] =	ssyncadd.s32 $0xFFFFCE00  }
0x156: {  	[tilespmem:s21], [sflag:$0xA] =	stream.linear.gather [spmem:s10], $0x3200, $0x38;
	[tilespmem:$0x1F228] =	vst v63  }
0x157: {  	_ =	swait.ge [sflag:s22], $0x3200  }
0x158: {  	[sflag:s22] =	ssyncset.done $0x0  }
0x159: {  	s17 =	rddreg [dreg:$0xd];
	[sflag:s22] =	ssyncadd.s32 $0xFFFFCE00  }
0x15a: {  	[hbm4b:s17+s7] =	stream.strided.scatter [tilespmem:s21], [sflag:$0xA], $0x3200, s20, s7, $0x38;
	[tilespmem:$0x1F228] =	vst v63  }
0x15b: {  	_ =	swait.ge [sflag:s22], $0x3200  }
0x15c: {  	[sflag:s22] =	ssyncset.done $0x0  }
0x15d: {  	[sflag:s22] =	ssyncadd.s32 $0xFFFFCE00  }
0x15e: {  	[tilespmem:s21], [sflag:$0xA] =	stream.linear.gather [spmem:s11], $0x3200, $0x38;
	[tilespmem:$0x1F228] =	vst v63  }
0x15f: {  	_ =	swait.ge [sflag:s22], $0x3200  }
0x160: {  	[sflag:s22] =	ssyncset.done $0x0  }
0x161: {  	s18 =	rddreg [dreg:$0xe];
	[sflag:s22] =	ssyncadd.s32 $0xFFFFCE00  }
0x162: {  	[hbm4b:s18+s7] =	stream.strided.scatter [tilespmem:s21], [sflag:$0xA], $0x3200, s20, s7, $0x38;
	[tilespmem:$0x1F228] =	vst v63  }
0x163: {  	_ =	swait.ge [sflag:s22], $0x3200  }
0x164: {  	[sflag:s22] =	ssyncset.done $0x0  }
0x165: {  	[sflag:s22] =	ssyncadd.s32 $0xFFFFCE00  }
0x166: {  	[tilespmem:s21], [sflag:$0xA] =	stream.linear.gather [spmem:s1], $0x640, $0x38;
	[tilespmem:$0x1F228] =	vst v63  }
0x167: {  	_ =	swait.ge [sflag:s22], $0x640  }
0x168: {  	[sflag:s22] =	ssyncset.done $0x0  }
0x169: {  	s19 =	rddreg [dreg:$0xf];
	[sflag:s22] =	ssyncadd.s32 $0xFFFFF9C0  }
0x16a: {  	[hbm4b:s19+s7] =	stream.strided.scatter [tilespmem:s21], [sflag:$0xA], $0x640, s20, s7, $0x38;
	[tilespmem:$0x1F228] =	vst v63  }
0x16b: {  	_ =	swait.ge [sflag:s22], $0x640  }
0x16c: {  	s30 =	sld [smem:$0x7FD];
	_ =	sdelay $0x1  }
0x16d: {  	s17 =	smov.u32 s1  }
0x16e: {  	[sflag:s22] =	ssyncset.done $0x0;
	s1 =	rddreg [dreg:$0x10];
	p2 =	seq.s32 s30, $0x1  }
0x16f: {  	[sflag:s22] =	ssyncadd.s32 $0xFFFFF9C0;
	s6 =	simm.s32 @!p2 $0x1EBC0;
	s7 =	simm.s32 @!p2 $0xA  }
0x170: {  	[tilespmem:s6], [sflag:$0xA] =	stream.linear.gather @!p2 [spmem:s1], $0x3E8, $0x38;
	[tilespmem:$0x1F228] =	vst v63  }
0x171: {  	_ =	swait.ge @!p2 [sflag:s7], $0x3E8  }
0x172: {  	[sflag:s7] =	ssyncset.done @!p2 $0x0  }
0x173: {  	s8 =	simm.s32 @!p2 $0x0;
	s1 =	rddreg [dreg:$0x11];
	[sflag:s7] =	ssyncadd.s32 @!p2 $0xFFFFFC18  }
0x174: {  	[hbm4b:s1+s8] =	stream.linear.scatter @!p2 [tilespmem:s6], [sflag:$0xA], $0x3E8, $0x38;
	[tilespmem:$0x1F228] =	vst v63  }
0x175: {  	_ =	swait.ge @!p2 [sflag:s7], $0x3E8  }
0x176: {  	s5 =	sadd.s32 $0x1, s5;
	s31 =	rddreg [dreg:$0x12]  }
0x177: {  	p0 =	sne.s32 s5, s31  }
.Ltmp3:
0x178: {  	_ = 	snop;
	(pc) =	sbr.rel @p0 .LBB2_1-.Ltmp3, $3  }
0x179: {  	_ =	sdelay $0x1  }
0x17a: {  	s24 =	smov.u32 s9;
	[sflag:s7] =	ssyncset.done @!p2 $0x0  }
0x17b: {  	s28 =	smov.u32 s10;
	s29 =	smov.u32 s11;
	[sflag:s7] =	ssyncadd.s32 @!p2 $0xFFFFFC18  }
0x17c: {  	_ =	sfence.sel $0x180000  }
0x17d: {  	[bflag:$0x0] =	sbarrier.arrive $0xFFFF  }
0x17e: {  	_ =	strace $0x90000047  }
0x17f: {  	s0 =	stileid.u32;
	[bflag:$0x2] =	sbarrier.arrive $0xFFFF  }
0x180: {  	p0 =	sne.s32 s0, $0x0;
	s0 =	rddreg [dreg:$0x5]  }
0x181: {  	s0 =	sadd.s32 @!p0 $0x100000, s0  }
0x182: {  	[sflag:s0] =	ssyncadd.tile.s32 @!p0 $0x1;
	_ =	shalt  }
.Lfunc_end2:
_tile_overlayer_lowered:
.L_overlay_start_2:
0x183: {  	(tag) =	ssettag $0x2  }
0x184: {  	s0 =	rddreg [dreg:$0x0];
	s2 =	stileid.u32  }
0x185: {  	s1 =	rddreg [dreg:$0x1];
	p0 =	sne.s32 s2, $0x0  }
0x186: {  	s3 =	rddreg [dreg:$0x2];
	[bflag:$0x3] =	sbarrier.arrive $0xFFFF;
	s2 =	simm.s32 @!p0 $0x1C0A  }
0x187: {  	[timem:s3], [sflag:s2] =	dma.local @!p0 [hbm:s0], s1  }
0x188: {  	s0 =	simm.s32 @!p0 $0xA  }
0x189: {  	_ =	swait.ge @!p0 [sflag:s0], s1  }
0x18a: {  	s1 =	ssub.s32 @!p0 $0x0, s1;
	[sflag:s0] =	ssyncset.done @!p0 $0x0  }
0x18b: {  	[sflag:s0] =	ssyncadd.s32 @!p0 s1  }
0x18c: {  	[bflag:$0x3] =	sbarrier.arrive $0xFFFF  }
0x18d: {  	_ =	shalt  }

// kernel: kernel.9.cloned.1.call-start
scs
__scs_entry_jumppad:
0x0: {  	(pc) =	sbr.rel $0x88, $3  }
0x1: {  	(tag) =	ssettag $0x0;
	lr =	simm.s32 $0x1  }
0x2: {  	[smem:$0x3F99] =	sst lr;
	_ =	strace $0xD0000000  }
0x3: {  	_ = 	snop  }
0x4: {  	_ = 	snop  }
0x5: {  	_ = 	snop  }
0x6: {  	_ = 	snop  }
0x7: {  	_ = 	snop  }
__scs_overlays_trampoline_lowered:
0x8: {  	[smem:$0x3FA8] =	sst s0  }
0x9: {  	[smem:$0x3FA9] =	sst s1  }
0xa: {  	[smem:$0x3FAA] =	sst s2  }
0xb: {  	[smem:$0x3FAB] =	sst s3  }
0xc: {  	[smem:$0x3FAC] =	sst s4  }
0xd: {  	[smem:$0x3FAD] =	sst s5  }
0xe: {  	[smem:$0x3FAE] =	sst s6  }
0xf: {  	[smem:$0x3FAF] =	sst s7  }
0x10: {  	[smem:$0x3FB0] =	sst s8  }
0x11: {  	[smem:$0x3FB1] =	sst s9;
	s0 =	simm.s32 @!p0 $0x0  }
0x12: {  	s1 =	sld [smem:$0x3F97];
	s0 =	simm.s32 @p0 $0x1  }
0x13: {  	[smem:$0x3FB2] =	sst s0;
	s0 =	simm.s32 @!p1 $0x0  }
0x14: {  	s2 =	sld [smem:$0x3F96];
	s0 =	simm.s32 @p1 $0x1  }
0x15: {  	[smem:$0x3FB3] =	sst s0;
	s0 =	simm.s32 @!p2 $0x0  }
0x16: {  	s3 =	sld [smem:$0x3FDB];
	s0 =	simm.s32 @p2 $0x1  }
0x17: {  	s4 =	simm.s32 $0x1BF5;
	[smem:$0x3FB5] =	sst s0  }
0x18: {  	s0 =	sld [smem:$0x3F98];
	_ =	swait.ge [sflag:s4], $0x0  }
0x19: {  	s7 =	sld [smem:$0x3F99]  }
0x1a: {  	s8 =	sadd.s32 $0xFFFFE003, lr  }
0x1b: {  	s9 =	sadd.s32 $0xFFFFFEF7, lr;
	s5 =	simm.s32 $0xFFFFFFFF;
	p2 =	slt.u32 s8, $0xFFFFF086  }
0x1c: {  	p1 =	slt.u32 s9, $0xF7A;
	s5 =	simm.s32 @!p2 $0x0  }
0x1d: {  	s5 =	simm.s32 @p1 $0x1;
	p0 =	seq.s32 s7, s2  }
0x1e: {  	s7 =	smul.u32 @!p0 $0xF7A, s2;
	p2 =	seq.s32 @!p0 s5, $0x0  }
0x1f: {  	s9 =	smul.u32 $0xF7A, s1;
	s8 =	simm.s32 @!p0 $0x1BF5;
	p2 =	por !p2, p0  }
0x20: {  	[sflag:s8] =	ssyncset.s32 @!p0 $0xFFFFF086;
	s6 =	sadd.s32 @!p0 s3, s7;
	s7 =	simm.s32 @!p0 $0x108  }
0x21: {  	s3 =	sadd.s32 s3, s9;
	s6 =	sadd.s32 @!p0 $0x88, s6;
	s7 =	simm.s32 @p2 $0x1082  }
0x22: {  	[simem:s7], [sflag:s8] =	dma.local @!p0 [hbm:s6], $0xF7A  }
0x23: {  	s9 =	sor.u32 $0xD0000000, s2;
	s6 =	simm.s32 $0x108;
	_ =	swait.ge @!p0 [sflag:s8], $0x0  }
0x24: {  	s3 =	sadd.s32 $0x88, s3;
	s6 =	simm.s32 @!p1 $0x1082;
	[sflag:s4] =	ssyncset.s32 $0xFFFFF086  }
0x25: {  	[simem:s6], [sflag:s4] =	dma.local [hbm:s3], $0xF7A  }
0x26: {  	[smem:$0x3F99] =	sst s1;
	(tag) =	ssettag s2;
	_ =	strace s9  }
0x27: {  	s1 =	sld [smem:$0x3FA9]  }
0x28: {  	s2 =	sld [smem:$0x3FAA]  }
0x29: {  	s4 =	sld [smem:$0x3FAC]  }
0x2a: {  	p0 =	seq.s32 s5, $0x0;
	s5 =	sld [smem:$0x3FAD]  }
0x2b: {  	s6 =	sld [smem:$0x3FAE]  }
0x2c: {  	s7 =	sld [smem:$0x3FAF]  }
0x2d: {  	s3 =	simm.s32 $0x108;
	s8 =	sld [smem:$0x3FB0]  }
0x2e: {  	s3 =	simm.s32 @!p0 $0x1082;
	s9 =	sld [smem:$0x3FB1]  }
0x2f: {  	lr =	sadd.s32 s0, s3;
	s0 =	sld [smem:$0x3FA8]  }
0x30: {  	s3 =	sld [smem:$0x3FAB]  }
0x31: {  	[smem:$0x3FB4] =	sst s10  }
0x32: {  	s10 =	sld [smem:$0x3FB2];
	_ =	sdelay $0x3  }
0x33: {  	p0 =	seq.s32 s10, $0x1;
	s10 =	sld [smem:$0x3FB4];
	_ =	sdelay $0x3  }
0x34: {  	[smem:$0x3FB4] =	sst s10  }
0x35: {  	s10 =	sld [smem:$0x3FB3];
	_ =	sdelay $0x3  }
0x36: {  	p1 =	seq.s32 s10, $0x1;
	s10 =	sld [smem:$0x3FB4];
	_ =	sdelay $0x3  }
0x37: {  	[smem:$0x3FB4] =	sst s10  }
0x38: {  	s10 =	sld [smem:$0x3FB5]  }
0x39: {  	_ = 	snop;
	(pc) =	sbr.ind lr, $3  }
0x3a: {  	_ = 	snop  }
0x3b: {  	_ = 	snop  }
0x3c: {  	p2 =	seq.s32 s10, $0x1;
	s10 =	sld [smem:$0x3FB4]  }
0x3d: {  	_ =	shalt  }
0x3e: {  	_ =	shalt  }
0x3f: {  	_ =	shalt  }
0x40: {  	_ =	shalt  }
0x41: {  	_ =	shalt  }
0x42: {  	_ =	shalt  }
0x43: {  	_ =	shalt  }
0x44: {  	_ =	shalt  }
0x45: {  	_ =	shalt  }
0x46: {  	_ =	shalt  }
0x47: {  	_ =	shalt  }
0x48: {  	_ =	shalt  }
0x49: {  	_ =	shalt  }
0x4a: {  	_ =	shalt  }
0x4b: {  	_ =	shalt  }
0x4c: {  	_ =	shalt  }
0x4d: {  	_ =	shalt  }
0x4e: {  	_ =	shalt  }
0x4f: {  	_ =	shalt  }
0x50: {  	_ =	shalt  }
0x51: {  	_ =	shalt  }
0x52: {  	_ =	shalt  }
0x53: {  	_ =	shalt  }
0x54: {  	_ =	shalt  }
0x55: {  	_ =	shalt  }
0x56: {  	_ =	shalt  }
0x57: {  	_ =	shalt  }
0x58: {  	_ =	shalt  }
0x59: {  	_ =	shalt  }
0x5a: {  	_ =	shalt  }
0x5b: {  	_ =	shalt  }
0x5c: {  	_ =	shalt  }
0x5d: {  	_ =	shalt  }
0x5e: {  	_ =	shalt  }
0x5f: {  	_ =	shalt  }
0x60: {  	_ =	shalt  }
0x61: {  	_ =	shalt  }
0x62: {  	_ =	shalt  }
0x63: {  	_ =	shalt  }
0x64: {  	_ =	shalt  }
0x65: {  	_ =	shalt  }
0x66: {  	_ =	shalt  }
0x67: {  	_ =	shalt  }
0x68: {  	_ =	shalt  }
0x69: {  	_ =	shalt  }
0x6a: {  	_ =	shalt  }
0x6b: {  	_ =	shalt  }
0x6c: {  	_ =	shalt  }
0x6d: {  	_ =	shalt  }
0x6e: {  	_ =	shalt  }
0x6f: {  	_ =	shalt  }
0x70: {  	_ =	shalt  }
0x71: {  	_ =	shalt  }
0x72: {  	_ =	shalt  }
0x73: {  	_ =	shalt  }
0x74: {  	_ =	shalt  }
0x75: {  	_ =	shalt  }
0x76: {  	_ =	shalt  }
0x77: {  	_ =	shalt  }
0x78: {  	_ =	shalt  }
0x79: {  	_ =	shalt  }
0x7a: {  	_ =	shalt  }
0x7b: {  	_ =	shalt  }
0x7c: {  	_ =	shalt  }
0x7d: {  	_ =	shalt  }
0x7e: {  	_ =	shalt  }
0x7f: {  	_ =	shalt  }
0x80: {  	_ =	shalt  }
0x81: {  	_ =	shalt  }
0x82: {  	_ =	shalt  }
0x83: {  	_ =	shalt  }
0x84: {  	_ =	shalt  }
0x85: {  	_ =	shalt  }
0x86: {  	_ =	shalt  }
0x87: {  	_ =	shalt  }
.Lfunc_end0:
.L_simem_size_0:
called_computation.1_lowered:
.L_overlay_start_0:
0x88: {  	s2 =	sld [smem:$0x3FD9]  }
0x89: {  	s3 =	sld [smem:$0x3FFE];
	_ =	sdelay $0x1  }
0x8a: {  	s1 =	srdreg.scid  }
0x8b: {  	s0 =	sand.u32 $0x1, s1  }
0x8c: {  	s17 =	sshll.u32 s0, $0xA;
	s2 =	sadd.s32 s3, s2  }
0x8d: {  	s2 =	sadd.s32 s2, s17  }
0x8e: {  	[smem:$0x3FC0] =	sst s2  }
0x8f: {  	_ = 	snop  }
0x90: {  	s2 =	sld [smem:$0x3FD0];
	(tm) =	ssettm $0x1  }
0x91: {  	s18 =	sld [smem:$0x3FFB];
	_ =	sdelay $0x3  }
0x92: {  	_ =	strace s18  }
0x93: {  	s3 =	sld [smem:$0x3FFC];
	_ =	sdelay $0x3  }
0x94: {  	_ =	strace s3  }
0x95: {  	s3 =	sld [smem:$0x3FFD];
	_ =	sdelay $0x3  }
0x96: {  	_ =	strace s3  }
0x97: {  	_ =	strace $0x8FFFFFFF  }
0x98: {  	s19 =	sld [smem:$0x3FDB];
	_ =	sdelay $0x1  }
0x99: {  	s4 =	simm.s32 $_scs_section_size  }
0x9a: {  	s5 =	simm.s32 $_size__tile_overlayer_lowered;
	s6 =	simm.s32 $_tile_overlayer_lowered  }
0x9b: {  	s22 =	simm.s32 $0x1BFF;
	s21 =	sshll.u32 s6, $0x1;
	s3 =	sadd.s32 s4, s19  }
0x9c: {  	s7 =	simm.s32 $0x0;
	s20 =	sshll.u32 s5, $0x1;
	s5 =	sadd.s32 s21, s3  }
0x9d: {  	[timem:s7], [sflag:s22] =	dma.local [hbm:s5], s20  }
0x9e: {  	_ =	swait.ge [sflag:s22], s20  }
0x9f: {  	s4 =	ssub.s32 $0x0, s20;
	[sflag:s22] =	ssyncset.done $0x0  }
0xa0: {  	[sflag:s22] =	ssyncadd.s32 s4;
	_ =	sdelay $0x1  }
0xa1: {  	s23 =	simm.s32 $0x1B8B  }
0xa2: {  	_ =	swait.ge [sflag:s23], $0x1  }
0xa3: {  	[sflag:s23] =	ssyncset.done $0x0  }
0xa4: {  	s25 =	simm.s32 $0x1B8E;
	s24 =	sld [smem:$0x3FFE];
	[sflag:s23] =	ssyncadd.s32 $0xFFFFFFFF  }
0xa5: {  	s26 =	simm.s32 $execute0_lowered;
	[smem:$0x3FD2] =	sst s25  }
0xa6: {  	s5 =	sshll.u32 s26, $0x1;
	_ =	strace $0x80000049;
	[dreg:$0x1] =	wrdreg $0xFFFFFFFF  }
0xa7: {  	s28 =	simm.s32 $_size_execute0_lowered;
	s3 =	sadd.s32 s3, s5;
	[dreg:$0x0] =	wrdreg $0x0  }
0xa8: {  	s5 =	sshll.u32 s28, $0x1;
	[dreg:$0x2] =	wrdreg s3  }
0xa9: {  	[dreg:$0x3] =	wrdreg s5  }
0xaa: {  	[dreg:$0x4] =	wrdreg $0xC0  }
0xab: {  	_ =	task [dreg:s7], $0x5FFFF  }
0xac: {  	[dreg:$0x1] =	wrdreg $0xFFFFFFFF  }
0xad: {  	[dreg:$0x0] =	wrdreg $0x60  }
0xae: {  	[dreg:$0x2] =	wrdreg s2  }
0xaf: {  	[dreg:$0x3] =	wrdreg s24  }
0xb0: {  	[dreg:$0x4] =	wrdreg $0x14F000  }
0xb1: {  	[dreg:$0x5] =	wrdreg $0x9  }
0xb2: {  	_ =	task.clear_ibuf [dreg:s7], $0x6FFFF;
	_ =	strace $0x90000049  }
0xb3: {  	s29 =	simm.s32 $0x9;
	_ =	strace $0x8000004B  }
0xb4: {  	_ =	swait.ge [sflag:s29], $0x1  }
0xb5: {  	[sflag:s29] =	ssyncadd.s32 $0xFFFFFFFF  }
0xb6: {  	_ =	strace $0x9000004B  }
0xb7: {  	_ =	sfence  }
0xb8: {  	s30 =	sld [smem:$0x0];
	_ =	sdelay $0x2  }
0xb9: {  	s31 =	sshll.u32 s1, $0xD;
	s1 =	sshrl.u32 s1, $0x2  }
0xba: {  	s3 =	sand.u32 $0x4000, s31;
	s1 =	sadd.s32 s1, s30  }
0xbb: {  	s0 =	sor.u32 s3, s0;
	s1 =	sshll.u32 s1, $0x11  }
0xbc: {  	s0 =	sor.u32 s1, s0  }
0xbd: {  	s0 =	sadd.s32 $0x8F2B, s0  }
0xbe: {  	[sflag:s0] =	ssyncadd.remote.s32 $0x1  }
0xbf: {  	_ =	sfence.sel $0xFFFF  }
0xc0: {  	[dreg:$0x0] =	wrdreg $0xFFFFFFFF;
	(pc) =	sbr.abs _section_cstart, $3  }
0xc1: {  	[dreg:$0x1] =	wrdreg $0xFFFFFFFF  }
0xc2: {  	_ =	task.clear_ibuf [dreg:s7], $0x2FFFF;
	_ =	strace $0x9FFFFFFF  }
0xc3: {  	(tm) =	ssettm $0x7FFFFFFF  }
tec
execute0_lowered:
.L_overlay_start_1:
0x0: {  	(tag) =	ssettag $0x1  }
0x1: {  	s1 =	rddreg [dreg:$0x0]  }
0x2: {  	s0 =	rddreg [dreg:$0x1]  }
0x3: {  	s2 =	rddreg [dreg:$0x2];
	s12 =	stileid.u32  }
0x4: {  	s4 =	simm.s32 $0x0;
	s3 =	srdreg.scid;
	s5 =	smul.u32 $0x5000, s12  }
0x5: {  	s29 =	simm.s32 $0xFDC0;
	s31 =	simm.s32 $0x3;
	s9 =	smul.u32 $0x271, s12  }
0x6: {  	s28 =	simm.s32 $0x5;
	s30 =	simm.s32 $0x6;
	s10 =	smul.u32 $0x27100, s12  }
0x7: {  	[smem:$0x7FF] =	sst s4;
	s3 =	sand.u32 $0x1, s3;
	s21 =	smul.u32 $0x13880, s12  }
0x8: {  	s6 =	sadd.s32 $0x3000, s0;
	s0 =	sadd.s32 $0x21000, s0;
	s16 =	smul.u32 $0x50000, s3  }
0x9: {  	_ =	strace $0x8000004A;
	s7 =	ssub.s32 $0x2, s3;
	s3 =	sshll.u32 s3, $0x6  }
0xa: {  	s8 =	sshrl.u32 s7, $0x1;
	s18 =	sshrl.u32 s10, $0x2;
	s19 =	sadd.s32 $0xC8, s9  }
0xb: {  	s22 =	sadd.s32 $0x190, s9;
	s24 =	sadd.s32 $0x258, s9;
	s4 =	sadd.s32 s5, s16  }
0xc: {  	s5 =	sshrl.u32 s5, $0x3;
	s11 =	ssub.s32 s7, s8;
	s7 =	sadd.s32 s18, s2  }
0xd: {  	s20 =	sshll.u32 s19, $0x6;
	s23 =	sshll.u32 s22, $0x6;
	s25 =	sshll.u32 s24, $0x6  }
0xe: {  	s26 =	sshll.u32 s24, $0x7;
	s16 =	simm.s32 $0x5000;
	s18 =	simm.s32 $0x9  }
0xf: {  	s24 =	simm.s32 $0xBF40;
	s4 =	sshrl.u32 s4, $0x3;
	s17 =	sadd.s32 s6, s5  }
0x10: {  	s8 =	sadd.s32 s20, s2;
	s9 =	sadd.s32 s23, s2;
	s10 =	sadd.s32 s25, s2  }
0x11: {  	s5 =	sshll.u32 s19, $0x7;
	s15 =	smax.u32 s11, $0x1;
	s19 =	simm.s32 $0x1  }
0x12: {  	s20 =	simm.s32 $0x2;
	s23 =	simm.s32 $0x80;
	s25 =	simm.s32 $0x8  }
0x13: {  	s4 =	sadd.s32 s6, s4;
	s6 =	sor.u32 s3, s21;
	s5 =	sor.u32 s3, s5  }
0x14: {  	s21 =	simm.s32 $0x7D;
	[dreg:$0x4] =	wrdreg s4;
	s4 =	sadd.s32 $0x14000, s17  }
0x15: {  	s6 =	sshrl.u32 s6, $0x3;
	s5 =	sshrl.u32 s5, $0x3;
	s17 =	simm.s32 $0x11D00  }
0x16: {  	[dreg:$0x5] =	wrdreg s4;
	s6 =	sadd.s32 s0, s6;
	s4 =	sshll.u32 s22, $0x7  }
0x17: {  	s5 =	sadd.s32 s0, s5;
	s22 =	simm.s32 $0xA000;
	[dreg:$0x6] =	wrdreg s6  }
0x18: {  	s4 =	sor.u32 s3, s4;
	s3 =	sor.u32 s3, s26;
	[dreg:$0x7] =	wrdreg s5  }
0x19: {  	s26 =	simm.s32 $0xDE80;
	s4 =	sshrl.u32 s4, $0x3;
	s3 =	sshrl.u32 s3, $0x3  }
0x1a: {  	s5 =	simm.s32 $0x0;
	s13 =	sadd.s32 s0, s4;
	s14 =	sadd.s32 s0, s3  }
0x1b: {  	v0 =	vimm.f32 $0.0e+00;
	s3 =	simm.s32 $0x4;
	s0 =	simm.s32 $0x7;
	s4 =	simm.s32 $0x40  }
.LBB2_1:
0x1c: {  	s6 =	simm.s32 $0x0;
	s11 =	rddreg [dreg:$0x4]  }
0x1d: {  	[tilespmem:s6], [sflag:$0x1] =	stream.linear.gather [hbm4b:s11+s6], $0x5000, $0x38;
	[tilespmem:$0x1EB40] =	vst v63  }
0x1e: {  	s12 =	rddreg [dreg:$0x5]  }
0x1f: {  	[tilespmem:s16], [sflag:$0x2] =	stream.linear.gather [hbm4b:s12+s6], $0x5000, $0x38;
	[tilespmem:$0x1EB40] =	vst v63  }
0x20: {  	s11 =	simm.s32 $0x100;
	s6 =	simm.s32 $0x0  }
.LBB2_2:
0x21: {  	p0 =	sne.s32 s11, $0xC700;
	[tilespmem:s6+$0x11D30] =	vst v0;
	s12 =	smov.u32 s11;
	s11 =	sadd.s32 $0x100, s11  }
.Ltmp0:
0x22: {  	[tilespmem:s6+$0x11D20] =	vst v0;
	(pc) =	sbr.rel @p0 .LBB2_2-.Ltmp0, $3  }
0x23: {  	[tilespmem:s6+$0x11D00] =	vst v0  }
0x24: {  	[tilespmem:s6+$0x11D10] =	vst v0;
	_ =	sdelay $0x1  }
0x25: {  	s6 =	sshra.s32 s12, $0x2  }
0x26: {  	[tilespmem:s6+$0x11D30] =	vst v0  }
0x27: {  	[tilespmem:s6+$0x11D20] =	vst v0  }
0x28: {  	[tilespmem:s6+$0x11D00] =	vst v0  }
0x29: {  	[tilespmem:s6+$0x11D10] =	vst v0  }
0x2a: {  	[spmem:s7] =	stream.linear.scatter [tilespmem:s17], [sflag:$0x9], $0x3200, $0x38;
	[tilespmem:$0x1EB40] =	vst v63  }
0x2b: {  	_ =	swait.ge [sflag:s18], $0x3200  }
0x2c: {  	[sflag:s18] =	ssyncset.done $0x0  }
0x2d: {  	[sflag:s18] =	ssyncadd.s32 $0xFFFFCE00  }
0x2e: {  	[spmem:s8] =	stream.linear.scatter [tilespmem:s17], [sflag:$0x9], $0x3200, $0x38;
	[tilespmem:$0x1EB40] =	vst v63  }
0x2f: {  	_ =	swait.ge [sflag:s18], $0x3200  }
0x30: {  	[sflag:s18] =	ssyncset.done $0x0  }
0x31: {  	[sflag:s18] =	ssyncadd.s32 $0xFFFFCE00  }
0x32: {  	[spmem:s9] =	stream.linear.scatter [tilespmem:s17], [sflag:$0x9], $0x3200, $0x38;
	[tilespmem:$0x1EB40] =	vst v63  }
0x33: {  	_ =	swait.ge [sflag:s18], $0x3200  }
0x34: {  	[sflag:s18] =	ssyncset.done $0x0  }
0x35: {  	[sflag:s18] =	ssyncadd.s32 $0xFFFFCE00  }
0x36: {  	[spmem:s10] =	stream.linear.scatter [tilespmem:s17], [sflag:$0x9], $0x640, $0x38;
	[tilespmem:$0x1EB40] =	vst v63  }
0x37: {  	_ =	swait.ge [sflag:s18], $0x640  }
0x38: {  	[sflag:s18] =	ssyncset.done $0x0  }
0x39: {  	[sflag:s18] =	ssyncadd.s32 $0xFFFFF9C0  }
0x3a: {  	_ =	swait.ge [sflag:s19], $0x5000  }
0x3b: {  	[sflag:s19] =	ssyncset.done $0x0  }
0x3c: {  	[sflag:s19] =	ssyncadd.s32 $0xFFFFB000  }
0x3d: {  	_ =	swait.ge [sflag:s20], $0x5000  }
0x3e: {  	[sflag:s20] =	ssyncset.done $0x0  }
0x3f: {  	[sflag:s20] =	ssyncadd.s32 $0xFFFFB000  }
0x40: {  	s12 =	simm.s32 $0x0;
	[bflag:$0x0] =	sbarrier.arrive $0xFFFF  }
0x41: {  	[tilespmem:s22], [sflag:$0x1] =	stream.indirect.gather [hbm4b:s1+s21], $0x40, s12, s21, $0xb8;
	[tilespmem:$0x1EB40] =	vst v63  }
0x42: {  	_ = 	snop  }
0x43: {  	[tilespmem:s24], [sflag:$0x2] =	stream.indirect.gather [hbm4b:s1+s21], $0x40, s23, s21, $0xb8;
	[tilespmem:$0x1EB40] =	vst v63  }
0x44: {  	s11 =	simm.s32 $0x100  }
0x45: {  	[tilespmem:s26], [sflag:$0x3] =	stream.indirect.gather [hbm4b:s1+s21], $0x40, s11, s21, $0xb8;
	[tilespmem:$0x1EB40] =	vst v63  }
0x46: {  	s12 =	simm.s32 $0x180  }
0x47: {  	[tilespmem:s29], [sflag:$0x4] =	stream.indirect.gather [hbm4b:s1+s21], $0x40, s12, s21, $0xb8;
	[tilespmem:$0x1EB40] =	vst v63  }
0x48: {  	_ =	swait.ge [sflag:s19], $0x1F40  }
0x49: {  	[sflag:s19] =	ssyncset.done $0x0  }
0x4a: {  	[sflag:s19] =	ssyncadd.s32 $0xFFFFE0C0  }
0x4b: {  	[spmem:s2] =	stream.indirect.scatter.add.f32 [tilespmem:s22], [sflag:$0x5], $0x40, s16, s21, $0xb8;
	[tilespmem:$0x1EB40] =	vst v63  }
0x4c: {  	_ =	swait.ge [sflag:s20], $0x1F40  }
0x4d: {  	[sflag:s20] =	ssyncset.done $0x0  }
0x4e: {  	s11 =	simm.s32 $0x5080;
	[sflag:s20] =	ssyncadd.s32 $0xFFFFE0C0  }
0x4f: {  	[spmem:s2] =	stream.indirect.scatter.add.f32 [tilespmem:s24], [sflag:$0x6], $0x40, s11, s21, $0xb8;
	[tilespmem:$0x1EB40] =	vst v63  }
0x50: {  	_ =	swait.ge [sflag:s31], $0x1F40  }
0x51: {  	[sflag:s31] =	ssyncset.done $0x0  }
0x52: {  	s12 =	simm.s32 $0x5100;
	[sflag:s31] =	ssyncadd.s32 $0xFFFFE0C0  }
0x53: {  	[spmem:s2] =	stream.indirect.scatter.add.f32 [tilespmem:s26], [sflag:$0x7], $0x40, s12, s21, $0xb8;
	[tilespmem:$0x1EB40] =	vst v63  }
0x54: {  	_ =	swait.ge [sflag:s3], $0x1F40  }
0x55: {  	[sflag:s3] =	ssyncset.done $0x0  }
0x56: {  	s11 =	simm.s32 $0x5180;
	[sflag:s3] =	ssyncadd.s32 $0xFFFFE0C0  }
0x57: {  	[spmem:s2] =	stream.indirect.scatter.add.f32 [tilespmem:s29], [sflag:$0x8], $0x40, s11, s21, $0xb8;
	[tilespmem:$0x1EB40] =	vst v63  }
0x58: {  	_ =	swait.ge [sflag:s28], $0x1F40  }
0x59: {  	[sflag:s28] =	ssyncset.done $0x0  }
0x5a: {  	s12 =	simm.s32 $0x200;
	[sflag:s28] =	ssyncadd.s32 $0xFFFFE0C0  }
0x5b: {  	[tilespmem:s22], [sflag:$0x1] =	stream.indirect.gather [hbm4b:s1+s21], $0x40, s12, s21, $0xb8;
	[tilespmem:$0x1EB40] =	vst v63  }
0x5c: {  	_ =	swait.ge [sflag:s30], $0x1F40  }
0x5d: {  	[sflag:s30] =	ssyncset.done $0x0  }
0x5e: {  	s11 =	simm.s32 $0x280;
	[sflag:s30] =	ssyncadd.s32 $0xFFFFE0C0  }
0x5f: {  	[tilespmem:s24], [sflag:$0x2] =	stream.indirect.gather [hbm4b:s1+s21], $0x40, s11, s21, $0xb8;
	[tilespmem:$0x1EB40] =	vst v63  }
0x60: {  	_ =	swait.ge [sflag:s0], $0x1F40  }
0x61: {  	[sflag:s0] =	ssyncset.done $0x0  }
0x62: {  	s12 =	simm.s32 $0x300;
	[sflag:s0] =	ssyncadd.s32 $0xFFFFE0C0  }
0x63: {  	[tilespmem:s26], [sflag:$0x3] =	stream.indirect.gather [hbm4b:s1+s21], $0x40, s12, s21, $0xb8;
	[tilespmem:$0x1EB40] =	vst v63  }
0x64: {  	_ =	swait.ge [sflag:s25], $0x1F40  }
0x65: {  	[sflag:s25] =	ssyncset.done $0x0  }
0x66: {  	s11 =	simm.s32 $0x380;
	[sflag:s25] =	ssyncadd.s32 $0xFFFFE0C0  }
0x67: {  	[tilespmem:s29], [sflag:$0x4] =	stream.indirect.gather [hbm4b:s1+s21], $0x40, s11, s21, $0xb8;
	[tilespmem:$0x1EB40] =	vst v63  }
0x68: {  	_ =	swait.ge [sflag:s19], $0x1F40  }
0x69: {  	[sflag:s19] =	ssyncset.done $0x0  }
0x6a: {  	s12 =	simm.s32 $0x5200;
	[sflag:s19] =	ssyncadd.s32 $0xFFFFE0C0  }
0x6b: {  	[spmem:s2] =	stream.indirect.scatter.add.f32 [tilespmem:s22], [sflag:$0x5], $0x40, s12, s21, $0xb8;
	[tilespmem:$0x1EB40] =	vst v63  }
0x6c: {  	_ =	swait.ge [sflag:s20], $0x1F40  }
0x6d: {  	[sflag:s20] =	ssyncset.done $0x0  }
0x6e: {  	s11 =	simm.s32 $0x5280;
	[sflag:s20] =	ssyncadd.s32 $0xFFFFE0C0  }
0x6f: {  	[spmem:s2] =	stream.indirect.scatter.add.f32 [tilespmem:s24], [sflag:$0x6], $0x40, s11, s21, $0xb8;
	[tilespmem:$0x1EB40] =	vst v63  }
0x70: {  	_ =	swait.ge [sflag:s31], $0x1F40  }
0x71: {  	[sflag:s31] =	ssyncset.done $0x0  }
0x72: {  	s12 =	simm.s32 $0x5300;
	[sflag:s31] =	ssyncadd.s32 $0xFFFFE0C0  }
0x73: {  	[spmem:s2] =	stream.indirect.scatter.add.f32 [tilespmem:s26], [sflag:$0x7], $0x40, s12, s21, $0xb8;
	[tilespmem:$0x1EB40] =	vst v63  }
0x74: {  	_ =	swait.ge [sflag:s3], $0x1F40  }
0x75: {  	[sflag:s3] =	ssyncset.done $0x0  }
0x76: {  	s6 =	simm.s32 $0x800;
	s11 =	simm.s32 $0x5380;
	[sflag:s3] =	ssyncadd.s32 $0xFFFFE0C0  }
.LBB2_4:
0x77: {  	[spmem:s2] =	stream.indirect.scatter.add.f32 [tilespmem:s29], [sflag:$0x8], $0x40, s11, s21, $0xb8;
	[tilespmem:$0x1EB40] =	vst v63  }
0x78: {  	s11 =	smov.u32 s6  }
0x79: {  	p0 =	sne.s32 s6, $0x13000;
	s6 =	sadd.s32 $0x800, s6;
	_ =	swait.ge [sflag:s28], $0x1F40  }
0x7a: {  	s11 =	sshra.s32 s11, $0x2;
	[sflag:s28] =	ssyncset.done $0x0  }
0x7b: {  	s12 =	sadd.s32 $0x200, s11;
	[sflag:s28] =	ssyncadd.s32 $0xFFFFE0C0  }
0x7c: {  	[tilespmem:s22], [sflag:$0x1] =	stream.indirect.gather [hbm4b:s1+s21], $0x40, s12, s21, $0xb8;
	[tilespmem:$0x1EB40] =	vst v63  }
0x7d: {  	_ =	swait.ge [sflag:s30], $0x1F40  }
0x7e: {  	[sflag:s30] =	ssyncset.done $0x0  }
0x7f: {  	s12 =	sadd.s32 $0x280, s11;
	[sflag:s30] =	ssyncadd.s32 $0xFFFFE0C0  }
0x80: {  	[tilespmem:s24], [sflag:$0x2] =	stream.indirect.gather [hbm4b:s1+s21], $0x40, s12, s21, $0xb8;
	[tilespmem:$0x1EB40] =	vst v63  }
0x81: {  	_ =	swait.ge [sflag:s0], $0x1F40  }
0x82: {  	[sflag:s0] =	ssyncset.done $0x0  }
0x83: {  	s12 =	sadd.s32 $0x300, s11;
	[sflag:s0] =	ssyncadd.s32 $0xFFFFE0C0  }
0x84: {  	[tilespmem:s26], [sflag:$0x3] =	stream.indirect.gather [hbm4b:s1+s21], $0x40, s12, s21, $0xb8;
	[tilespmem:$0x1EB40] =	vst v63  }
0x85: {  	_ =	swait.ge [sflag:s25], $0x1F40  }
0x86: {  	[sflag:s25] =	ssyncset.done $0x0  }
0x87: {  	s12 =	sadd.s32 $0x380, s11;
	[sflag:s25] =	ssyncadd.s32 $0xFFFFE0C0  }
0x88: {  	[tilespmem:s29], [sflag:$0x4] =	stream.indirect.gather [hbm4b:s1+s21], $0x40, s12, s21, $0xb8;
	[tilespmem:$0x1EB40] =	vst v63  }
0x89: {  	_ =	swait.ge [sflag:s19], $0x1F40  }
0x8a: {  	[sflag:s19] =	ssyncset.done $0x0  }
0x8b: {  	s12 =	sadd.s32 $0x5200, s11;
	[sflag:s19] =	ssyncadd.s32 $0xFFFFE0C0  }
0x8c: {  	[spmem:s2] =	stream.indirect.scatter.add.f32 [tilespmem:s22], [sflag:$0x5], $0x40, s12, s21, $0xb8;
	[tilespmem:$0x1EB40] =	vst v63  }
0x8d: {  	_ =	swait.ge [sflag:s20], $0x1F40  }
0x8e: {  	[sflag:s20] =	ssyncset.done $0x0  }
0x8f: {  	s12 =	sadd.s32 $0x5280, s11;
	[sflag:s20] =	ssyncadd.s32 $0xFFFFE0C0  }
0x90: {  	[spmem:s2] =	stream.indirect.scatter.add.f32 [tilespmem:s24], [sflag:$0x6], $0x40, s12, s21, $0xb8;
	[tilespmem:$0x1EB40] =	vst v63  }
0x91: {  	_ =	swait.ge [sflag:s31], $0x1F40  }
0x92: {  	[sflag:s31] =	ssyncset.done $0x0  }
.Ltmp1:
0x93: {  	s12 =	sadd.s32 $0x5300, s11;
	[sflag:s31] =	ssyncadd.s32 $0xFFFFE0C0;
	(pc) =	sbr.rel @p0 .LBB2_4-.Ltmp1, $4  }
0x94: {  	[spmem:s2] =	stream.indirect.scatter.add.f32 [tilespmem:s26], [sflag:$0x7], $0x40, s12, s21, $0xb8;
	[tilespmem:$0x1EB40] =	vst v63  }
0x95: {  	_ =	swait.ge [sflag:s3], $0x1F40  }
0x96: {  	[sflag:s3] =	ssyncset.done $0x0  }
0x97: {  	s11 =	sadd.s32 $0x5380, s11;
	[sflag:s3] =	ssyncadd.s32 $0xFFFFE0C0  }
0x98: {  	[spmem:s2] =	stream.indirect.scatter.add.f32 [tilespmem:s29], [sflag:$0x8], $0x40, s11, s21, $0xb8;
	[tilespmem:$0x1EB40] =	vst v63  }
0x99: {  	_ =	swait.ge [sflag:s28], $0x1F40  }
0x9a: {  	[sflag:s28] =	ssyncset.done $0x0  }
0x9b: {  	[sflag:s28] =	ssyncadd.s32 $0xFFFFE0C0  }
0x9c: {  	_ =	swait.ge [sflag:s30], $0x1F40  }
0x9d: {  	[sflag:s30] =	ssyncset.done $0x0  }
0x9e: {  	[sflag:s30] =	ssyncadd.s32 $0xFFFFE0C0  }
0x9f: {  	_ =	swait.ge [sflag:s0], $0x1F40  }
0xa0: {  	[sflag:s0] =	ssyncset.done $0x0  }
0xa1: {  	[sflag:s0] =	ssyncadd.s32 $0xFFFFE0C0  }
0xa2: {  	_ =	swait.ge [sflag:s25], $0x1F40  }
0xa3: {  	[sflag:s25] =	ssyncset.done $0x0  }
0xa4: {  	[sflag:s25] =	ssyncadd.s32 $0xFFFFE0C0  }
0xa5: {  	[bflag:$0x0] =	sbarrier.arrive $0xFFFF  }
0xa6: {  	[tilespmem:s17], [sflag:$0x9] =	stream.linear.gather [spmem:s7], $0x3200, $0x38;
	[tilespmem:$0x1EB40] =	vst v63  }
0xa7: {  	_ =	swait.ge [sflag:s18], $0x3200  }
0xa8: {  	[sflag:s18] =	ssyncset.done $0x0  }
0xa9: {  	s6 =	rddreg [dreg:$0x6];
	[sflag:s18] =	ssyncadd.s32 $0xFFFFCE00  }
0xaa: {  	[hbm4b:s6+s4] =	stream.strided.scatter [tilespmem:s17], [sflag:$0x9], $0x3200, s23, s4, $0x38;
	[tilespmem:$0x1EB40] =	vst v63  }
0xab: {  	_ =	swait.ge [sflag:s18], $0x3200  }
0xac: {  	[sflag:s18] =	ssyncset.done $0x0  }
0xad: {  	[sflag:s18] =	ssyncadd.s32 $0xFFFFCE00  }
0xae: {  	[tilespmem:s17], [sflag:$0x9] =	stream.linear.gather [spmem:s8], $0x3200, $0x38;
	[tilespmem:$0x1EB40] =	vst v63  }
0xaf: {  	_ =	swait.ge [sflag:s18], $0x3200  }
0xb0: {  	[sflag:s18] =	ssyncset.done $0x0  }
0xb1: {  	s12 =	rddreg [dreg:$0x7];
	[sflag:s18] =	ssyncadd.s32 $0xFFFFCE00  }
0xb2: {  	[hbm4b:s12+s4] =	stream.strided.scatter [tilespmem:s17], [sflag:$0x9], $0x3200, s23, s4, $0x38;
	[tilespmem:$0x1EB40] =	vst v63  }
0xb3: {  	_ =	swait.ge [sflag:s18], $0x3200  }
0xb4: {  	[sflag:s18] =	ssyncset.done $0x0  }
0xb5: {  	[sflag:s18] =	ssyncadd.s32 $0xFFFFCE00  }
0xb6: {  	[tilespmem:s17], [sflag:$0x9] =	stream.linear.gather [spmem:s9], $0x3200, $0x38;
	[tilespmem:$0x1EB40] =	vst v63  }
0xb7: {  	_ =	swait.ge [sflag:s18], $0x3200  }
0xb8: {  	[sflag:s18] =	ssyncset.done $0x0  }
0xb9: {  	[sflag:s18] =	ssyncadd.s32 $0xFFFFCE00  }
0xba: {  	[hbm4b:s13+s4] =	stream.strided.scatter [tilespmem:s17], [sflag:$0x9], $0x3200, s23, s4, $0x38;
	[tilespmem:$0x1EB40] =	vst v63  }
0xbb: {  	_ =	swait.ge [sflag:s18], $0x3200  }
0xbc: {  	[sflag:s18] =	ssyncset.done $0x0  }
0xbd: {  	[sflag:s18] =	ssyncadd.s32 $0xFFFFCE00  }
0xbe: {  	[tilespmem:s17], [sflag:$0x9] =	stream.linear.gather [spmem:s10], $0x640, $0x38;
	[tilespmem:$0x1EB40] =	vst v63  }
0xbf: {  	s5 =	sadd.s32 $0x1, s5;
	_ =	swait.ge [sflag:s18], $0x640  }
0xc0: {  	p0 =	sne.s32 s5, s15;
	[sflag:s18] =	ssyncset.done $0x0  }
.Ltmp2:
0xc1: {  	[sflag:s18] =	ssyncadd.s32 $0xFFFFF9C0;
	(pc) =	sbr.rel @p0 .LBB2_1-.Ltmp2, $4  }
0xc2: {  	[hbm4b:s14+s4] =	stream.strided.scatter [tilespmem:s17], [sflag:$0x9], $0x640, s23, s4, $0x38;
	[tilespmem:$0x1EB40] =	vst v63  }
0xc3: {  	_ =	swait.ge [sflag:s18], $0x640  }
0xc4: {  	[sflag:s18] =	ssyncset.done $0x0  }
0xc5: {  	[sflag:s18] =	ssyncadd.s32 $0xFFFFF9C0  }
0xc6: {  	_ =	sfence.sel $0x180000  }
0xc7: {  	[bflag:$0x0] =	sbarrier.arrive $0xFFFF  }
0xc8: {  	_ =	strace $0x9000004A  }
0xc9: {  	s0 =	stileid.u32;
	[bflag:$0x2] =	sbarrier.arrive $0xFFFF  }
0xca: {  	p0 =	sne.s32 s0, $0x0;
	s0 =	rddreg [dreg:$0x3]  }
0xcb: {  	s0 =	sadd.s32 @!p0 $0x100000, s0  }
0xcc: {  	[sflag:s0] =	ssyncadd.tile.s32 @!p0 $0x1;
	_ =	shalt  }
.Lfunc_end2:
_tile_overlayer_lowered:
.L_overlay_start_2:
0xcd: {  	(tag) =	ssettag $0x2  }
0xce: {  	s0 =	rddreg [dreg:$0x0];
	s2 =	stileid.u32  }
0xcf: {  	s1 =	rddreg [dreg:$0x1];
	p0 =	sne.s32 s2, $0x0  }
0xd0: {  	s3 =	rddreg [dreg:$0x2];
	[bflag:$0x3] =	sbarrier.arrive $0xFFFF;
	s2 =	simm.s32 @!p0 $0x1C09  }
0xd1: {  	[timem:s3], [sflag:s2] =	dma.local @!p0 [hbm:s0], s1  }
0xd2: {  	s0 =	simm.s32 @!p0 $0x9  }
0xd3: {  	_ =	swait.ge @!p0 [sflag:s0], s1  }
0xd4: {  	s1 =	ssub.s32 @!p0 $0x0, s1;
	[sflag:s0] =	ssyncset.done @!p0 $0x0  }
0xd5: {  	[sflag:s0] =	ssyncadd.s32 @!p0 s1  }
0xd6: {  	[bflag:$0x3] =	sbarrier.arrive $0xFFFF  }
0xd7: {  	_ =	shalt  }

</sc_bundles>
